<compile_context>
chip_gen: v7x
topology: tpu7x:2x2x1
jax: 0.10.2.dev20260603
libtpu: 0.0.44.dev20260713+nightly
codegen_flags: <defaults>
</compile_context>

<pallas_src>
import functools

import jax
import jax.numpy as jnp
from jax import lax
from jax.experimental import pallas as pl
from jax.experimental.pallas import tpu as pltpu
from jax.experimental.pallas import tpu_sc as plsc

B, T, D = 4, 8192, 1024
NUM_PATTERN = 8
PATTERN_LEN = T // 4 // NUM_PATTERN
HALF = PATTERN_LEN // 2
N_COMP = NUM_PATTERN * PATTERN_LEN * D
EPS = 1e-8

L = 16
NSHARD = 8
SH = T // NSHARD
NCHUNK = SH // L
WIN = 272


def _row_stats(x):
    TTA = 4096

    def body(x_ref, rs_ref, rsq_ref):
        xb = x_ref[0]
        rs_ref[...] = jnp.sum(xb, axis=1)
        rsq_ref[...] = jnp.sum(xb * xb, axis=1)

    return pl.pallas_call(
        body,
        grid=(B, T // TTA),
        in_specs=[pl.BlockSpec((1, TTA, D), lambda b, i: (b, i, 0))],
        out_specs=[
            pl.BlockSpec((TTA,), lambda b, i: (b * (T // TTA) + i,)),
            pl.BlockSpec((TTA,), lambda b, i: (b * (T // TTA) + i,)),
        ],
        out_shape=[
            jax.ShapeDtypeStruct((B * T,), jnp.float32),
            jax.ShapeDtypeStruct((B * T,), jnp.float32),
        ],
        compiler_params=pltpu.CompilerParams(
            dimension_semantics=("parallel", "parallel"),
            vmem_limit_bytes=100 * 1024 * 1024),
    )(x)


def _sc_stage(rs_flat, rsq_flat):
    mesh = plsc.VectorSubcoreMesh(core_axis_name="c", subcore_axis_name="s")

    @functools.partial(
        pl.kernel,
        mesh=mesh,
        out_type=[
            jax.ShapeDtypeStruct((B, L), jnp.float32),
            jax.ShapeDtypeStruct((B * T,), jnp.float32),
        ],
        scratch_types=[
            pltpu.VMEM((SH + 2 * L,), jnp.float32),
            pltpu.VMEM((SH,), jnp.float32),
            pltpu.VMEM((WIN,), jnp.float32),
            pltpu.VMEM((WIN,), jnp.float32),
            pltpu.VMEM((L,), jnp.float32),
            pltpu.VMEM((L,), jnp.int32),
            pltpu.VMEM((NSHARD * L,), jnp.float32),
            pltpu.VMEM((NSHARD * L,), jnp.int32),
            pltpu.VMEM((NSHARD * L,), jnp.float32),
            pltpu.VMEM_SHARED((16 * L,), jnp.float32),
            pltpu.VMEM_SHARED((16 * L,), jnp.int32),
            pltpu.VMEM_SHARED((2 * L,), jnp.int32),
            pltpu.VMEM_SHARED((16 * L,), jnp.float32),
            pltpu.VMEM_SHARED((16 * L,), jnp.float32),
        ],
        compiler_params=pltpu.CompilerParams(needs_layout_passes=False),
    )
    def sc_kernel(rs_hbm, rsq_hbm, stats_hbm, mask_hbm,
                  halo_v, xp_v, wbuf1, wbuf2, stg_f, stg_i,
                  mv, mi, mv2, shv, shi, shp, shw1, shw2):
        c = lax.axis_index("c")
        s = lax.axis_index("s")
        b = c * 2 + s // NSHARD
        shard = s % NSHARD
        t0 = shard * SH
        base = b * T + t0
        lanes = lax.iota(jnp.int32, L)
        neg_inf = jnp.float32(-jnp.inf)
        big_i = jnp.int32(2**30)

        halo_v[pl.ds(0, L)] = jnp.full((L,), neg_inf, jnp.float32)
        halo_v[pl.ds(SH + L, L)] = jnp.full((L,), neg_inf, jnp.float32)
        pltpu.sync_copy(rs_hbm.at[pl.ds(base, SH)], halo_v.at[pl.ds(L, SH)])

        @pl.when(shard > 0)
        def _():
            pltpu.sync_copy(rs_hbm.at[pl.ds(base - L, L)],
                            halo_v.at[pl.ds(0, L)])

        @pl.when(shard < NSHARD - 1)
        def _():
            pltpu.sync_copy(rs_hbm.at[pl.ds(base + SH, L)],
                            halo_v.at[pl.ds(SH + L, L)])

        def peak_body(cb, carry):
            m, mi_ = carry
            pos = cb * L + lanes
            ctr = plsc.load_gather(halo_v, [pos + L])
            lft = plsc.load_gather(halo_v, [pos + (L - 1)])
            rgt = plsc.load_gather(halo_v, [pos + (L + 1)])
            xp = jnp.where((ctr >= lft) & (ctr >= rgt), ctr, jnp.float32(0.0))
            plsc.store_scatter(xp_v, [pos], xp)
            gi = t0 + pos
            upd = (xp > m) | ((xp == m) & (gi < mi_))
            return jnp.where(upd, xp, m), jnp.where(upd, gi, mi_)

        m, mi_ = lax.fori_loop(
            0, NCHUNK, peak_body,
            (jnp.full((L,), neg_inf, jnp.float32),
             jnp.full((L,), big_i, jnp.int32)))

        topv = jnp.full((L,), neg_inf, jnp.float32)
        topi = jnp.zeros((L,), jnp.int32)
        for k in range(NUM_PATTERN):
            maxv = jnp.max(m)
            gidx = jnp.min(jnp.where(m == maxv, mi_, big_i))
            topv = jnp.where(lanes == k, maxv, topv)
            topi = jnp.where(lanes == k, gidx, topi)
            plsc.store_scatter(xp_v, [jnp.zeros((L,), jnp.int32) + (gidx - t0)],
                               jnp.full((L,), neg_inf, jnp.float32),
                               mask=lanes == 0)
            if k == NUM_PATTERN - 1:
                break
            lstar = (gidx - t0) & (L - 1)
            mm = jnp.full((L,), neg_inf, jnp.float32)
            mii = jnp.full((L,), big_i, jnp.int32)
            for j in range(NCHUNK // L):
                pos = (j * L + lanes) * L + lstar
                v = plsc.load_gather(xp_v, [pos])
                gi = t0 + pos
                upd = (v > mm) | ((v == mm) & (gi < mii))
                mm = jnp.where(upd, v, mm)
                mii = jnp.where(upd, gi, mii)
            maxv_l = jnp.max(mm)
            gidx_l = jnp.min(jnp.where(mm == maxv_l, mii, big_i))
            m = jnp.where(lanes == lstar, maxv_l, m)
            mi_ = jnp.where(lanes == lstar, gidx_l, mi_)

        stg_f[...] = topv
        stg_i[...] = topi
        pltpu.sync_copy(stg_f, shv.at[pl.ds(s * L, L)])
        pltpu.sync_copy(stg_i, shi.at[pl.ds(s * L, L)])
        plsc.subcore_barrier()

        @pl.when(shard == 0)
        def _():
            pltpu.sync_copy(shv.at[pl.ds((s // NSHARD) * NSHARD * L, NSHARD * L)], mv)
            pltpu.sync_copy(shi.at[pl.ds((s // NSHARD) * NSHARD * L, NSHARD * L)], mi)

            gtopi = jnp.zeros((L,), jnp.int32)
            for k in range(NUM_PATTERN):
                def mrg_body(cb, carry):
                    m, mi_ = carry
                    pos = cb * L + lanes
                    v = plsc.load_gather(mv, [pos])
                    gi = plsc.load_gather(mi, [pos])
                    upd = (v > m) | ((v == m) & (gi < mi_))
                    return jnp.where(upd, v, m), jnp.where(upd, gi, mi_)

                m, mi_ = lax.fori_loop(
                    0, NSHARD, mrg_body,
                    (jnp.full((L,), neg_inf, jnp.float32),
                     jnp.full((L,), big_i, jnp.int32)))
                maxv = jnp.max(m)
                gidx = jnp.min(jnp.where(m == maxv, mi_, big_i))
                gtopi = jnp.where(lanes == k, gidx, gtopi)

                def clr_body(cb, carry):
                    pos = cb * L + lanes
                    v = plsc.load_gather(mv, [pos])
                    gi = plsc.load_gather(mi, [pos])
                    hit = (v == maxv) & (gi == gidx)
                    plsc.store_scatter(mv, [pos],
                                       jnp.full((L,), neg_inf, jnp.float32),
                                       mask=hit)
                    return carry

                lax.fori_loop(0, NSHARD, clr_body, 0)

            stg_i[...] = gtopi
            pltpu.sync_copy(stg_i, shp.at[pl.ds((s // NSHARD) * L, L)])

        plsc.subcore_barrier()
        pltpu.sync_copy(shp.at[pl.ds((s // NSHARD) * L, L)], stg_i)
        pks = stg_i[...]
        los = []
        lens = []
        for k in range(NUM_PATTERN):
            pk = jnp.max(jnp.where(lanes == k, pks, jnp.int32(-2**31 + 1)))
            lo = jnp.maximum(pk - HALF, 0)
            hi = jnp.minimum(pk + (PATTERN_LEN - 1 - HALF), T - 1)
            los.append(lo)
            lens.append((hi - lo + 1).astype(jnp.uint32))

        pk_mine = jnp.max(jnp.where(lanes == shard, pks,
                                    jnp.int32(-2**31 + 1)))
        start = jnp.minimum(
            jnp.bitwise_and(jnp.maximum(pk_mine - HALF, 0), jnp.int32(-8)),
            jnp.int32(T - WIN))
        woff = pl.multiple_of(b * T + start, 8)
        pltpu.sync_copy(rs_hbm.at[pl.ds(woff, WIN)], wbuf1)
        pltpu.sync_copy(rsq_hbm.at[pl.ds(woff, WIN)], wbuf2)

        def win_body(jc, carry):
            a1, a2 = carry
            idxv = jnp.clip(pk_mine - HALF + jc * L + lanes, 0, T - 1) - start
            a1 = a1 + plsc.load_gather(wbuf1, [idxv])
            a2 = a2 + plsc.load_gather(wbuf2, [idxv])
            return a1, a2

        acc1, acc2 = lax.fori_loop(
            0, PATTERN_LEN // L, win_body,
            (jnp.zeros((L,), jnp.float32), jnp.zeros((L,), jnp.float32)))
        stg_f[...] = acc1
        pltpu.sync_copy(stg_f, shw1.at[pl.ds(s * L, L)])
        stg_f[...] = acc2
        pltpu.sync_copy(stg_f, shw2.at[pl.ds(s * L, L)])
        plsc.subcore_barrier()

        @pl.when(shard == 0)
        def _():
            base_row = (s // NSHARD) * NSHARD * L
            pltpu.sync_copy(shw1.at[pl.ds(base_row, NSHARD * L)], mv)
            pltpu.sync_copy(shw2.at[pl.ds(base_row, NSHARD * L)], mv2)

            def red_body(cb, carry):
                a1, a2 = carry
                pos = cb * L + lanes
                a1 = a1 + plsc.load_gather(mv, [pos])
                a2 = a2 + plsc.load_gather(mv2, [pos])
                return a1, a2

            a1, a2 = lax.fori_loop(
                0, NSHARD, red_body,
                (jnp.zeros((L,), jnp.float32), jnp.zeros((L,), jnp.float32)))
            s1 = jnp.sum(a1)
            s2 = jnp.sum(a2)
            stg_f[...] = jnp.where(lanes == 0, s1,
                                   jnp.where(lanes == 1, s2,
                                             jnp.float32(0.0)))
            pltpu.sync_copy(stg_f, stats_hbm.at[b])

        def mask_body(cb, carry):
            pos = cb * L + lanes
            t = t0 + pos
            inb = (t - los[0]).astype(jnp.uint32) < lens[0]
            for k in range(1, NUM_PATTERN):
                inb = inb | ((t - los[k]).astype(jnp.uint32) < lens[k])
            plsc.store_scatter(
                xp_v, [pos],
                jnp.where(inb, jnp.float32(1.0), jnp.float32(0.0)))
            return carry

        lax.fori_loop(0, NCHUNK, mask_body, 0)
        pltpu.sync_copy(xp_v, mask_hbm.at[pl.ds(base, SH)])

    return sc_kernel(rs_flat, rsq_flat)


def _normalize(x, gamma2, beta2, stats, mask01):
    TTB = 2048

    def body(stats_ref, x_ref, m_ref, g_ref, bt_ref, y_ref):
        b = pl.program_id(0)
        s1 = stats_ref[b, 0]
        s2 = stats_ref[b, 1]
        n = jnp.float32(N_COMP)
        cmean = s1 / n
        var = (s2 - s1 * s1 / n) / jnp.float32(N_COMP - 1)
        inv = 1.0 / (jnp.sqrt(var) + jnp.float32(EPS))
        scale = g_ref[...] * inv
        bias = bt_ref[...] - cmean * scale
        c_in = jax.nn.sigmoid(jnp.float32(2.0))
        c_out = jax.nn.sigmoid(jnp.float32(-3.0))
        mcol = m_ref[...].reshape(TTB, 1)
        m = c_out + mcol * (c_in - c_out)
        xb = x_ref[0]
        y_ref[0] = (xb * scale + bias) * m

    return pl.pallas_call(
        body,
        grid=(B, T // TTB),
        in_specs=[
            pl.BlockSpec(memory_space=pltpu.SMEM),
            pl.BlockSpec((1, TTB, D), lambda b, i: (b, i, 0)),
            pl.BlockSpec((TTB,), lambda b, i: (b * (T // TTB) + i,)),
            pl.BlockSpec((1, D), lambda b, i: (0, 0)),
            pl.BlockSpec((1, D), lambda b, i: (0, 0)),
        ],
        out_specs=pl.BlockSpec((1, TTB, D), lambda b, i: (b, i, 0)),
        out_shape=jax.ShapeDtypeStruct((B, T, D), jnp.float32),
        compiler_params=pltpu.CompilerParams(
            dimension_semantics=("parallel", "parallel")),
    )(stats, x, mask01, gamma2, beta2)


def kernel(x, gamma, beta):
    rs, rsq = _row_stats(x)
    stats, mask01 = _sc_stage(rs, rsq)
    return _normalize(x, gamma.reshape(1, D), beta.reshape(1, D),
                      stats, mask01)

# --- scband reference (transcript-rebuilt; emitter-appended) ---
"""Pipeline reference for scband-pattern-aware-normalization-79680233275554 (READ-ONLY COPY).

The authoritative reference and input builder live on the scoring server;
editing this copy changes nothing except your own understanding.
"""

import jax, jax.numpy as jnp
import numpy as np

B, T, D = 4, 8192, 1024
NUM_PATTERN = 8
EPS = 1e-08


def neighbor_max(x, kernel_size=3, num_pattern=NUM_PATTERN):
    # x: [B, D, T]  (channels-first, as in the torch code)
    Bb, Dd, Tt = x.shape
    xt = jnp.sum(x, axis=1, keepdims=True)  # [B, 1, T]
    hmax = jax.lax.reduce_window(
        xt, -jnp.inf, jax.lax.max,
        window_dimensions=(1, 1, kernel_size),
        window_strides=(1, 1, 1),
        padding=[(0, 0), (0, 0), (1, 1)],
    )  # max_pool1d(kernel=3, stride=1, pad=1)
    x_points = jnp.where(xt == hmax, xt, jnp.zeros_like(xt))
    scores, indices = jax.lax.top_k(x_points, num_pattern)  # [B, 1, k]
    indices = jnp.squeeze(indices, axis=1)  # [B, k]
    pattern_len = Tt // 4 // num_pattern
    pattern_range = jnp.arange(pattern_len)
    idx = indices[:, :, None] + pattern_range.reshape(1, 1, -1) - pattern_len // 2
    idx = idx.reshape(Bb, -1)
    idx = jnp.clip(idx, 0, Tt - 1)  # [B, k*pattern_len]
    y = jnp.transpose(x, (0, 2, 1))  # [B, T, D]
    components = jnp.take_along_axis(y, idx[:, :, None], axis=1)  # [B, k*pl, D]
    sel = jnp.zeros((Bb, Tt), dtype=bool).at[jnp.arange(Bb)[:, None], idx].set(True)
    mask = jnp.where(sel[:, :, None], jnp.float32(2.0), jnp.float32(-3.0))  # [B, T, D] broadcastable
    mask = jnp.broadcast_to(mask, y.shape)
    mask = jax.nn.sigmoid(mask)
    return mask, components


def setup_inputs(seed: int = 0) -> dict:
    key = jax.random.key(seed)
    kx = jax.random.fold_in(key, 0)
    x = jax.random.normal(kx, (B, T, D), dtype=jnp.float32)
    gamma = jnp.ones((D,), dtype=jnp.float32)
    beta = jnp.zeros((D,), dtype=jnp.float32)
    return {"x": x, "gamma": gamma, "beta": beta}


def reference(x, gamma, beta):
    mask, components = neighbor_max(jnp.transpose(x, (0, 2, 1)), num_pattern=NUM_PATTERN)
    cmean = jnp.mean(components, axis=(-1, -2), keepdims=True)  # [B,1,1]
    cstd = jnp.std(components, axis=(-1, -2), keepdims=True, ddof=1)  # unbiased, like torch.std
    y = gamma * (x - cmean) / (cstd + EPS) + beta
    y = y * mask
    return y

if __name__ == "__main__":
    import jax
    _d = setup_inputs()
    print(jax.jit(kernel)(*tuple(_d.values())))

</pallas_src>

<mosaic_0001>
#map = affine_map<(d0, d1) -> (0)>
#map1 = affine_map<(d0, d1) -> (0, 0)>
module attributes {stable_mosaic.version = 14 : i64} {
  func.func @sc_kernel(%arg0: i32, %arg1: i32, %arg2: memref<32768xf32, #tpu.memory_space<hbm>>, %arg3: memref<32768xf32, #tpu.memory_space<hbm>>, %arg4: memref<4x16xf32, #tpu.memory_space<hbm>>, %arg5: memref<32768xf32, #tpu.memory_space<hbm>>, %arg6: memref<1056xf32, #tpu.memory_space<vmem>>, %arg7: memref<1024xf32, #tpu.memory_space<vmem>>, %arg8: memref<272xf32, #tpu.memory_space<vmem>>, %arg9: memref<272xf32, #tpu.memory_space<vmem>>, %arg10: memref<16xf32, #tpu.memory_space<vmem>>, %arg11: memref<16xi32, #tpu.memory_space<vmem>>, %arg12: memref<128xf32, #tpu.memory_space<vmem>>, %arg13: memref<128xi32, #tpu.memory_space<vmem>>, %arg14: memref<128xf32, #tpu.memory_space<vmem>>, %arg15: memref<256xf32, #tpu.memory_space<vmem_shared>>, %arg16: memref<256xi32, #tpu.memory_space<vmem_shared>>, %arg17: memref<32xi32, #tpu.memory_space<vmem_shared>>, %arg18: memref<256xf32, #tpu.memory_space<vmem_shared>>, %arg19: memref<256xf32, #tpu.memory_space<vmem_shared>>) attributes {dimension_semantics = [#tpu.dimension_semantics<core_parallel>, #tpu.dimension_semantics<subcore_parallel>], iteration_bounds = array<i64: 2, 16>, scalar_prefetch = 0 : i64, scratch_operands = 14 : i64, tpu.core_type = #tpu.core_type<sc_vector_subcore>, window_params = [{transform_indices = #map}, {transform_indices = #map}, {transform_indices = #map1}, {transform_indices = #map}]} {
    %mul3A = arith.constant 2 : i32
    %mul3A_0 = arith.muli %arg0, %mul3A : i32
    %jit3A = arith.constant 8 : i32
    %div3A = arith.divsi %arg1, %jit3A : i32
    %sign3A = arith.constant 0 : i32
    %sign3A_1 = arith.cmpi sgt, %arg1, %sign3A : i32
    %sign3A_2 = arith.extui %sign3A_1 : i1 to i32
    %sign3A_3 = arith.constant 0 : i32
    %sign3A_4 = arith.cmpi slt, %arg1, %sign3A_3 : i32
    %sign3A_5 = arith.extui %sign3A_4 : i1 to i32
    %sign3A_6 = arith.subi %sign3A_2, %sign3A_5 : i32
    %sign3A_7 = arith.constant 0 : i32
    %sign3A_8 = arith.cmpi sgt, %jit3A, %sign3A_7 : i32
    %sign3A_9 = arith.extui %sign3A_8 : i1 to i32
    %sign3A_10 = arith.constant 0 : i32
    %sign3A_11 = arith.cmpi slt, %jit3A, %sign3A_10 : i32
    %sign3A_12 = arith.extui %sign3A_11 : i1 to i32
    %sign3A_13 = arith.subi %sign3A_9, %sign3A_12 : i32
    %ne3A = arith.cmpi ne, %sign3A_6, %sign3A_13 : i32
    %rem3A = arith.remsi %arg1, %jit3A : i32
    %ne3A_14 = arith.constant 0 : i32
    %ne3A_15 = arith.cmpi ne, %rem3A, %ne3A_14 : i32
    %and3A = arith.andi %ne3A, %ne3A_15 : i1
    %sub3A = arith.constant 1 : i32
    %sub3A_16 = arith.subi %div3A, %sub3A : i32
    %select_n3A = arith.select %and3A, %sub3A_16, %div3A : i32
    %add3A = arith.addi %mul3A_0, %select_n3A : i32
    %jit3A_17 = arith.constant 8 : i32
    %eq3A = arith.constant 0 : i32
    %eq3A_18 = arith.cmpi eq, %jit3A_17, %eq3A : i32
    %jit3A_19 = arith.constant 1 : i32
    %select_n3A_20 = arith.select %eq3A_18, %jit3A_19, %jit3A_17 : i32
    %rem3A_21 = arith.remsi %arg1, %select_n3A_20 : i32
    %ne3A_22 = arith.constant 0 : i32
    %ne3A_23 = arith.cmpi ne, %rem3A_21, %ne3A_22 : i32
    %lt3A = arith.constant 0 : i32
    %lt3A_24 = arith.cmpi slt, %rem3A_21, %lt3A : i32
    %lt3A_25 = arith.constant 0 : i32
    %lt3A_26 = arith.cmpi slt, %select_n3A_20, %lt3A_25 : i32
    %ne3A_27 = arith.xori %lt3A_24, %lt3A_26 : i1
    %and3A_28 = arith.andi %ne3A_27, %ne3A_23 : i1
    %add3A_29 = arith.addi %rem3A_21, %select_n3A_20 : i32
    %select_n3A_30 = arith.select %and3A_28, %add3A_29, %rem3A_21 : i32
    %mul3A_31 = arith.constant 1024 : i32
    %mul3A_32 = arith.muli %select_n3A_30, %mul3A_31 : i32
    %mul3A_33 = arith.constant 8192 : i32
    %mul3A_34 = arith.muli %add3A, %mul3A_33 : i32
    %add3A_35 = arith.addi %mul3A_34, %mul3A_32 : i32
    %iota3A = tpu.iota {dimensions = array<i32: 0>} : vector<16xi32>
    %broadcast_in_dim3A = arith.constant 0xFF800000 : f32
    %broadcast_in_dim3A_36 = vector.broadcast %broadcast_in_dim3A : f32 to vector<16xf32>
    %swap3A = arith.constant 0 : index
    %swap3A_37 = tpu.vector_load %arg6[%swap3A] {strides = array<i32>} : memref<1056xf32, #tpu.memory_space<vmem>>, vector<16xf32>,
    tpu.vector_store %arg6[%swap3A], %broadcast_in_dim3A_36 {strides = array<i32>} : memref<1056xf32, #tpu.memory_space<vmem>>, vector<16xf32>,
    %broadcast_in_dim3A_38 = arith.constant 0xFF800000 : f32
    %broadcast_in_dim3A_39 = vector.broadcast %broadcast_in_dim3A_38 : f32 to vector<16xf32>
    %swap3A_40 = arith.constant 1040 : index
    %swap3A_41 = tpu.vector_load %arg6[%swap3A_40] {strides = array<i32>} : memref<1056xf32, #tpu.memory_space<vmem>>, vector<16xf32>,
    tpu.vector_store %arg6[%swap3A_40], %broadcast_in_dim3A_39 {strides = array<i32>} : memref<1056xf32, #tpu.memory_space<vmem>>, vector<16xf32>,
    "tpu.region"() ({
      %run_scoped3A = tpu.sem_alloc : memref<!tpu.dma_semaphore, #tpu.memory_space<semaphore_mem>>
      %dma_start3A = arith.constant 16 : i32
      %dma_start3A_1377 = tpu.memref_slice %arg6[%dma_start3A] : memref<1056xf32, #tpu.memory_space<vmem>> -> memref<1024xf32, #tpu.memory_space<vmem>>
      %dma_start3A_1378 = tpu.memref_slice %arg2[%add3A_35] : memref<32768xf32, #tpu.memory_space<hbm>> -> memref<1024xf32, #tpu.memory_space<hbm>>
      %dma_start3A_1379 = arith.constant 16 : i32
      %dma_start3A_1380 = tpu.memref_slice %arg6[%dma_start3A_1379] : memref<1056xf32, #tpu.memory_space<vmem>> -> memref<1024xf32, #tpu.memory_space<vmem>>
      %dma_start3A_1381 = tpu.memref_slice %arg2[%add3A_35] : memref<32768xf32, #tpu.memory_space<hbm>> -> memref<1024xf32, #tpu.memory_space<hbm>>
      tpu.enqueue_dma source(%dma_start3A_1381 : memref<1024xf32, #tpu.memory_space<hbm>>) target(%dma_start3A_1380 : memref<1024xf32, #tpu.memory_space<vmem>>) target_semaphore(%run_scoped3A : memref<!tpu.dma_semaphore, #tpu.memory_space<semaphore_mem>>)
      %dma_wait3A = arith.constant 16 : i32
      %dma_wait3A_1382 = tpu.memref_slice %arg6[%dma_wait3A] : memref<1056xf32, #tpu.memory_space<vmem>> -> memref<1024xf32, #tpu.memory_space<vmem>>
      %dma_wait3A_1383 = tpu.memref_slice %arg2[%add3A_35] : memref<32768xf32, #tpu.memory_space<hbm>> -> memref<1024xf32, #tpu.memory_space<hbm>>
      %dma_wait3A_1384 = arith.constant 16 : i32
      %dma_wait3A_1385 = tpu.memref_slice %arg6[%dma_wait3A_1384] : memref<1056xf32, #tpu.memory_space<vmem>> -> memref<1024xf32, #tpu.memory_space<vmem>>
      %dma_wait3A_1386 = tpu.memref_slice %arg2[%add3A_35] : memref<32768xf32, #tpu.memory_space<hbm>> -> memref<1024xf32, #tpu.memory_space<hbm>>
      tpu.wait_dma2 semaphore(%run_scoped3A : memref<!tpu.dma_semaphore, #tpu.memory_space<semaphore_mem>>) src(%dma_wait3A_1386 : memref<1024xf32, #tpu.memory_space<hbm>>) dst(%dma_wait3A_1385 : memref<1024xf32, #tpu.memory_space<vmem>>)
      tpu.yield
    }) : () -> ()
    %gt3A = arith.constant 0 : i32
    %gt3A_42 = arith.cmpi sgt, %select_n3A_30, %gt3A : i32
    %convert_element_type3A = arith.extui %gt3A_42 : i1 to i32
    %cond3A = arith.constant 0 : i32
    %cond3A_43 = arith.cmpi ne, %convert_element_type3A, %cond3A : i32
    scf.if %cond3A_43 {
      %sub3A_1377 = arith.constant 16 : i32
      %sub3A_1378 = arith.subi %add3A_35, %sub3A_1377 : i32
      "tpu.region"() ({
        %run_scoped3A = tpu.sem_alloc : memref<!tpu.dma_semaphore, #tpu.memory_space<semaphore_mem>>
        %dma_start3A = arith.constant 0 : i32
        %dma_start3A_1379 = tpu.memref_slice %arg6[%dma_start3A] : memref<1056xf32, #tpu.memory_space<vmem>> -> memref<16xf32, #tpu.memory_space<vmem>>
        %dma_start3A_1380 = tpu.memref_slice %arg2[%sub3A_1378] : memref<32768xf32, #tpu.memory_space<hbm>> -> memref<16xf32, #tpu.memory_space<hbm>>
        %dma_start3A_1381 = arith.constant 0 : i32
        %dma_start3A_1382 = tpu.memref_slice %arg6[%dma_start3A_1381] : memref<1056xf32, #tpu.memory_space<vmem>> -> memref<16xf32, #tpu.memory_space<vmem>>
        %dma_start3A_1383 = tpu.memref_slice %arg2[%sub3A_1378] : memref<32768xf32, #tpu.memory_space<hbm>> -> memref<16xf32, #tpu.memory_space<hbm>>
        tpu.enqueue_dma source(%dma_start3A_1383 : memref<16xf32, #tpu.memory_space<hbm>>) target(%dma_start3A_1382 : memref<16xf32, #tpu.memory_space<vmem>>) target_semaphore(%run_scoped3A : memref<!tpu.dma_semaphore, #tpu.memory_space<semaphore_mem>>)
        %dma_wait3A = arith.constant 0 : i32
        %dma_wait3A_1384 = tpu.memref_slice %arg6[%dma_wait3A] : memref<1056xf32, #tpu.memory_space<vmem>> -> memref<16xf32, #tpu.memory_space<vmem>>
        %dma_wait3A_1385 = tpu.memref_slice %arg2[%sub3A_1378] : memref<32768xf32, #tpu.memory_space<hbm>> -> memref<16xf32, #tpu.memory_space<hbm>>
        %dma_wait3A_1386 = arith.constant 0 : i32
        %dma_wait3A_1387 = tpu.memref_slice %arg6[%dma_wait3A_1386] : memref<1056xf32, #tpu.memory_space<vmem>> -> memref<16xf32, #tpu.memory_space<vmem>>
        %dma_wait3A_1388 = tpu.memref_slice %arg2[%sub3A_1378] : memref<32768xf32, #tpu.memory_space<hbm>> -> memref<16xf32, #tpu.memory_space<hbm>>
        tpu.wait_dma2 semaphore(%run_scoped3A : memref<!tpu.dma_semaphore, #tpu.memory_space<semaphore_mem>>) src(%dma_wait3A_1388 : memref<16xf32, #tpu.memory_space<hbm>>) dst(%dma_wait3A_1387 : memref<16xf32, #tpu.memory_space<vmem>>)
        tpu.yield
      }) : () -> ()
    } else {
    }
    %lt3A_44 = arith.constant 7 : i32
    %lt3A_45 = arith.cmpi slt, %select_n3A_30, %lt3A_44 : i32
    %convert_element_type3A_46 = arith.extui %lt3A_45 : i1 to i32
    %cond3A_47 = arith.constant 0 : i32
    %cond3A_48 = arith.cmpi ne, %convert_element_type3A_46, %cond3A_47 : i32
    scf.if %cond3A_48 {
      %add3A_1377 = arith.constant 1024 : i32
      %add3A_1378 = arith.addi %add3A_35, %add3A_1377 : i32
      "tpu.region"() ({
        %run_scoped3A = tpu.sem_alloc : memref<!tpu.dma_semaphore, #tpu.memory_space<semaphore_mem>>
        %dma_start3A = arith.constant 1040 : i32
        %dma_start3A_1379 = tpu.memref_slice %arg6[%dma_start3A] : memref<1056xf32, #tpu.memory_space<vmem>> -> memref<16xf32, #tpu.memory_space<vmem>>
        %dma_start3A_1380 = tpu.memref_slice %arg2[%add3A_1378] : memref<32768xf32, #tpu.memory_space<hbm>> -> memref<16xf32, #tpu.memory_space<hbm>>
        %dma_start3A_1381 = arith.constant 1040 : i32
        %dma_start3A_1382 = tpu.memref_slice %arg6[%dma_start3A_1381] : memref<1056xf32, #tpu.memory_space<vmem>> -> memref<16xf32, #tpu.memory_space<vmem>>
        %dma_start3A_1383 = tpu.memref_slice %arg2[%add3A_1378] : memref<32768xf32, #tpu.memory_space<hbm>> -> memref<16xf32, #tpu.memory_space<hbm>>
        tpu.enqueue_dma source(%dma_start3A_1383 : memref<16xf32, #tpu.memory_space<hbm>>) target(%dma_start3A_1382 : memref<16xf32, #tpu.memory_space<vmem>>) target_semaphore(%run_scoped3A : memref<!tpu.dma_semaphore, #tpu.memory_space<semaphore_mem>>)
        %dma_wait3A = arith.constant 1040 : i32
        %dma_wait3A_1384 = tpu.memref_slice %arg6[%dma_wait3A] : memref<1056xf32, #tpu.memory_space<vmem>> -> memref<16xf32, #tpu.memory_space<vmem>>
        %dma_wait3A_1385 = tpu.memref_slice %arg2[%add3A_1378] : memref<32768xf32, #tpu.memory_space<hbm>> -> memref<16xf32, #tpu.memory_space<hbm>>
        %dma_wait3A_1386 = arith.constant 1040 : i32
        %dma_wait3A_1387 = tpu.memref_slice %arg6[%dma_wait3A_1386] : memref<1056xf32, #tpu.memory_space<vmem>> -> memref<16xf32, #tpu.memory_space<vmem>>
        %dma_wait3A_1388 = tpu.memref_slice %arg2[%add3A_1378] : memref<32768xf32, #tpu.memory_space<hbm>> -> memref<16xf32, #tpu.memory_space<hbm>>
        tpu.wait_dma2 semaphore(%run_scoped3A : memref<!tpu.dma_semaphore, #tpu.memory_space<semaphore_mem>>) src(%dma_wait3A_1388 : memref<16xf32, #tpu.memory_space<hbm>>) dst(%dma_wait3A_1387 : memref<16xf32, #tpu.memory_space<vmem>>)
        tpu.yield
      }) : () -> ()
    } else {
    }
    %broadcast_in_dim3A_49 = arith.constant 0xFF800000 : f32
    %broadcast_in_dim3A_50 = vector.broadcast %broadcast_in_dim3A_49 : f32 to vector<16xf32>
    %broadcast_in_dim3A_51 = arith.constant 1073741824 : i32
    %broadcast_in_dim3A_52 = vector.broadcast %broadcast_in_dim3A_51 : i32 to vector<16xi32>
    %scan3A = arith.constant 0 : i32
    %scan3A_53 = arith.constant 64 : i32
    %scan3A_54 = arith.addi %scan3A, %scan3A_53 : i32
    %scan3A_55 = arith.constant 1 : i32
    %scan3A_56:2 = scf.for %scan3A_1377 = %scan3A to %scan3A_54 step %scan3A_55 iter_args(%scan3A_1378 = %broadcast_in_dim3A_50, %scan3A_1379 = %broadcast_in_dim3A_52) -> (vector<16xf32>, vector<16xi32>)  : i32 {
      %mul3A_1380 = arith.constant 16 : i32
      %mul3A_1381 = arith.muli %scan3A_1377, %mul3A_1380 : i32
      %add3A_1382 = vector.broadcast %mul3A_1381 : i32 to vector<16xi32>
      %add3A_1383 = arith.addi %add3A_1382, %iota3A : vector<16xi32>
      %add3A_1384 = arith.constant 16 : i32
      %add3A_1385 = vector.broadcast %add3A_1384 : i32 to vector<16xi32>
      %add3A_1386 = arith.addi %add3A_1383, %add3A_1385 : vector<16xi32>
      %gather3A_1387 = tpu.vector_load_idx %arg6[%add3A_1386] : memref<1056xf32, #tpu.memory_space<vmem>>[vector<16xi32>], vector<16xf32>,
      %add3A_1388 = arith.constant 15 : i32
      %add3A_1389 = vector.broadcast %add3A_1388 : i32 to vector<16xi32>
      %add3A_1390 = arith.addi %add3A_1383, %add3A_1389 : vector<16xi32>
      %gather3A_1391 = tpu.vector_load_idx %arg6[%add3A_1390] : memref<1056xf32, #tpu.memory_space<vmem>>[vector<16xi32>], vector<16xf32>,
      %add3A_1392 = arith.constant 17 : i32
      %add3A_1393 = vector.broadcast %add3A_1392 : i32 to vector<16xi32>
      %add3A_1394 = arith.addi %add3A_1383, %add3A_1393 : vector<16xi32>
      %gather3A_1395 = tpu.vector_load_idx %arg6[%add3A_1394] : memref<1056xf32, #tpu.memory_space<vmem>>[vector<16xi32>], vector<16xf32>,
      %ge3A = arith.cmpf oge, %gather3A_1387, %gather3A_1391 : vector<16xf32>
      %ge3A_1396 = arith.cmpf oge, %gather3A_1387, %gather3A_1395 : vector<16xf32>
      %and3A_1397 = arith.andi %ge3A, %ge3A_1396 : vector<16xi1>
      %jit3A_1398 = arith.constant 0.000000e+00 : f32
      %broadcast_in_dim3A_1399 = vector.broadcast %jit3A_1398 : f32 to vector<16xf32>
      %select_n3A_1400 = arith.select %and3A_1397, %gather3A_1387, %broadcast_in_dim3A_1399 : vector<16xi1>, vector<16xf32>
      tpu.vector_store_idx %arg7[%add3A_1383], %select_n3A_1400 : memref<1024xf32, #tpu.memory_space<vmem>>[vector<16xi32>], vector<16xf32>,
      %add3A_1401 = vector.broadcast %mul3A_32 : i32 to vector<16xi32>
      %add3A_1402 = arith.addi %add3A_1401, %add3A_1383 : vector<16xi32>
      %gt3A_1403 = arith.cmpf ogt, %select_n3A_1400, %scan3A_1378 : vector<16xf32>
      %eq3A_1404 = arith.cmpf oeq, %select_n3A_1400, %scan3A_1378 : vector<16xf32>
      %lt3A_1405 = arith.cmpi slt, %add3A_1402, %scan3A_1379 : vector<16xi32>
      %and3A_1406 = arith.andi %eq3A_1404, %lt3A_1405 : vector<16xi1>
      %or3A_1407 = arith.ori %gt3A_1403, %and3A_1406 : vector<16xi1>
      %select_n3A_1408 = arith.select %or3A_1407, %select_n3A_1400, %scan3A_1378 : vector<16xi1>, vector<16xf32>
      %select_n3A_1409 = arith.select %or3A_1407, %add3A_1402, %scan3A_1379 : vector<16xi1>, vector<16xi32>
      scf.yield %select_n3A_1408, %select_n3A_1409 : vector<16xf32>, vector<16xi32>
    }
    %scan3A_57 = arith.constant 64 : i32
    %broadcast_in_dim3A_58 = arith.constant 0xFF800000 : f32
    %broadcast_in_dim3A_59 = vector.broadcast %broadcast_in_dim3A_58 : f32 to vector<16xf32>
    %broadcast_in_dim3A_60 = arith.constant 0 : i32
    %broadcast_in_dim3A_61 = vector.broadcast %broadcast_in_dim3A_60 : i32 to vector<16xi32>
    %reduce_max3A = arith.constant true
    %reduce_max3A_62 = vector.broadcast %reduce_max3A : i1 to vector<16xi1>
    %reduce_max3A_63 = tpu.scan <max>, %scan3A_56#0 masked %reduce_max3A_62 : vector<16xf32>, vector<16xi1> -> vector<16xf32>
    %reduce_max3A_64 = vector.extract %reduce_max3A_63[15] : f32 from vector<16xf32>
    %eq3A_65 = vector.broadcast %reduce_max3A_64 : f32 to vector<16xf32>
    %eq3A_66 = arith.cmpf oeq, %scan3A_56#0, %eq3A_65 : vector<16xf32>
    %jit3A_67 = arith.constant 1073741824 : i32
    %broadcast_in_dim3A_68 = vector.broadcast %jit3A_67 : i32 to vector<16xi32>
    %select_n3A_69 = arith.select %eq3A_66, %scan3A_56#1, %broadcast_in_dim3A_68 : vector<16xi1>, vector<16xi32>
    %reduce_min3A = arith.constant true
    %reduce_min3A_70 = vector.broadcast %reduce_min3A : i1 to vector<16xi1>
    %reduce_min3A_71 = arith.constant -2147483648 : i32
    %reduce_min3A_72 = vector.broadcast %reduce_min3A_71 : i32 to vector<16xi32>
    %reduce_min3A_73 = arith.xori %select_n3A_69, %reduce_min3A_72 : vector<16xi32>
    %reduce_min3A_74 = tpu.scan <min>, %reduce_min3A_73 masked %reduce_min3A_70 : vector<16xi32>, vector<16xi1> -> vector<16xi32>
    %reduce_min3A_75 = arith.xori %reduce_min3A_74, %reduce_min3A_72 : vector<16xi32>
    %reduce_min3A_76 = vector.extract %reduce_min3A_75[15] : i32 from vector<16xi32>
    %eq3A_77 = arith.constant 0 : i32
    %eq3A_78 = vector.broadcast %eq3A_77 : i32 to vector<16xi32>
    %eq3A_79 = arith.cmpi eq, %iota3A, %eq3A_78 : vector<16xi32>
    %broadcast_in_dim3A_80 = vector.broadcast %reduce_max3A_64 : f32 to vector<16xf32>
    %select_n3A_81 = arith.select %eq3A_79, %broadcast_in_dim3A_80, %broadcast_in_dim3A_59 : vector<16xi1>, vector<16xf32>
    %eq3A_82 = arith.constant 0 : i32
    %eq3A_83 = vector.broadcast %eq3A_82 : i32 to vector<16xi32>
    %eq3A_84 = arith.cmpi eq, %iota3A, %eq3A_83 : vector<16xi32>
    %broadcast_in_dim3A_85 = vector.broadcast %reduce_min3A_76 : i32 to vector<16xi32>
    %select_n3A_86 = arith.select %eq3A_84, %broadcast_in_dim3A_85, %broadcast_in_dim3A_61 : vector<16xi1>, vector<16xi32>
    %broadcast_in_dim3A_87 = arith.constant 0 : i32
    %broadcast_in_dim3A_88 = vector.broadcast %broadcast_in_dim3A_87 : i32 to vector<16xi32>
    %sub3A_89 = arith.subi %reduce_min3A_76, %mul3A_32 : i32
    %add3A_90 = vector.broadcast %sub3A_89 : i32 to vector<16xi32>
    %add3A_91 = arith.addi %broadcast_in_dim3A_88, %add3A_90 : vector<16xi32>
    %broadcast_in_dim3A_92 = arith.constant 0xFF800000 : f32
    %broadcast_in_dim3A_93 = vector.broadcast %broadcast_in_dim3A_92 : f32 to vector<16xf32>
    %eq3A_94 = arith.constant 0 : i32
    %eq3A_95 = vector.broadcast %eq3A_94 : i32 to vector<16xi32>
    %eq3A_96 = arith.cmpi eq, %iota3A, %eq3A_95 : vector<16xi32>
    tpu.vector_store_idx %arg7[%add3A_91], %broadcast_in_dim3A_93 masked %eq3A_96 : memref<1024xf32, #tpu.memory_space<vmem>>[vector<16xi32>], vector<16xf32>, vector<16xi1>
    %sub3A_97 = arith.subi %reduce_min3A_76, %mul3A_32 : i32
    %and3A_98 = arith.constant 15 : i32
    %and3A_99 = arith.andi %sub3A_97, %and3A_98 : i32
    %broadcast_in_dim3A_100 = arith.constant 0xFF800000 : f32
    %broadcast_in_dim3A_101 = vector.broadcast %broadcast_in_dim3A_100 : f32 to vector<16xf32>
    %broadcast_in_dim3A_102 = arith.constant 1073741824 : i32
    %broadcast_in_dim3A_103 = vector.broadcast %broadcast_in_dim3A_102 : i32 to vector<16xi32>
    %add3A_104 = arith.constant 0 : i32
    %add3A_105 = vector.broadcast %add3A_104 : i32 to vector<16xi32>
    %add3A_106 = arith.addi %add3A_105, %iota3A : vector<16xi32>
    %mul3A_107 = arith.constant 16 : i32
    %mul3A_108 = vector.broadcast %mul3A_107 : i32 to vector<16xi32>
    %mul3A_109 = arith.muli %add3A_106, %mul3A_108 : vector<16xi32>
    %add3A_110 = vector.broadcast %and3A_99 : i32 to vector<16xi32>
    %add3A_111 = arith.addi %mul3A_109, %add3A_110 : vector<16xi32>
    %gather3A = tpu.vector_load_idx %arg7[%add3A_111] : memref<1024xf32, #tpu.memory_space<vmem>>[vector<16xi32>], vector<16xf32>,
    %add3A_112 = vector.broadcast %mul3A_32 : i32 to vector<16xi32>
    %add3A_113 = arith.addi %add3A_112, %add3A_111 : vector<16xi32>
    %gt3A_114 = arith.cmpf ogt, %gather3A, %broadcast_in_dim3A_101 : vector<16xf32>
    %eq3A_115 = arith.cmpf oeq, %gather3A, %broadcast_in_dim3A_101 : vector<16xf32>
    %lt3A_116 = arith.cmpi slt, %add3A_113, %broadcast_in_dim3A_103 : vector<16xi32>
    %and3A_117 = arith.andi %eq3A_115, %lt3A_116 : vector<16xi1>
    %or3A = arith.ori %gt3A_114, %and3A_117 : vector<16xi1>
    %select_n3A_118 = arith.select %or3A, %gather3A, %broadcast_in_dim3A_101 : vector<16xi1>, vector<16xf32>
    %select_n3A_119 = arith.select %or3A, %add3A_113, %broadcast_in_dim3A_103 : vector<16xi1>, vector<16xi32>
    %add3A_120 = arith.constant 16 : i32
    %add3A_121 = vector.broadcast %add3A_120 : i32 to vector<16xi32>
    %add3A_122 = arith.addi %add3A_121, %iota3A : vector<16xi32>
    %mul3A_123 = arith.constant 16 : i32
    %mul3A_124 = vector.broadcast %mul3A_123 : i32 to vector<16xi32>
    %mul3A_125 = arith.muli %add3A_122, %mul3A_124 : vector<16xi32>
    %add3A_126 = vector.broadcast %and3A_99 : i32 to vector<16xi32>
    %add3A_127 = arith.addi %mul3A_125, %add3A_126 : vector<16xi32>
    %gather3A_128 = tpu.vector_load_idx %arg7[%add3A_127] : memref<1024xf32, #tpu.memory_space<vmem>>[vector<16xi32>], vector<16xf32>,
    %add3A_129 = vector.broadcast %mul3A_32 : i32 to vector<16xi32>
    %add3A_130 = arith.addi %add3A_129, %add3A_127 : vector<16xi32>
    %gt3A_131 = arith.cmpf ogt, %gather3A_128, %select_n3A_118 : vector<16xf32>
    %eq3A_132 = arith.cmpf oeq, %gather3A_128, %select_n3A_118 : vector<16xf32>
    %lt3A_133 = arith.cmpi slt, %add3A_130, %select_n3A_119 : vector<16xi32>
    %and3A_134 = arith.andi %eq3A_132, %lt3A_133 : vector<16xi1>
    %or3A_135 = arith.ori %gt3A_131, %and3A_134 : vector<16xi1>
    %select_n3A_136 = arith.select %or3A_135, %gather3A_128, %select_n3A_118 : vector<16xi1>, vector<16xf32>
    %select_n3A_137 = arith.select %or3A_135, %add3A_130, %select_n3A_119 : vector<16xi1>, vector<16xi32>
    %add3A_138 = arith.constant 32 : i32
    %add3A_139 = vector.broadcast %add3A_138 : i32 to vector<16xi32>
    %add3A_140 = arith.addi %add3A_139, %iota3A : vector<16xi32>
    %mul3A_141 = arith.constant 16 : i32
    %mul3A_142 = vector.broadcast %mul3A_141 : i32 to vector<16xi32>
    %mul3A_143 = arith.muli %add3A_140, %mul3A_142 : vector<16xi32>
    %add3A_144 = vector.broadcast %and3A_99 : i32 to vector<16xi32>
    %add3A_145 = arith.addi %mul3A_143, %add3A_144 : vector<16xi32>
    %gather3A_146 = tpu.vector_load_idx %arg7[%add3A_145] : memref<1024xf32, #tpu.memory_space<vmem>>[vector<16xi32>], vector<16xf32>,
    %add3A_147 = vector.broadcast %mul3A_32 : i32 to vector<16xi32>
    %add3A_148 = arith.addi %add3A_147, %add3A_145 : vector<16xi32>
    %gt3A_149 = arith.cmpf ogt, %gather3A_146, %select_n3A_136 : vector<16xf32>
    %eq3A_150 = arith.cmpf oeq, %gather3A_146, %select_n3A_136 : vector<16xf32>
    %lt3A_151 = arith.cmpi slt, %add3A_148, %select_n3A_137 : vector<16xi32>
    %and3A_152 = arith.andi %eq3A_150, %lt3A_151 : vector<16xi1>
    %or3A_153 = arith.ori %gt3A_149, %and3A_152 : vector<16xi1>
    %select_n3A_154 = arith.select %or3A_153, %gather3A_146, %select_n3A_136 : vector<16xi1>, vector<16xf32>
    %select_n3A_155 = arith.select %or3A_153, %add3A_148, %select_n3A_137 : vector<16xi1>, vector<16xi32>
    %add3A_156 = arith.constant 48 : i32
    %add3A_157 = vector.broadcast %add3A_156 : i32 to vector<16xi32>
    %add3A_158 = arith.addi %add3A_157, %iota3A : vector<16xi32>
    %mul3A_159 = arith.constant 16 : i32
    %mul3A_160 = vector.broadcast %mul3A_159 : i32 to vector<16xi32>
    %mul3A_161 = arith.muli %add3A_158, %mul3A_160 : vector<16xi32>
    %add3A_162 = vector.broadcast %and3A_99 : i32 to vector<16xi32>
    %add3A_163 = arith.addi %mul3A_161, %add3A_162 : vector<16xi32>
    %gather3A_164 = tpu.vector_load_idx %arg7[%add3A_163] : memref<1024xf32, #tpu.memory_space<vmem>>[vector<16xi32>], vector<16xf32>,
    %add3A_165 = vector.broadcast %mul3A_32 : i32 to vector<16xi32>
    %add3A_166 = arith.addi %add3A_165, %add3A_163 : vector<16xi32>
    %gt3A_167 = arith.cmpf ogt, %gather3A_164, %select_n3A_154 : vector<16xf32>
    %eq3A_168 = arith.cmpf oeq, %gather3A_164, %select_n3A_154 : vector<16xf32>
    %lt3A_169 = arith.cmpi slt, %add3A_166, %select_n3A_155 : vector<16xi32>
    %and3A_170 = arith.andi %eq3A_168, %lt3A_169 : vector<16xi1>
    %or3A_171 = arith.ori %gt3A_167, %and3A_170 : vector<16xi1>
    %select_n3A_172 = arith.select %or3A_171, %gather3A_164, %select_n3A_154 : vector<16xi1>, vector<16xf32>
    %select_n3A_173 = arith.select %or3A_171, %add3A_166, %select_n3A_155 : vector<16xi1>, vector<16xi32>
    %reduce_max3A_174 = arith.constant true
    %reduce_max3A_175 = vector.broadcast %reduce_max3A_174 : i1 to vector<16xi1>
    %reduce_max3A_176 = tpu.scan <max>, %select_n3A_172 masked %reduce_max3A_175 : vector<16xf32>, vector<16xi1> -> vector<16xf32>
    %reduce_max3A_177 = vector.extract %reduce_max3A_176[15] : f32 from vector<16xf32>
    %eq3A_178 = vector.broadcast %reduce_max3A_177 : f32 to vector<16xf32>
    %eq3A_179 = arith.cmpf oeq, %select_n3A_172, %eq3A_178 : vector<16xf32>
    %jit3A_180 = arith.constant 1073741824 : i32
    %broadcast_in_dim3A_181 = vector.broadcast %jit3A_180 : i32 to vector<16xi32>
    %select_n3A_182 = arith.select %eq3A_179, %select_n3A_173, %broadcast_in_dim3A_181 : vector<16xi1>, vector<16xi32>
    %reduce_min3A_183 = arith.constant true
    %reduce_min3A_184 = vector.broadcast %reduce_min3A_183 : i1 to vector<16xi1>
    %reduce_min3A_185 = arith.constant -2147483648 : i32
    %reduce_min3A_186 = vector.broadcast %reduce_min3A_185 : i32 to vector<16xi32>
    %reduce_min3A_187 = arith.xori %select_n3A_182, %reduce_min3A_186 : vector<16xi32>
    %reduce_min3A_188 = tpu.scan <min>, %reduce_min3A_187 masked %reduce_min3A_184 : vector<16xi32>, vector<16xi1> -> vector<16xi32>
    %reduce_min3A_189 = arith.xori %reduce_min3A_188, %reduce_min3A_186 : vector<16xi32>
    %reduce_min3A_190 = vector.extract %reduce_min3A_189[15] : i32 from vector<16xi32>
    %eq3A_191 = vector.broadcast %and3A_99 : i32 to vector<16xi32>
    %eq3A_192 = arith.cmpi eq, %iota3A, %eq3A_191 : vector<16xi32>
    %broadcast_in_dim3A_193 = vector.broadcast %reduce_max3A_177 : f32 to vector<16xf32>
    %select_n3A_194 = arith.select %eq3A_192, %broadcast_in_dim3A_193, %scan3A_56#0 : vector<16xi1>, vector<16xf32>
    %eq3A_195 = vector.broadcast %and3A_99 : i32 to vector<16xi32>
    %eq3A_196 = arith.cmpi eq, %iota3A, %eq3A_195 : vector<16xi32>
    %broadcast_in_dim3A_197 = vector.broadcast %reduce_min3A_190 : i32 to vector<16xi32>
    %select_n3A_198 = arith.select %eq3A_196, %broadcast_in_dim3A_197, %scan3A_56#1 : vector<16xi1>, vector<16xi32>
    %reduce_max3A_199 = arith.constant true
    %reduce_max3A_200 = vector.broadcast %reduce_max3A_199 : i1 to vector<16xi1>
    %reduce_max3A_201 = tpu.scan <max>, %select_n3A_194 masked %reduce_max3A_200 : vector<16xf32>, vector<16xi1> -> vector<16xf32>
    %reduce_max3A_202 = vector.extract %reduce_max3A_201[15] : f32 from vector<16xf32>
    %eq3A_203 = vector.broadcast %reduce_max3A_202 : f32 to vector<16xf32>
    %eq3A_204 = arith.cmpf oeq, %select_n3A_194, %eq3A_203 : vector<16xf32>
    %jit3A_205 = arith.constant 1073741824 : i32
    %broadcast_in_dim3A_206 = vector.broadcast %jit3A_205 : i32 to vector<16xi32>
    %select_n3A_207 = arith.select %eq3A_204, %select_n3A_198, %broadcast_in_dim3A_206 : vector<16xi1>, vector<16xi32>
    %reduce_min3A_208 = arith.constant true
    %reduce_min3A_209 = vector.broadcast %reduce_min3A_208 : i1 to vector<16xi1>
    %reduce_min3A_210 = arith.constant -2147483648 : i32
    %reduce_min3A_211 = vector.broadcast %reduce_min3A_210 : i32 to vector<16xi32>
    %reduce_min3A_212 = arith.xori %select_n3A_207, %reduce_min3A_211 : vector<16xi32>
    %reduce_min3A_213 = tpu.scan <min>, %reduce_min3A_212 masked %reduce_min3A_209 : vector<16xi32>, vector<16xi1> -> vector<16xi32>
    %reduce_min3A_214 = arith.xori %reduce_min3A_213, %reduce_min3A_211 : vector<16xi32>
    %reduce_min3A_215 = vector.extract %reduce_min3A_214[15] : i32 from vector<16xi32>
    %eq3A_216 = arith.constant 1 : i32
    %eq3A_217 = vector.broadcast %eq3A_216 : i32 to vector<16xi32>
    %eq3A_218 = arith.cmpi eq, %iota3A, %eq3A_217 : vector<16xi32>
    %broadcast_in_dim3A_219 = vector.broadcast %reduce_max3A_202 : f32 to vector<16xf32>
    %select_n3A_220 = arith.select %eq3A_218, %broadcast_in_dim3A_219, %select_n3A_81 : vector<16xi1>, vector<16xf32>
    %eq3A_221 = arith.constant 1 : i32
    %eq3A_222 = vector.broadcast %eq3A_221 : i32 to vector<16xi32>
    %eq3A_223 = arith.cmpi eq, %iota3A, %eq3A_222 : vector<16xi32>
    %broadcast_in_dim3A_224 = vector.broadcast %reduce_min3A_215 : i32 to vector<16xi32>
    %select_n3A_225 = arith.select %eq3A_223, %broadcast_in_dim3A_224, %select_n3A_86 : vector<16xi1>, vector<16xi32>
    %broadcast_in_dim3A_226 = arith.constant 0 : i32
    %broadcast_in_dim3A_227 = vector.broadcast %broadcast_in_dim3A_226 : i32 to vector<16xi32>
    %sub3A_228 = arith.subi %reduce_min3A_215, %mul3A_32 : i32
    %add3A_229 = vector.broadcast %sub3A_228 : i32 to vector<16xi32>
    %add3A_230 = arith.addi %broadcast_in_dim3A_227, %add3A_229 : vector<16xi32>
    %broadcast_in_dim3A_231 = arith.constant 0xFF800000 : f32
    %broadcast_in_dim3A_232 = vector.broadcast %broadcast_in_dim3A_231 : f32 to vector<16xf32>
    %eq3A_233 = arith.constant 0 : i32
    %eq3A_234 = vector.broadcast %eq3A_233 : i32 to vector<16xi32>
    %eq3A_235 = arith.cmpi eq, %iota3A, %eq3A_234 : vector<16xi32>
    tpu.vector_store_idx %arg7[%add3A_230], %broadcast_in_dim3A_232 masked %eq3A_235 : memref<1024xf32, #tpu.memory_space<vmem>>[vector<16xi32>], vector<16xf32>, vector<16xi1>
    %sub3A_236 = arith.subi %reduce_min3A_215, %mul3A_32 : i32
    %and3A_237 = arith.constant 15 : i32
    %and3A_238 = arith.andi %sub3A_236, %and3A_237 : i32
    %broadcast_in_dim3A_239 = arith.constant 0xFF800000 : f32
    %broadcast_in_dim3A_240 = vector.broadcast %broadcast_in_dim3A_239 : f32 to vector<16xf32>
    %broadcast_in_dim3A_241 = arith.constant 1073741824 : i32
    %broadcast_in_dim3A_242 = vector.broadcast %broadcast_in_dim3A_241 : i32 to vector<16xi32>
    %add3A_243 = arith.constant 0 : i32
    %add3A_244 = vector.broadcast %add3A_243 : i32 to vector<16xi32>
    %add3A_245 = arith.addi %add3A_244, %iota3A : vector<16xi32>
    %mul3A_246 = arith.constant 16 : i32
    %mul3A_247 = vector.broadcast %mul3A_246 : i32 to vector<16xi32>
    %mul3A_248 = arith.muli %add3A_245, %mul3A_247 : vector<16xi32>
    %add3A_249 = vector.broadcast %and3A_238 : i32 to vector<16xi32>
    %add3A_250 = arith.addi %mul3A_248, %add3A_249 : vector<16xi32>
    %gather3A_251 = tpu.vector_load_idx %arg7[%add3A_250] : memref<1024xf32, #tpu.memory_space<vmem>>[vector<16xi32>], vector<16xf32>,
    %add3A_252 = vector.broadcast %mul3A_32 : i32 to vector<16xi32>
    %add3A_253 = arith.addi %add3A_252, %add3A_250 : vector<16xi32>
    %gt3A_254 = arith.cmpf ogt, %gather3A_251, %broadcast_in_dim3A_240 : vector<16xf32>
    %eq3A_255 = arith.cmpf oeq, %gather3A_251, %broadcast_in_dim3A_240 : vector<16xf32>
    %lt3A_256 = arith.cmpi slt, %add3A_253, %broadcast_in_dim3A_242 : vector<16xi32>
    %and3A_257 = arith.andi %eq3A_255, %lt3A_256 : vector<16xi1>
    %or3A_258 = arith.ori %gt3A_254, %and3A_257 : vector<16xi1>
    %select_n3A_259 = arith.select %or3A_258, %gather3A_251, %broadcast_in_dim3A_240 : vector<16xi1>, vector<16xf32>
    %select_n3A_260 = arith.select %or3A_258, %add3A_253, %broadcast_in_dim3A_242 : vector<16xi1>, vector<16xi32>
    %add3A_261 = arith.constant 16 : i32
    %add3A_262 = vector.broadcast %add3A_261 : i32 to vector<16xi32>
    %add3A_263 = arith.addi %add3A_262, %iota3A : vector<16xi32>
    %mul3A_264 = arith.constant 16 : i32
    %mul3A_265 = vector.broadcast %mul3A_264 : i32 to vector<16xi32>
    %mul3A_266 = arith.muli %add3A_263, %mul3A_265 : vector<16xi32>
    %add3A_267 = vector.broadcast %and3A_238 : i32 to vector<16xi32>
    %add3A_268 = arith.addi %mul3A_266, %add3A_267 : vector<16xi32>
    %gather3A_269 = tpu.vector_load_idx %arg7[%add3A_268] : memref<1024xf32, #tpu.memory_space<vmem>>[vector<16xi32>], vector<16xf32>,
    %add3A_270 = vector.broadcast %mul3A_32 : i32 to vector<16xi32>
    %add3A_271 = arith.addi %add3A_270, %add3A_268 : vector<16xi32>
    %gt3A_272 = arith.cmpf ogt, %gather3A_269, %select_n3A_259 : vector<16xf32>
    %eq3A_273 = arith.cmpf oeq, %gather3A_269, %select_n3A_259 : vector<16xf32>
    %lt3A_274 = arith.cmpi slt, %add3A_271, %select_n3A_260 : vector<16xi32>
    %and3A_275 = arith.andi %eq3A_273, %lt3A_274 : vector<16xi1>
    %or3A_276 = arith.ori %gt3A_272, %and3A_275 : vector<16xi1>
    %select_n3A_277 = arith.select %or3A_276, %gather3A_269, %select_n3A_259 : vector<16xi1>, vector<16xf32>
    %select_n3A_278 = arith.select %or3A_276, %add3A_271, %select_n3A_260 : vector<16xi1>, vector<16xi32>
    %add3A_279 = arith.constant 32 : i32
    %add3A_280 = vector.broadcast %add3A_279 : i32 to vector<16xi32>
    %add3A_281 = arith.addi %add3A_280, %iota3A : vector<16xi32>
    %mul3A_282 = arith.constant 16 : i32
    %mul3A_283 = vector.broadcast %mul3A_282 : i32 to vector<16xi32>
    %mul3A_284 = arith.muli %add3A_281, %mul3A_283 : vector<16xi32>
    %add3A_285 = vector.broadcast %and3A_238 : i32 to vector<16xi32>
    %add3A_286 = arith.addi %mul3A_284, %add3A_285 : vector<16xi32>
    %gather3A_287 = tpu.vector_load_idx %arg7[%add3A_286] : memref<1024xf32, #tpu.memory_space<vmem>>[vector<16xi32>], vector<16xf32>,
    %add3A_288 = vector.broadcast %mul3A_32 : i32 to vector<16xi32>
    %add3A_289 = arith.addi %add3A_288, %add3A_286 : vector<16xi32>
    %gt3A_290 = arith.cmpf ogt, %gather3A_287, %select_n3A_277 : vector<16xf32>
    %eq3A_291 = arith.cmpf oeq, %gather3A_287, %select_n3A_277 : vector<16xf32>
    %lt3A_292 = arith.cmpi slt, %add3A_289, %select_n3A_278 : vector<16xi32>
    %and3A_293 = arith.andi %eq3A_291, %lt3A_292 : vector<16xi1>
    %or3A_294 = arith.ori %gt3A_290, %and3A_293 : vector<16xi1>
    %select_n3A_295 = arith.select %or3A_294, %gather3A_287, %select_n3A_277 : vector<16xi1>, vector<16xf32>
    %select_n3A_296 = arith.select %or3A_294, %add3A_289, %select_n3A_278 : vector<16xi1>, vector<16xi32>
    %add3A_297 = arith.constant 48 : i32
    %add3A_298 = vector.broadcast %add3A_297 : i32 to vector<16xi32>
    %add3A_299 = arith.addi %add3A_298, %iota3A : vector<16xi32>
    %mul3A_300 = arith.constant 16 : i32
    %mul3A_301 = vector.broadcast %mul3A_300 : i32 to vector<16xi32>
    %mul3A_302 = arith.muli %add3A_299, %mul3A_301 : vector<16xi32>
    %add3A_303 = vector.broadcast %and3A_238 : i32 to vector<16xi32>
    %add3A_304 = arith.addi %mul3A_302, %add3A_303 : vector<16xi32>
    %gather3A_305 = tpu.vector_load_idx %arg7[%add3A_304] : memref<1024xf32, #tpu.memory_space<vmem>>[vector<16xi32>], vector<16xf32>,
    %add3A_306 = vector.broadcast %mul3A_32 : i32 to vector<16xi32>
    %add3A_307 = arith.addi %add3A_306, %add3A_304 : vector<16xi32>
    %gt3A_308 = arith.cmpf ogt, %gather3A_305, %select_n3A_295 : vector<16xf32>
    %eq3A_309 = arith.cmpf oeq, %gather3A_305, %select_n3A_295 : vector<16xf32>
    %lt3A_310 = arith.cmpi slt, %add3A_307, %select_n3A_296 : vector<16xi32>
    %and3A_311 = arith.andi %eq3A_309, %lt3A_310 : vector<16xi1>
    %or3A_312 = arith.ori %gt3A_308, %and3A_311 : vector<16xi1>
    %select_n3A_313 = arith.select %or3A_312, %gather3A_305, %select_n3A_295 : vector<16xi1>, vector<16xf32>
    %select_n3A_314 = arith.select %or3A_312, %add3A_307, %select_n3A_296 : vector<16xi1>, vector<16xi32>
    %reduce_max3A_315 = arith.constant true
    %reduce_max3A_316 = vector.broadcast %reduce_max3A_315 : i1 to vector<16xi1>
    %reduce_max3A_317 = tpu.scan <max>, %select_n3A_313 masked %reduce_max3A_316 : vector<16xf32>, vector<16xi1> -> vector<16xf32>
    %reduce_max3A_318 = vector.extract %reduce_max3A_317[15] : f32 from vector<16xf32>
    %eq3A_319 = vector.broadcast %reduce_max3A_318 : f32 to vector<16xf32>
    %eq3A_320 = arith.cmpf oeq, %select_n3A_313, %eq3A_319 : vector<16xf32>
    %jit3A_321 = arith.constant 1073741824 : i32
    %broadcast_in_dim3A_322 = vector.broadcast %jit3A_321 : i32 to vector<16xi32>
    %select_n3A_323 = arith.select %eq3A_320, %select_n3A_314, %broadcast_in_dim3A_322 : vector<16xi1>, vector<16xi32>
    %reduce_min3A_324 = arith.constant true
    %reduce_min3A_325 = vector.broadcast %reduce_min3A_324 : i1 to vector<16xi1>
    %reduce_min3A_326 = arith.constant -2147483648 : i32
    %reduce_min3A_327 = vector.broadcast %reduce_min3A_326 : i32 to vector<16xi32>
    %reduce_min3A_328 = arith.xori %select_n3A_323, %reduce_min3A_327 : vector<16xi32>
    %reduce_min3A_329 = tpu.scan <min>, %reduce_min3A_328 masked %reduce_min3A_325 : vector<16xi32>, vector<16xi1> -> vector<16xi32>
    %reduce_min3A_330 = arith.xori %reduce_min3A_329, %reduce_min3A_327 : vector<16xi32>
    %reduce_min3A_331 = vector.extract %reduce_min3A_330[15] : i32 from vector<16xi32>
    %eq3A_332 = vector.broadcast %and3A_238 : i32 to vector<16xi32>
    %eq3A_333 = arith.cmpi eq, %iota3A, %eq3A_332 : vector<16xi32>
    %broadcast_in_dim3A_334 = vector.broadcast %reduce_max3A_318 : f32 to vector<16xf32>
    %select_n3A_335 = arith.select %eq3A_333, %broadcast_in_dim3A_334, %select_n3A_194 : vector<16xi1>, vector<16xf32>
    %eq3A_336 = vector.broadcast %and3A_238 : i32 to vector<16xi32>
    %eq3A_337 = arith.cmpi eq, %iota3A, %eq3A_336 : vector<16xi32>
    %broadcast_in_dim3A_338 = vector.broadcast %reduce_min3A_331 : i32 to vector<16xi32>
    %select_n3A_339 = arith.select %eq3A_337, %broadcast_in_dim3A_338, %select_n3A_198 : vector<16xi1>, vector<16xi32>
    %reduce_max3A_340 = arith.constant true
    %reduce_max3A_341 = vector.broadcast %reduce_max3A_340 : i1 to vector<16xi1>
    %reduce_max3A_342 = tpu.scan <max>, %select_n3A_335 masked %reduce_max3A_341 : vector<16xf32>, vector<16xi1> -> vector<16xf32>
    %reduce_max3A_343 = vector.extract %reduce_max3A_342[15] : f32 from vector<16xf32>
    %eq3A_344 = vector.broadcast %reduce_max3A_343 : f32 to vector<16xf32>
    %eq3A_345 = arith.cmpf oeq, %select_n3A_335, %eq3A_344 : vector<16xf32>
    %jit3A_346 = arith.constant 1073741824 : i32
    %broadcast_in_dim3A_347 = vector.broadcast %jit3A_346 : i32 to vector<16xi32>
    %select_n3A_348 = arith.select %eq3A_345, %select_n3A_339, %broadcast_in_dim3A_347 : vector<16xi1>, vector<16xi32>
    %reduce_min3A_349 = arith.constant true
    %reduce_min3A_350 = vector.broadcast %reduce_min3A_349 : i1 to vector<16xi1>
    %reduce_min3A_351 = arith.constant -2147483648 : i32
    %reduce_min3A_352 = vector.broadcast %reduce_min3A_351 : i32 to vector<16xi32>
    %reduce_min3A_353 = arith.xori %select_n3A_348, %reduce_min3A_352 : vector<16xi32>
    %reduce_min3A_354 = tpu.scan <min>, %reduce_min3A_353 masked %reduce_min3A_350 : vector<16xi32>, vector<16xi1> -> vector<16xi32>
    %reduce_min3A_355 = arith.xori %reduce_min3A_354, %reduce_min3A_352 : vector<16xi32>
    %reduce_min3A_356 = vector.extract %reduce_min3A_355[15] : i32 from vector<16xi32>
    %eq3A_357 = arith.constant 2 : i32
    %eq3A_358 = vector.broadcast %eq3A_357 : i32 to vector<16xi32>
    %eq3A_359 = arith.cmpi eq, %iota3A, %eq3A_358 : vector<16xi32>
    %broadcast_in_dim3A_360 = vector.broadcast %reduce_max3A_343 : f32 to vector<16xf32>
    %select_n3A_361 = arith.select %eq3A_359, %broadcast_in_dim3A_360, %select_n3A_220 : vector<16xi1>, vector<16xf32>
    %eq3A_362 = arith.constant 2 : i32
    %eq3A_363 = vector.broadcast %eq3A_362 : i32 to vector<16xi32>
    %eq3A_364 = arith.cmpi eq, %iota3A, %eq3A_363 : vector<16xi32>
    %broadcast_in_dim3A_365 = vector.broadcast %reduce_min3A_356 : i32 to vector<16xi32>
    %select_n3A_366 = arith.select %eq3A_364, %broadcast_in_dim3A_365, %select_n3A_225 : vector<16xi1>, vector<16xi32>
    %broadcast_in_dim3A_367 = arith.constant 0 : i32
    %broadcast_in_dim3A_368 = vector.broadcast %broadcast_in_dim3A_367 : i32 to vector<16xi32>
    %sub3A_369 = arith.subi %reduce_min3A_356, %mul3A_32 : i32
    %add3A_370 = vector.broadcast %sub3A_369 : i32 to vector<16xi32>
    %add3A_371 = arith.addi %broadcast_in_dim3A_368, %add3A_370 : vector<16xi32>
    %broadcast_in_dim3A_372 = arith.constant 0xFF800000 : f32
    %broadcast_in_dim3A_373 = vector.broadcast %broadcast_in_dim3A_372 : f32 to vector<16xf32>
    %eq3A_374 = arith.constant 0 : i32
    %eq3A_375 = vector.broadcast %eq3A_374 : i32 to vector<16xi32>
    %eq3A_376 = arith.cmpi eq, %iota3A, %eq3A_375 : vector<16xi32>
    tpu.vector_store_idx %arg7[%add3A_371], %broadcast_in_dim3A_373 masked %eq3A_376 : memref<1024xf32, #tpu.memory_space<vmem>>[vector<16xi32>], vector<16xf32>, vector<16xi1>
    %sub3A_377 = arith.subi %reduce_min3A_356, %mul3A_32 : i32
    %and3A_378 = arith.constant 15 : i32
    %and3A_379 = arith.andi %sub3A_377, %and3A_378 : i32
    %broadcast_in_dim3A_380 = arith.constant 0xFF800000 : f32
    %broadcast_in_dim3A_381 = vector.broadcast %broadcast_in_dim3A_380 : f32 to vector<16xf32>
    %broadcast_in_dim3A_382 = arith.constant 1073741824 : i32
    %broadcast_in_dim3A_383 = vector.broadcast %broadcast_in_dim3A_382 : i32 to vector<16xi32>
    %add3A_384 = arith.constant 0 : i32
    %add3A_385 = vector.broadcast %add3A_384 : i32 to vector<16xi32>
    %add3A_386 = arith.addi %add3A_385, %iota3A : vector<16xi32>
    %mul3A_387 = arith.constant 16 : i32
    %mul3A_388 = vector.broadcast %mul3A_387 : i32 to vector<16xi32>
    %mul3A_389 = arith.muli %add3A_386, %mul3A_388 : vector<16xi32>
    %add3A_390 = vector.broadcast %and3A_379 : i32 to vector<16xi32>
    %add3A_391 = arith.addi %mul3A_389, %add3A_390 : vector<16xi32>
    %gather3A_392 = tpu.vector_load_idx %arg7[%add3A_391] : memref<1024xf32, #tpu.memory_space<vmem>>[vector<16xi32>], vector<16xf32>,
    %add3A_393 = vector.broadcast %mul3A_32 : i32 to vector<16xi32>
    %add3A_394 = arith.addi %add3A_393, %add3A_391 : vector<16xi32>
    %gt3A_395 = arith.cmpf ogt, %gather3A_392, %broadcast_in_dim3A_381 : vector<16xf32>
    %eq3A_396 = arith.cmpf oeq, %gather3A_392, %broadcast_in_dim3A_381 : vector<16xf32>
    %lt3A_397 = arith.cmpi slt, %add3A_394, %broadcast_in_dim3A_383 : vector<16xi32>
    %and3A_398 = arith.andi %eq3A_396, %lt3A_397 : vector<16xi1>
    %or3A_399 = arith.ori %gt3A_395, %and3A_398 : vector<16xi1>
    %select_n3A_400 = arith.select %or3A_399, %gather3A_392, %broadcast_in_dim3A_381 : vector<16xi1>, vector<16xf32>
    %select_n3A_401 = arith.select %or3A_399, %add3A_394, %broadcast_in_dim3A_383 : vector<16xi1>, vector<16xi32>
    %add3A_402 = arith.constant 16 : i32
    %add3A_403 = vector.broadcast %add3A_402 : i32 to vector<16xi32>
    %add3A_404 = arith.addi %add3A_403, %iota3A : vector<16xi32>
    %mul3A_405 = arith.constant 16 : i32
    %mul3A_406 = vector.broadcast %mul3A_405 : i32 to vector<16xi32>
    %mul3A_407 = arith.muli %add3A_404, %mul3A_406 : vector<16xi32>
    %add3A_408 = vector.broadcast %and3A_379 : i32 to vector<16xi32>
    %add3A_409 = arith.addi %mul3A_407, %add3A_408 : vector<16xi32>
    %gather3A_410 = tpu.vector_load_idx %arg7[%add3A_409] : memref<1024xf32, #tpu.memory_space<vmem>>[vector<16xi32>], vector<16xf32>,
    %add3A_411 = vector.broadcast %mul3A_32 : i32 to vector<16xi32>
    %add3A_412 = arith.addi %add3A_411, %add3A_409 : vector<16xi32>
    %gt3A_413 = arith.cmpf ogt, %gather3A_410, %select_n3A_400 : vector<16xf32>
    %eq3A_414 = arith.cmpf oeq, %gather3A_410, %select_n3A_400 : vector<16xf32>
    %lt3A_415 = arith.cmpi slt, %add3A_412, %select_n3A_401 : vector<16xi32>
    %and3A_416 = arith.andi %eq3A_414, %lt3A_415 : vector<16xi1>
    %or3A_417 = arith.ori %gt3A_413, %and3A_416 : vector<16xi1>
    %select_n3A_418 = arith.select %or3A_417, %gather3A_410, %select_n3A_400 : vector<16xi1>, vector<16xf32>
    %select_n3A_419 = arith.select %or3A_417, %add3A_412, %select_n3A_401 : vector<16xi1>, vector<16xi32>
    %add3A_420 = arith.constant 32 : i32
    %add3A_421 = vector.broadcast %add3A_420 : i32 to vector<16xi32>
    %add3A_422 = arith.addi %add3A_421, %iota3A : vector<16xi32>
    %mul3A_423 = arith.constant 16 : i32
    %mul3A_424 = vector.broadcast %mul3A_423 : i32 to vector<16xi32>
    %mul3A_425 = arith.muli %add3A_422, %mul3A_424 : vector<16xi32>
    %add3A_426 = vector.broadcast %and3A_379 : i32 to vector<16xi32>
    %add3A_427 = arith.addi %mul3A_425, %add3A_426 : vector<16xi32>
    %gather3A_428 = tpu.vector_load_idx %arg7[%add3A_427] : memref<1024xf32, #tpu.memory_space<vmem>>[vector<16xi32>], vector<16xf32>,
    %add3A_429 = vector.broadcast %mul3A_32 : i32 to vector<16xi32>
    %add3A_430 = arith.addi %add3A_429, %add3A_427 : vector<16xi32>
    %gt3A_431 = arith.cmpf ogt, %gather3A_428, %select_n3A_418 : vector<16xf32>
    %eq3A_432 = arith.cmpf oeq, %gather3A_428, %select_n3A_418 : vector<16xf32>
    %lt3A_433 = arith.cmpi slt, %add3A_430, %select_n3A_419 : vector<16xi32>
    %and3A_434 = arith.andi %eq3A_432, %lt3A_433 : vector<16xi1>
    %or3A_435 = arith.ori %gt3A_431, %and3A_434 : vector<16xi1>
    %select_n3A_436 = arith.select %or3A_435, %gather3A_428, %select_n3A_418 : vector<16xi1>, vector<16xf32>
    %select_n3A_437 = arith.select %or3A_435, %add3A_430, %select_n3A_419 : vector<16xi1>, vector<16xi32>
    %add3A_438 = arith.constant 48 : i32
    %add3A_439 = vector.broadcast %add3A_438 : i32 to vector<16xi32>
    %add3A_440 = arith.addi %add3A_439, %iota3A : vector<16xi32>
    %mul3A_441 = arith.constant 16 : i32
    %mul3A_442 = vector.broadcast %mul3A_441 : i32 to vector<16xi32>
    %mul3A_443 = arith.muli %add3A_440, %mul3A_442 : vector<16xi32>
    %add3A_444 = vector.broadcast %and3A_379 : i32 to vector<16xi32>
    %add3A_445 = arith.addi %mul3A_443, %add3A_444 : vector<16xi32>
    %gather3A_446 = tpu.vector_load_idx %arg7[%add3A_445] : memref<1024xf32, #tpu.memory_space<vmem>>[vector<16xi32>], vector<16xf32>,
    %add3A_447 = vector.broadcast %mul3A_32 : i32 to vector<16xi32>
    %add3A_448 = arith.addi %add3A_447, %add3A_445 : vector<16xi32>
    %gt3A_449 = arith.cmpf ogt, %gather3A_446, %select_n3A_436 : vector<16xf32>
    %eq3A_450 = arith.cmpf oeq, %gather3A_446, %select_n3A_436 : vector<16xf32>
    %lt3A_451 = arith.cmpi slt, %add3A_448, %select_n3A_437 : vector<16xi32>
    %and3A_452 = arith.andi %eq3A_450, %lt3A_451 : vector<16xi1>
    %or3A_453 = arith.ori %gt3A_449, %and3A_452 : vector<16xi1>
    %select_n3A_454 = arith.select %or3A_453, %gather3A_446, %select_n3A_436 : vector<16xi1>, vector<16xf32>
    %select_n3A_455 = arith.select %or3A_453, %add3A_448, %select_n3A_437 : vector<16xi1>, vector<16xi32>
    %reduce_max3A_456 = arith.constant true
    %reduce_max3A_457 = vector.broadcast %reduce_max3A_456 : i1 to vector<16xi1>
    %reduce_max3A_458 = tpu.scan <max>, %select_n3A_454 masked %reduce_max3A_457 : vector<16xf32>, vector<16xi1> -> vector<16xf32>
    %reduce_max3A_459 = vector.extract %reduce_max3A_458[15] : f32 from vector<16xf32>
    %eq3A_460 = vector.broadcast %reduce_max3A_459 : f32 to vector<16xf32>
    %eq3A_461 = arith.cmpf oeq, %select_n3A_454, %eq3A_460 : vector<16xf32>
    %jit3A_462 = arith.constant 1073741824 : i32
    %broadcast_in_dim3A_463 = vector.broadcast %jit3A_462 : i32 to vector<16xi32>
    %select_n3A_464 = arith.select %eq3A_461, %select_n3A_455, %broadcast_in_dim3A_463 : vector<16xi1>, vector<16xi32>
    %reduce_min3A_465 = arith.constant true
    %reduce_min3A_466 = vector.broadcast %reduce_min3A_465 : i1 to vector<16xi1>
    %reduce_min3A_467 = arith.constant -2147483648 : i32
    %reduce_min3A_468 = vector.broadcast %reduce_min3A_467 : i32 to vector<16xi32>
    %reduce_min3A_469 = arith.xori %select_n3A_464, %reduce_min3A_468 : vector<16xi32>
    %reduce_min3A_470 = tpu.scan <min>, %reduce_min3A_469 masked %reduce_min3A_466 : vector<16xi32>, vector<16xi1> -> vector<16xi32>
    %reduce_min3A_471 = arith.xori %reduce_min3A_470, %reduce_min3A_468 : vector<16xi32>
    %reduce_min3A_472 = vector.extract %reduce_min3A_471[15] : i32 from vector<16xi32>
    %eq3A_473 = vector.broadcast %and3A_379 : i32 to vector<16xi32>
    %eq3A_474 = arith.cmpi eq, %iota3A, %eq3A_473 : vector<16xi32>
    %broadcast_in_dim3A_475 = vector.broadcast %reduce_max3A_459 : f32 to vector<16xf32>
    %select_n3A_476 = arith.select %eq3A_474, %broadcast_in_dim3A_475, %select_n3A_335 : vector<16xi1>, vector<16xf32>
    %eq3A_477 = vector.broadcast %and3A_379 : i32 to vector<16xi32>
    %eq3A_478 = arith.cmpi eq, %iota3A, %eq3A_477 : vector<16xi32>
    %broadcast_in_dim3A_479 = vector.broadcast %reduce_min3A_472 : i32 to vector<16xi32>
    %select_n3A_480 = arith.select %eq3A_478, %broadcast_in_dim3A_479, %select_n3A_339 : vector<16xi1>, vector<16xi32>
    %reduce_max3A_481 = arith.constant true
    %reduce_max3A_482 = vector.broadcast %reduce_max3A_481 : i1 to vector<16xi1>
    %reduce_max3A_483 = tpu.scan <max>, %select_n3A_476 masked %reduce_max3A_482 : vector<16xf32>, vector<16xi1> -> vector<16xf32>
    %reduce_max3A_484 = vector.extract %reduce_max3A_483[15] : f32 from vector<16xf32>
    %eq3A_485 = vector.broadcast %reduce_max3A_484 : f32 to vector<16xf32>
    %eq3A_486 = arith.cmpf oeq, %select_n3A_476, %eq3A_485 : vector<16xf32>
    %jit3A_487 = arith.constant 1073741824 : i32
    %broadcast_in_dim3A_488 = vector.broadcast %jit3A_487 : i32 to vector<16xi32>
    %select_n3A_489 = arith.select %eq3A_486, %select_n3A_480, %broadcast_in_dim3A_488 : vector<16xi1>, vector<16xi32>
    %reduce_min3A_490 = arith.constant true
    %reduce_min3A_491 = vector.broadcast %reduce_min3A_490 : i1 to vector<16xi1>
    %reduce_min3A_492 = arith.constant -2147483648 : i32
    %reduce_min3A_493 = vector.broadcast %reduce_min3A_492 : i32 to vector<16xi32>
    %reduce_min3A_494 = arith.xori %select_n3A_489, %reduce_min3A_493 : vector<16xi32>
    %reduce_min3A_495 = tpu.scan <min>, %reduce_min3A_494 masked %reduce_min3A_491 : vector<16xi32>, vector<16xi1> -> vector<16xi32>
    %reduce_min3A_496 = arith.xori %reduce_min3A_495, %reduce_min3A_493 : vector<16xi32>
    %reduce_min3A_497 = vector.extract %reduce_min3A_496[15] : i32 from vector<16xi32>
    %eq3A_498 = arith.constant 3 : i32
    %eq3A_499 = vector.broadcast %eq3A_498 : i32 to vector<16xi32>
    %eq3A_500 = arith.cmpi eq, %iota3A, %eq3A_499 : vector<16xi32>
    %broadcast_in_dim3A_501 = vector.broadcast %reduce_max3A_484 : f32 to vector<16xf32>
    %select_n3A_502 = arith.select %eq3A_500, %broadcast_in_dim3A_501, %select_n3A_361 : vector<16xi1>, vector<16xf32>
    %eq3A_503 = arith.constant 3 : i32
    %eq3A_504 = vector.broadcast %eq3A_503 : i32 to vector<16xi32>
    %eq3A_505 = arith.cmpi eq, %iota3A, %eq3A_504 : vector<16xi32>
    %broadcast_in_dim3A_506 = vector.broadcast %reduce_min3A_497 : i32 to vector<16xi32>
    %select_n3A_507 = arith.select %eq3A_505, %broadcast_in_dim3A_506, %select_n3A_366 : vector<16xi1>, vector<16xi32>
    %broadcast_in_dim3A_508 = arith.constant 0 : i32
    %broadcast_in_dim3A_509 = vector.broadcast %broadcast_in_dim3A_508 : i32 to vector<16xi32>
    %sub3A_510 = arith.subi %reduce_min3A_497, %mul3A_32 : i32
    %add3A_511 = vector.broadcast %sub3A_510 : i32 to vector<16xi32>
    %add3A_512 = arith.addi %broadcast_in_dim3A_509, %add3A_511 : vector<16xi32>
    %broadcast_in_dim3A_513 = arith.constant 0xFF800000 : f32
    %broadcast_in_dim3A_514 = vector.broadcast %broadcast_in_dim3A_513 : f32 to vector<16xf32>
    %eq3A_515 = arith.constant 0 : i32
    %eq3A_516 = vector.broadcast %eq3A_515 : i32 to vector<16xi32>
    %eq3A_517 = arith.cmpi eq, %iota3A, %eq3A_516 : vector<16xi32>
    tpu.vector_store_idx %arg7[%add3A_512], %broadcast_in_dim3A_514 masked %eq3A_517 : memref<1024xf32, #tpu.memory_space<vmem>>[vector<16xi32>], vector<16xf32>, vector<16xi1>
    %sub3A_518 = arith.subi %reduce_min3A_497, %mul3A_32 : i32
    %and3A_519 = arith.constant 15 : i32
    %and3A_520 = arith.andi %sub3A_518, %and3A_519 : i32
    %broadcast_in_dim3A_521 = arith.constant 0xFF800000 : f32
    %broadcast_in_dim3A_522 = vector.broadcast %broadcast_in_dim3A_521 : f32 to vector<16xf32>
    %broadcast_in_dim3A_523 = arith.constant 1073741824 : i32
    %broadcast_in_dim3A_524 = vector.broadcast %broadcast_in_dim3A_523 : i32 to vector<16xi32>
    %add3A_525 = arith.constant 0 : i32
    %add3A_526 = vector.broadcast %add3A_525 : i32 to vector<16xi32>
    %add3A_527 = arith.addi %add3A_526, %iota3A : vector<16xi32>
    %mul3A_528 = arith.constant 16 : i32
    %mul3A_529 = vector.broadcast %mul3A_528 : i32 to vector<16xi32>
    %mul3A_530 = arith.muli %add3A_527, %mul3A_529 : vector<16xi32>
    %add3A_531 = vector.broadcast %and3A_520 : i32 to vector<16xi32>
    %add3A_532 = arith.addi %mul3A_530, %add3A_531 : vector<16xi32>
    %gather3A_533 = tpu.vector_load_idx %arg7[%add3A_532] : memref<1024xf32, #tpu.memory_space<vmem>>[vector<16xi32>], vector<16xf32>,
    %add3A_534 = vector.broadcast %mul3A_32 : i32 to vector<16xi32>
    %add3A_535 = arith.addi %add3A_534, %add3A_532 : vector<16xi32>
    %gt3A_536 = arith.cmpf ogt, %gather3A_533, %broadcast_in_dim3A_522 : vector<16xf32>
    %eq3A_537 = arith.cmpf oeq, %gather3A_533, %broadcast_in_dim3A_522 : vector<16xf32>
    %lt3A_538 = arith.cmpi slt, %add3A_535, %broadcast_in_dim3A_524 : vector<16xi32>
    %and3A_539 = arith.andi %eq3A_537, %lt3A_538 : vector<16xi1>
    %or3A_540 = arith.ori %gt3A_536, %and3A_539 : vector<16xi1>
    %select_n3A_541 = arith.select %or3A_540, %gather3A_533, %broadcast_in_dim3A_522 : vector<16xi1>, vector<16xf32>
    %select_n3A_542 = arith.select %or3A_540, %add3A_535, %broadcast_in_dim3A_524 : vector<16xi1>, vector<16xi32>
    %add3A_543 = arith.constant 16 : i32
    %add3A_544 = vector.broadcast %add3A_543 : i32 to vector<16xi32>
    %add3A_545 = arith.addi %add3A_544, %iota3A : vector<16xi32>
    %mul3A_546 = arith.constant 16 : i32
    %mul3A_547 = vector.broadcast %mul3A_546 : i32 to vector<16xi32>
    %mul3A_548 = arith.muli %add3A_545, %mul3A_547 : vector<16xi32>
    %add3A_549 = vector.broadcast %and3A_520 : i32 to vector<16xi32>
    %add3A_550 = arith.addi %mul3A_548, %add3A_549 : vector<16xi32>
    %gather3A_551 = tpu.vector_load_idx %arg7[%add3A_550] : memref<1024xf32, #tpu.memory_space<vmem>>[vector<16xi32>], vector<16xf32>,
    %add3A_552 = vector.broadcast %mul3A_32 : i32 to vector<16xi32>
    %add3A_553 = arith.addi %add3A_552, %add3A_550 : vector<16xi32>
    %gt3A_554 = arith.cmpf ogt, %gather3A_551, %select_n3A_541 : vector<16xf32>
    %eq3A_555 = arith.cmpf oeq, %gather3A_551, %select_n3A_541 : vector<16xf32>
    %lt3A_556 = arith.cmpi slt, %add3A_553, %select_n3A_542 : vector<16xi32>
    %and3A_557 = arith.andi %eq3A_555, %lt3A_556 : vector<16xi1>
    %or3A_558 = arith.ori %gt3A_554, %and3A_557 : vector<16xi1>
    %select_n3A_559 = arith.select %or3A_558, %gather3A_551, %select_n3A_541 : vector<16xi1>, vector<16xf32>
    %select_n3A_560 = arith.select %or3A_558, %add3A_553, %select_n3A_542 : vector<16xi1>, vector<16xi32>
    %add3A_561 = arith.constant 32 : i32
    %add3A_562 = vector.broadcast %add3A_561 : i32 to vector<16xi32>
    %add3A_563 = arith.addi %add3A_562, %iota3A : vector<16xi32>
    %mul3A_564 = arith.constant 16 : i32
    %mul3A_565 = vector.broadcast %mul3A_564 : i32 to vector<16xi32>
    %mul3A_566 = arith.muli %add3A_563, %mul3A_565 : vector<16xi32>
    %add3A_567 = vector.broadcast %and3A_520 : i32 to vector<16xi32>
    %add3A_568 = arith.addi %mul3A_566, %add3A_567 : vector<16xi32>
    %gather3A_569 = tpu.vector_load_idx %arg7[%add3A_568] : memref<1024xf32, #tpu.memory_space<vmem>>[vector<16xi32>], vector<16xf32>,
    %add3A_570 = vector.broadcast %mul3A_32 : i32 to vector<16xi32>
    %add3A_571 = arith.addi %add3A_570, %add3A_568 : vector<16xi32>
    %gt3A_572 = arith.cmpf ogt, %gather3A_569, %select_n3A_559 : vector<16xf32>
    %eq3A_573 = arith.cmpf oeq, %gather3A_569, %select_n3A_559 : vector<16xf32>
    %lt3A_574 = arith.cmpi slt, %add3A_571, %select_n3A_560 : vector<16xi32>
    %and3A_575 = arith.andi %eq3A_573, %lt3A_574 : vector<16xi1>
    %or3A_576 = arith.ori %gt3A_572, %and3A_575 : vector<16xi1>
    %select_n3A_577 = arith.select %or3A_576, %gather3A_569, %select_n3A_559 : vector<16xi1>, vector<16xf32>
    %select_n3A_578 = arith.select %or3A_576, %add3A_571, %select_n3A_560 : vector<16xi1>, vector<16xi32>
    %add3A_579 = arith.constant 48 : i32
    %add3A_580 = vector.broadcast %add3A_579 : i32 to vector<16xi32>
    %add3A_581 = arith.addi %add3A_580, %iota3A : vector<16xi32>
    %mul3A_582 = arith.constant 16 : i32
    %mul3A_583 = vector.broadcast %mul3A_582 : i32 to vector<16xi32>
    %mul3A_584 = arith.muli %add3A_581, %mul3A_583 : vector<16xi32>
    %add3A_585 = vector.broadcast %and3A_520 : i32 to vector<16xi32>
    %add3A_586 = arith.addi %mul3A_584, %add3A_585 : vector<16xi32>
    %gather3A_587 = tpu.vector_load_idx %arg7[%add3A_586] : memref<1024xf32, #tpu.memory_space<vmem>>[vector<16xi32>], vector<16xf32>,
    %add3A_588 = vector.broadcast %mul3A_32 : i32 to vector<16xi32>
    %add3A_589 = arith.addi %add3A_588, %add3A_586 : vector<16xi32>
    %gt3A_590 = arith.cmpf ogt, %gather3A_587, %select_n3A_577 : vector<16xf32>
    %eq3A_591 = arith.cmpf oeq, %gather3A_587, %select_n3A_577 : vector<16xf32>
    %lt3A_592 = arith.cmpi slt, %add3A_589, %select_n3A_578 : vector<16xi32>
    %and3A_593 = arith.andi %eq3A_591, %lt3A_592 : vector<16xi1>
    %or3A_594 = arith.ori %gt3A_590, %and3A_593 : vector<16xi1>
    %select_n3A_595 = arith.select %or3A_594, %gather3A_587, %select_n3A_577 : vector<16xi1>, vector<16xf32>
    %select_n3A_596 = arith.select %or3A_594, %add3A_589, %select_n3A_578 : vector<16xi1>, vector<16xi32>
    %reduce_max3A_597 = arith.constant true
    %reduce_max3A_598 = vector.broadcast %reduce_max3A_597 : i1 to vector<16xi1>
    %reduce_max3A_599 = tpu.scan <max>, %select_n3A_595 masked %reduce_max3A_598 : vector<16xf32>, vector<16xi1> -> vector<16xf32>
    %reduce_max3A_600 = vector.extract %reduce_max3A_599[15] : f32 from vector<16xf32>
    %eq3A_601 = vector.broadcast %reduce_max3A_600 : f32 to vector<16xf32>
    %eq3A_602 = arith.cmpf oeq, %select_n3A_595, %eq3A_601 : vector<16xf32>
    %jit3A_603 = arith.constant 1073741824 : i32
    %broadcast_in_dim3A_604 = vector.broadcast %jit3A_603 : i32 to vector<16xi32>
    %select_n3A_605 = arith.select %eq3A_602, %select_n3A_596, %broadcast_in_dim3A_604 : vector<16xi1>, vector<16xi32>
    %reduce_min3A_606 = arith.constant true
    %reduce_min3A_607 = vector.broadcast %reduce_min3A_606 : i1 to vector<16xi1>
    %reduce_min3A_608 = arith.constant -2147483648 : i32
    %reduce_min3A_609 = vector.broadcast %reduce_min3A_608 : i32 to vector<16xi32>
    %reduce_min3A_610 = arith.xori %select_n3A_605, %reduce_min3A_609 : vector<16xi32>
    %reduce_min3A_611 = tpu.scan <min>, %reduce_min3A_610 masked %reduce_min3A_607 : vector<16xi32>, vector<16xi1> -> vector<16xi32>
    %reduce_min3A_612 = arith.xori %reduce_min3A_611, %reduce_min3A_609 : vector<16xi32>
    %reduce_min3A_613 = vector.extract %reduce_min3A_612[15] : i32 from vector<16xi32>
    %eq3A_614 = vector.broadcast %and3A_520 : i32 to vector<16xi32>
    %eq3A_615 = arith.cmpi eq, %iota3A, %eq3A_614 : vector<16xi32>
    %broadcast_in_dim3A_616 = vector.broadcast %reduce_max3A_600 : f32 to vector<16xf32>
    %select_n3A_617 = arith.select %eq3A_615, %broadcast_in_dim3A_616, %select_n3A_476 : vector<16xi1>, vector<16xf32>
    %eq3A_618 = vector.broadcast %and3A_520 : i32 to vector<16xi32>
    %eq3A_619 = arith.cmpi eq, %iota3A, %eq3A_618 : vector<16xi32>
    %broadcast_in_dim3A_620 = vector.broadcast %reduce_min3A_613 : i32 to vector<16xi32>
    %select_n3A_621 = arith.select %eq3A_619, %broadcast_in_dim3A_620, %select_n3A_480 : vector<16xi1>, vector<16xi32>
    %reduce_max3A_622 = arith.constant true
    %reduce_max3A_623 = vector.broadcast %reduce_max3A_622 : i1 to vector<16xi1>
    %reduce_max3A_624 = tpu.scan <max>, %select_n3A_617 masked %reduce_max3A_623 : vector<16xf32>, vector<16xi1> -> vector<16xf32>
    %reduce_max3A_625 = vector.extract %reduce_max3A_624[15] : f32 from vector<16xf32>
    %eq3A_626 = vector.broadcast %reduce_max3A_625 : f32 to vector<16xf32>
    %eq3A_627 = arith.cmpf oeq, %select_n3A_617, %eq3A_626 : vector<16xf32>
    %jit3A_628 = arith.constant 1073741824 : i32
    %broadcast_in_dim3A_629 = vector.broadcast %jit3A_628 : i32 to vector<16xi32>
    %select_n3A_630 = arith.select %eq3A_627, %select_n3A_621, %broadcast_in_dim3A_629 : vector<16xi1>, vector<16xi32>
    %reduce_min3A_631 = arith.constant true
    %reduce_min3A_632 = vector.broadcast %reduce_min3A_631 : i1 to vector<16xi1>
    %reduce_min3A_633 = arith.constant -2147483648 : i32
    %reduce_min3A_634 = vector.broadcast %reduce_min3A_633 : i32 to vector<16xi32>
    %reduce_min3A_635 = arith.xori %select_n3A_630, %reduce_min3A_634 : vector<16xi32>
    %reduce_min3A_636 = tpu.scan <min>, %reduce_min3A_635 masked %reduce_min3A_632 : vector<16xi32>, vector<16xi1> -> vector<16xi32>
    %reduce_min3A_637 = arith.xori %reduce_min3A_636, %reduce_min3A_634 : vector<16xi32>
    %reduce_min3A_638 = vector.extract %reduce_min3A_637[15] : i32 from vector<16xi32>
    %eq3A_639 = arith.constant 4 : i32
    %eq3A_640 = vector.broadcast %eq3A_639 : i32 to vector<16xi32>
    %eq3A_641 = arith.cmpi eq, %iota3A, %eq3A_640 : vector<16xi32>
    %broadcast_in_dim3A_642 = vector.broadcast %reduce_max3A_625 : f32 to vector<16xf32>
    %select_n3A_643 = arith.select %eq3A_641, %broadcast_in_dim3A_642, %select_n3A_502 : vector<16xi1>, vector<16xf32>
    %eq3A_644 = arith.constant 4 : i32
    %eq3A_645 = vector.broadcast %eq3A_644 : i32 to vector<16xi32>
    %eq3A_646 = arith.cmpi eq, %iota3A, %eq3A_645 : vector<16xi32>
    %broadcast_in_dim3A_647 = vector.broadcast %reduce_min3A_638 : i32 to vector<16xi32>
    %select_n3A_648 = arith.select %eq3A_646, %broadcast_in_dim3A_647, %select_n3A_507 : vector<16xi1>, vector<16xi32>
    %broadcast_in_dim3A_649 = arith.constant 0 : i32
    %broadcast_in_dim3A_650 = vector.broadcast %broadcast_in_dim3A_649 : i32 to vector<16xi32>
    %sub3A_651 = arith.subi %reduce_min3A_638, %mul3A_32 : i32
    %add3A_652 = vector.broadcast %sub3A_651 : i32 to vector<16xi32>
    %add3A_653 = arith.addi %broadcast_in_dim3A_650, %add3A_652 : vector<16xi32>
    %broadcast_in_dim3A_654 = arith.constant 0xFF800000 : f32
    %broadcast_in_dim3A_655 = vector.broadcast %broadcast_in_dim3A_654 : f32 to vector<16xf32>
    %eq3A_656 = arith.constant 0 : i32
    %eq3A_657 = vector.broadcast %eq3A_656 : i32 to vector<16xi32>
    %eq3A_658 = arith.cmpi eq, %iota3A, %eq3A_657 : vector<16xi32>
    tpu.vector_store_idx %arg7[%add3A_653], %broadcast_in_dim3A_655 masked %eq3A_658 : memref<1024xf32, #tpu.memory_space<vmem>>[vector<16xi32>], vector<16xf32>, vector<16xi1>
    %sub3A_659 = arith.subi %reduce_min3A_638, %mul3A_32 : i32
    %and3A_660 = arith.constant 15 : i32
    %and3A_661 = arith.andi %sub3A_659, %and3A_660 : i32
    %broadcast_in_dim3A_662 = arith.constant 0xFF800000 : f32
    %broadcast_in_dim3A_663 = vector.broadcast %broadcast_in_dim3A_662 : f32 to vector<16xf32>
    %broadcast_in_dim3A_664 = arith.constant 1073741824 : i32
    %broadcast_in_dim3A_665 = vector.broadcast %broadcast_in_dim3A_664 : i32 to vector<16xi32>
    %add3A_666 = arith.constant 0 : i32
    %add3A_667 = vector.broadcast %add3A_666 : i32 to vector<16xi32>
    %add3A_668 = arith.addi %add3A_667, %iota3A : vector<16xi32>
    %mul3A_669 = arith.constant 16 : i32
    %mul3A_670 = vector.broadcast %mul3A_669 : i32 to vector<16xi32>
    %mul3A_671 = arith.muli %add3A_668, %mul3A_670 : vector<16xi32>
    %add3A_672 = vector.broadcast %and3A_661 : i32 to vector<16xi32>
    %add3A_673 = arith.addi %mul3A_671, %add3A_672 : vector<16xi32>
    %gather3A_674 = tpu.vector_load_idx %arg7[%add3A_673] : memref<1024xf32, #tpu.memory_space<vmem>>[vector<16xi32>], vector<16xf32>,
    %add3A_675 = vector.broadcast %mul3A_32 : i32 to vector<16xi32>
    %add3A_676 = arith.addi %add3A_675, %add3A_673 : vector<16xi32>
    %gt3A_677 = arith.cmpf ogt, %gather3A_674, %broadcast_in_dim3A_663 : vector<16xf32>
    %eq3A_678 = arith.cmpf oeq, %gather3A_674, %broadcast_in_dim3A_663 : vector<16xf32>
    %lt3A_679 = arith.cmpi slt, %add3A_676, %broadcast_in_dim3A_665 : vector<16xi32>
    %and3A_680 = arith.andi %eq3A_678, %lt3A_679 : vector<16xi1>
    %or3A_681 = arith.ori %gt3A_677, %and3A_680 : vector<16xi1>
    %select_n3A_682 = arith.select %or3A_681, %gather3A_674, %broadcast_in_dim3A_663 : vector<16xi1>, vector<16xf32>
    %select_n3A_683 = arith.select %or3A_681, %add3A_676, %broadcast_in_dim3A_665 : vector<16xi1>, vector<16xi32>
    %add3A_684 = arith.constant 16 : i32
    %add3A_685 = vector.broadcast %add3A_684 : i32 to vector<16xi32>
    %add3A_686 = arith.addi %add3A_685, %iota3A : vector<16xi32>
    %mul3A_687 = arith.constant 16 : i32
    %mul3A_688 = vector.broadcast %mul3A_687 : i32 to vector<16xi32>
    %mul3A_689 = arith.muli %add3A_686, %mul3A_688 : vector<16xi32>
    %add3A_690 = vector.broadcast %and3A_661 : i32 to vector<16xi32>
    %add3A_691 = arith.addi %mul3A_689, %add3A_690 : vector<16xi32>
    %gather3A_692 = tpu.vector_load_idx %arg7[%add3A_691] : memref<1024xf32, #tpu.memory_space<vmem>>[vector<16xi32>], vector<16xf32>,
    %add3A_693 = vector.broadcast %mul3A_32 : i32 to vector<16xi32>
    %add3A_694 = arith.addi %add3A_693, %add3A_691 : vector<16xi32>
    %gt3A_695 = arith.cmpf ogt, %gather3A_692, %select_n3A_682 : vector<16xf32>
    %eq3A_696 = arith.cmpf oeq, %gather3A_692, %select_n3A_682 : vector<16xf32>
    %lt3A_697 = arith.cmpi slt, %add3A_694, %select_n3A_683 : vector<16xi32>
    %and3A_698 = arith.andi %eq3A_696, %lt3A_697 : vector<16xi1>
    %or3A_699 = arith.ori %gt3A_695, %and3A_698 : vector<16xi1>
    %select_n3A_700 = arith.select %or3A_699, %gather3A_692, %select_n3A_682 : vector<16xi1>, vector<16xf32>
    %select_n3A_701 = arith.select %or3A_699, %add3A_694, %select_n3A_683 : vector<16xi1>, vector<16xi32>
    %add3A_702 = arith.constant 32 : i32
    %add3A_703 = vector.broadcast %add3A_702 : i32 to vector<16xi32>
    %add3A_704 = arith.addi %add3A_703, %iota3A : vector<16xi32>
    %mul3A_705 = arith.constant 16 : i32
    %mul3A_706 = vector.broadcast %mul3A_705 : i32 to vector<16xi32>
    %mul3A_707 = arith.muli %add3A_704, %mul3A_706 : vector<16xi32>
    %add3A_708 = vector.broadcast %and3A_661 : i32 to vector<16xi32>
    %add3A_709 = arith.addi %mul3A_707, %add3A_708 : vector<16xi32>
    %gather3A_710 = tpu.vector_load_idx %arg7[%add3A_709] : memref<1024xf32, #tpu.memory_space<vmem>>[vector<16xi32>], vector<16xf32>,
    %add3A_711 = vector.broadcast %mul3A_32 : i32 to vector<16xi32>
    %add3A_712 = arith.addi %add3A_711, %add3A_709 : vector<16xi32>
    %gt3A_713 = arith.cmpf ogt, %gather3A_710, %select_n3A_700 : vector<16xf32>
    %eq3A_714 = arith.cmpf oeq, %gather3A_710, %select_n3A_700 : vector<16xf32>
    %lt3A_715 = arith.cmpi slt, %add3A_712, %select_n3A_701 : vector<16xi32>
    %and3A_716 = arith.andi %eq3A_714, %lt3A_715 : vector<16xi1>
    %or3A_717 = arith.ori %gt3A_713, %and3A_716 : vector<16xi1>
    %select_n3A_718 = arith.select %or3A_717, %gather3A_710, %select_n3A_700 : vector<16xi1>, vector<16xf32>
    %select_n3A_719 = arith.select %or3A_717, %add3A_712, %select_n3A_701 : vector<16xi1>, vector<16xi32>
    %add3A_720 = arith.constant 48 : i32
    %add3A_721 = vector.broadcast %add3A_720 : i32 to vector<16xi32>
    %add3A_722 = arith.addi %add3A_721, %iota3A : vector<16xi32>
    %mul3A_723 = arith.constant 16 : i32
    %mul3A_724 = vector.broadcast %mul3A_723 : i32 to vector<16xi32>
    %mul3A_725 = arith.muli %add3A_722, %mul3A_724 : vector<16xi32>
    %add3A_726 = vector.broadcast %and3A_661 : i32 to vector<16xi32>
    %add3A_727 = arith.addi %mul3A_725, %add3A_726 : vector<16xi32>
    %gather3A_728 = tpu.vector_load_idx %arg7[%add3A_727] : memref<1024xf32, #tpu.memory_space<vmem>>[vector<16xi32>], vector<16xf32>,
    %add3A_729 = vector.broadcast %mul3A_32 : i32 to vector<16xi32>
    %add3A_730 = arith.addi %add3A_729, %add3A_727 : vector<16xi32>
    %gt3A_731 = arith.cmpf ogt, %gather3A_728, %select_n3A_718 : vector<16xf32>
    %eq3A_732 = arith.cmpf oeq, %gather3A_728, %select_n3A_718 : vector<16xf32>
    %lt3A_733 = arith.cmpi slt, %add3A_730, %select_n3A_719 : vector<16xi32>
    %and3A_734 = arith.andi %eq3A_732, %lt3A_733 : vector<16xi1>
    %or3A_735 = arith.ori %gt3A_731, %and3A_734 : vector<16xi1>
    %select_n3A_736 = arith.select %or3A_735, %gather3A_728, %select_n3A_718 : vector<16xi1>, vector<16xf32>
    %select_n3A_737 = arith.select %or3A_735, %add3A_730, %select_n3A_719 : vector<16xi1>, vector<16xi32>
    %reduce_max3A_738 = arith.constant true
    %reduce_max3A_739 = vector.broadcast %reduce_max3A_738 : i1 to vector<16xi1>
    %reduce_max3A_740 = tpu.scan <max>, %select_n3A_736 masked %reduce_max3A_739 : vector<16xf32>, vector<16xi1> -> vector<16xf32>
    %reduce_max3A_741 = vector.extract %reduce_max3A_740[15] : f32 from vector<16xf32>
    %eq3A_742 = vector.broadcast %reduce_max3A_741 : f32 to vector<16xf32>
    %eq3A_743 = arith.cmpf oeq, %select_n3A_736, %eq3A_742 : vector<16xf32>
    %jit3A_744 = arith.constant 1073741824 : i32
    %broadcast_in_dim3A_745 = vector.broadcast %jit3A_744 : i32 to vector<16xi32>
    %select_n3A_746 = arith.select %eq3A_743, %select_n3A_737, %broadcast_in_dim3A_745 : vector<16xi1>, vector<16xi32>
    %reduce_min3A_747 = arith.constant true
    %reduce_min3A_748 = vector.broadcast %reduce_min3A_747 : i1 to vector<16xi1>
    %reduce_min3A_749 = arith.constant -2147483648 : i32
    %reduce_min3A_750 = vector.broadcast %reduce_min3A_749 : i32 to vector<16xi32>
    %reduce_min3A_751 = arith.xori %select_n3A_746, %reduce_min3A_750 : vector<16xi32>
    %reduce_min3A_752 = tpu.scan <min>, %reduce_min3A_751 masked %reduce_min3A_748 : vector<16xi32>, vector<16xi1> -> vector<16xi32>
    %reduce_min3A_753 = arith.xori %reduce_min3A_752, %reduce_min3A_750 : vector<16xi32>
    %reduce_min3A_754 = vector.extract %reduce_min3A_753[15] : i32 from vector<16xi32>
    %eq3A_755 = vector.broadcast %and3A_661 : i32 to vector<16xi32>
    %eq3A_756 = arith.cmpi eq, %iota3A, %eq3A_755 : vector<16xi32>
    %broadcast_in_dim3A_757 = vector.broadcast %reduce_max3A_741 : f32 to vector<16xf32>
    %select_n3A_758 = arith.select %eq3A_756, %broadcast_in_dim3A_757, %select_n3A_617 : vector<16xi1>, vector<16xf32>
    %eq3A_759 = vector.broadcast %and3A_661 : i32 to vector<16xi32>
    %eq3A_760 = arith.cmpi eq, %iota3A, %eq3A_759 : vector<16xi32>
    %broadcast_in_dim3A_761 = vector.broadcast %reduce_min3A_754 : i32 to vector<16xi32>
    %select_n3A_762 = arith.select %eq3A_760, %broadcast_in_dim3A_761, %select_n3A_621 : vector<16xi1>, vector<16xi32>
    %reduce_max3A_763 = arith.constant true
    %reduce_max3A_764 = vector.broadcast %reduce_max3A_763 : i1 to vector<16xi1>
    %reduce_max3A_765 = tpu.scan <max>, %select_n3A_758 masked %reduce_max3A_764 : vector<16xf32>, vector<16xi1> -> vector<16xf32>
    %reduce_max3A_766 = vector.extract %reduce_max3A_765[15] : f32 from vector<16xf32>
    %eq3A_767 = vector.broadcast %reduce_max3A_766 : f32 to vector<16xf32>
    %eq3A_768 = arith.cmpf oeq, %select_n3A_758, %eq3A_767 : vector<16xf32>
    %jit3A_769 = arith.constant 1073741824 : i32
    %broadcast_in_dim3A_770 = vector.broadcast %jit3A_769 : i32 to vector<16xi32>
    %select_n3A_771 = arith.select %eq3A_768, %select_n3A_762, %broadcast_in_dim3A_770 : vector<16xi1>, vector<16xi32>
    %reduce_min3A_772 = arith.constant true
    %reduce_min3A_773 = vector.broadcast %reduce_min3A_772 : i1 to vector<16xi1>
    %reduce_min3A_774 = arith.constant -2147483648 : i32
    %reduce_min3A_775 = vector.broadcast %reduce_min3A_774 : i32 to vector<16xi32>
    %reduce_min3A_776 = arith.xori %select_n3A_771, %reduce_min3A_775 : vector<16xi32>
    %reduce_min3A_777 = tpu.scan <min>, %reduce_min3A_776 masked %reduce_min3A_773 : vector<16xi32>, vector<16xi1> -> vector<16xi32>
    %reduce_min3A_778 = arith.xori %reduce_min3A_777, %reduce_min3A_775 : vector<16xi32>
    %reduce_min3A_779 = vector.extract %reduce_min3A_778[15] : i32 from vector<16xi32>
    %eq3A_780 = arith.constant 5 : i32
    %eq3A_781 = vector.broadcast %eq3A_780 : i32 to vector<16xi32>
    %eq3A_782 = arith.cmpi eq, %iota3A, %eq3A_781 : vector<16xi32>
    %broadcast_in_dim3A_783 = vector.broadcast %reduce_max3A_766 : f32 to vector<16xf32>
    %select_n3A_784 = arith.select %eq3A_782, %broadcast_in_dim3A_783, %select_n3A_643 : vector<16xi1>, vector<16xf32>
    %eq3A_785 = arith.constant 5 : i32
    %eq3A_786 = vector.broadcast %eq3A_785 : i32 to vector<16xi32>
    %eq3A_787 = arith.cmpi eq, %iota3A, %eq3A_786 : vector<16xi32>
    %broadcast_in_dim3A_788 = vector.broadcast %reduce_min3A_779 : i32 to vector<16xi32>
    %select_n3A_789 = arith.select %eq3A_787, %broadcast_in_dim3A_788, %select_n3A_648 : vector<16xi1>, vector<16xi32>
    %broadcast_in_dim3A_790 = arith.constant 0 : i32
    %broadcast_in_dim3A_791 = vector.broadcast %broadcast_in_dim3A_790 : i32 to vector<16xi32>
    %sub3A_792 = arith.subi %reduce_min3A_779, %mul3A_32 : i32
    %add3A_793 = vector.broadcast %sub3A_792 : i32 to vector<16xi32>
    %add3A_794 = arith.addi %broadcast_in_dim3A_791, %add3A_793 : vector<16xi32>
    %broadcast_in_dim3A_795 = arith.constant 0xFF800000 : f32
    %broadcast_in_dim3A_796 = vector.broadcast %broadcast_in_dim3A_795 : f32 to vector<16xf32>
    %eq3A_797 = arith.constant 0 : i32
    %eq3A_798 = vector.broadcast %eq3A_797 : i32 to vector<16xi32>
    %eq3A_799 = arith.cmpi eq, %iota3A, %eq3A_798 : vector<16xi32>
    tpu.vector_store_idx %arg7[%add3A_794], %broadcast_in_dim3A_796 masked %eq3A_799 : memref<1024xf32, #tpu.memory_space<vmem>>[vector<16xi32>], vector<16xf32>, vector<16xi1>
    %sub3A_800 = arith.subi %reduce_min3A_779, %mul3A_32 : i32
    %and3A_801 = arith.constant 15 : i32
    %and3A_802 = arith.andi %sub3A_800, %and3A_801 : i32
    %broadcast_in_dim3A_803 = arith.constant 0xFF800000 : f32
    %broadcast_in_dim3A_804 = vector.broadcast %broadcast_in_dim3A_803 : f32 to vector<16xf32>
    %broadcast_in_dim3A_805 = arith.constant 1073741824 : i32
    %broadcast_in_dim3A_806 = vector.broadcast %broadcast_in_dim3A_805 : i32 to vector<16xi32>
    %add3A_807 = arith.constant 0 : i32
    %add3A_808 = vector.broadcast %add3A_807 : i32 to vector<16xi32>
    %add3A_809 = arith.addi %add3A_808, %iota3A : vector<16xi32>
    %mul3A_810 = arith.constant 16 : i32
    %mul3A_811 = vector.broadcast %mul3A_810 : i32 to vector<16xi32>
    %mul3A_812 = arith.muli %add3A_809, %mul3A_811 : vector<16xi32>
    %add3A_813 = vector.broadcast %and3A_802 : i32 to vector<16xi32>
    %add3A_814 = arith.addi %mul3A_812, %add3A_813 : vector<16xi32>
    %gather3A_815 = tpu.vector_load_idx %arg7[%add3A_814] : memref<1024xf32, #tpu.memory_space<vmem>>[vector<16xi32>], vector<16xf32>,
    %add3A_816 = vector.broadcast %mul3A_32 : i32 to vector<16xi32>
    %add3A_817 = arith.addi %add3A_816, %add3A_814 : vector<16xi32>
    %gt3A_818 = arith.cmpf ogt, %gather3A_815, %broadcast_in_dim3A_804 : vector<16xf32>
    %eq3A_819 = arith.cmpf oeq, %gather3A_815, %broadcast_in_dim3A_804 : vector<16xf32>
    %lt3A_820 = arith.cmpi slt, %add3A_817, %broadcast_in_dim3A_806 : vector<16xi32>
    %and3A_821 = arith.andi %eq3A_819, %lt3A_820 : vector<16xi1>
    %or3A_822 = arith.ori %gt3A_818, %and3A_821 : vector<16xi1>
    %select_n3A_823 = arith.select %or3A_822, %gather3A_815, %broadcast_in_dim3A_804 : vector<16xi1>, vector<16xf32>
    %select_n3A_824 = arith.select %or3A_822, %add3A_817, %broadcast_in_dim3A_806 : vector<16xi1>, vector<16xi32>
    %add3A_825 = arith.constant 16 : i32
    %add3A_826 = vector.broadcast %add3A_825 : i32 to vector<16xi32>
    %add3A_827 = arith.addi %add3A_826, %iota3A : vector<16xi32>
    %mul3A_828 = arith.constant 16 : i32
    %mul3A_829 = vector.broadcast %mul3A_828 : i32 to vector<16xi32>
    %mul3A_830 = arith.muli %add3A_827, %mul3A_829 : vector<16xi32>
    %add3A_831 = vector.broadcast %and3A_802 : i32 to vector<16xi32>
    %add3A_832 = arith.addi %mul3A_830, %add3A_831 : vector<16xi32>
    %gather3A_833 = tpu.vector_load_idx %arg7[%add3A_832] : memref<1024xf32, #tpu.memory_space<vmem>>[vector<16xi32>], vector<16xf32>,
    %add3A_834 = vector.broadcast %mul3A_32 : i32 to vector<16xi32>
    %add3A_835 = arith.addi %add3A_834, %add3A_832 : vector<16xi32>
    %gt3A_836 = arith.cmpf ogt, %gather3A_833, %select_n3A_823 : vector<16xf32>
    %eq3A_837 = arith.cmpf oeq, %gather3A_833, %select_n3A_823 : vector<16xf32>
    %lt3A_838 = arith.cmpi slt, %add3A_835, %select_n3A_824 : vector<16xi32>
    %and3A_839 = arith.andi %eq3A_837, %lt3A_838 : vector<16xi1>
    %or3A_840 = arith.ori %gt3A_836, %and3A_839 : vector<16xi1>
    %select_n3A_841 = arith.select %or3A_840, %gather3A_833, %select_n3A_823 : vector<16xi1>, vector<16xf32>
    %select_n3A_842 = arith.select %or3A_840, %add3A_835, %select_n3A_824 : vector<16xi1>, vector<16xi32>
    %add3A_843 = arith.constant 32 : i32
    %add3A_844 = vector.broadcast %add3A_843 : i32 to vector<16xi32>
    %add3A_845 = arith.addi %add3A_844, %iota3A : vector<16xi32>
    %mul3A_846 = arith.constant 16 : i32
    %mul3A_847 = vector.broadcast %mul3A_846 : i32 to vector<16xi32>
    %mul3A_848 = arith.muli %add3A_845, %mul3A_847 : vector<16xi32>
    %add3A_849 = vector.broadcast %and3A_802 : i32 to vector<16xi32>
    %add3A_850 = arith.addi %mul3A_848, %add3A_849 : vector<16xi32>
    %gather3A_851 = tpu.vector_load_idx %arg7[%add3A_850] : memref<1024xf32, #tpu.memory_space<vmem>>[vector<16xi32>], vector<16xf32>,
    %add3A_852 = vector.broadcast %mul3A_32 : i32 to vector<16xi32>
    %add3A_853 = arith.addi %add3A_852, %add3A_850 : vector<16xi32>
    %gt3A_854 = arith.cmpf ogt, %gather3A_851, %select_n3A_841 : vector<16xf32>
    %eq3A_855 = arith.cmpf oeq, %gather3A_851, %select_n3A_841 : vector<16xf32>
    %lt3A_856 = arith.cmpi slt, %add3A_853, %select_n3A_842 : vector<16xi32>
    %and3A_857 = arith.andi %eq3A_855, %lt3A_856 : vector<16xi1>
    %or3A_858 = arith.ori %gt3A_854, %and3A_857 : vector<16xi1>
    %select_n3A_859 = arith.select %or3A_858, %gather3A_851, %select_n3A_841 : vector<16xi1>, vector<16xf32>
    %select_n3A_860 = arith.select %or3A_858, %add3A_853, %select_n3A_842 : vector<16xi1>, vector<16xi32>
    %add3A_861 = arith.constant 48 : i32
    %add3A_862 = vector.broadcast %add3A_861 : i32 to vector<16xi32>
    %add3A_863 = arith.addi %add3A_862, %iota3A : vector<16xi32>
    %mul3A_864 = arith.constant 16 : i32
    %mul3A_865 = vector.broadcast %mul3A_864 : i32 to vector<16xi32>
    %mul3A_866 = arith.muli %add3A_863, %mul3A_865 : vector<16xi32>
    %add3A_867 = vector.broadcast %and3A_802 : i32 to vector<16xi32>
    %add3A_868 = arith.addi %mul3A_866, %add3A_867 : vector<16xi32>
    %gather3A_869 = tpu.vector_load_idx %arg7[%add3A_868] : memref<1024xf32, #tpu.memory_space<vmem>>[vector<16xi32>], vector<16xf32>,
    %add3A_870 = vector.broadcast %mul3A_32 : i32 to vector<16xi32>
    %add3A_871 = arith.addi %add3A_870, %add3A_868 : vector<16xi32>
    %gt3A_872 = arith.cmpf ogt, %gather3A_869, %select_n3A_859 : vector<16xf32>
    %eq3A_873 = arith.cmpf oeq, %gather3A_869, %select_n3A_859 : vector<16xf32>
    %lt3A_874 = arith.cmpi slt, %add3A_871, %select_n3A_860 : vector<16xi32>
    %and3A_875 = arith.andi %eq3A_873, %lt3A_874 : vector<16xi1>
    %or3A_876 = arith.ori %gt3A_872, %and3A_875 : vector<16xi1>
    %select_n3A_877 = arith.select %or3A_876, %gather3A_869, %select_n3A_859 : vector<16xi1>, vector<16xf32>
    %select_n3A_878 = arith.select %or3A_876, %add3A_871, %select_n3A_860 : vector<16xi1>, vector<16xi32>
    %reduce_max3A_879 = arith.constant true
    %reduce_max3A_880 = vector.broadcast %reduce_max3A_879 : i1 to vector<16xi1>
    %reduce_max3A_881 = tpu.scan <max>, %select_n3A_877 masked %reduce_max3A_880 : vector<16xf32>, vector<16xi1> -> vector<16xf32>
    %reduce_max3A_882 = vector.extract %reduce_max3A_881[15] : f32 from vector<16xf32>
    %eq3A_883 = vector.broadcast %reduce_max3A_882 : f32 to vector<16xf32>
    %eq3A_884 = arith.cmpf oeq, %select_n3A_877, %eq3A_883 : vector<16xf32>
    %jit3A_885 = arith.constant 1073741824 : i32
    %broadcast_in_dim3A_886 = vector.broadcast %jit3A_885 : i32 to vector<16xi32>
    %select_n3A_887 = arith.select %eq3A_884, %select_n3A_878, %broadcast_in_dim3A_886 : vector<16xi1>, vector<16xi32>
    %reduce_min3A_888 = arith.constant true
    %reduce_min3A_889 = vector.broadcast %reduce_min3A_888 : i1 to vector<16xi1>
    %reduce_min3A_890 = arith.constant -2147483648 : i32
    %reduce_min3A_891 = vector.broadcast %reduce_min3A_890 : i32 to vector<16xi32>
    %reduce_min3A_892 = arith.xori %select_n3A_887, %reduce_min3A_891 : vector<16xi32>
    %reduce_min3A_893 = tpu.scan <min>, %reduce_min3A_892 masked %reduce_min3A_889 : vector<16xi32>, vector<16xi1> -> vector<16xi32>
    %reduce_min3A_894 = arith.xori %reduce_min3A_893, %reduce_min3A_891 : vector<16xi32>
    %reduce_min3A_895 = vector.extract %reduce_min3A_894[15] : i32 from vector<16xi32>
    %eq3A_896 = vector.broadcast %and3A_802 : i32 to vector<16xi32>
    %eq3A_897 = arith.cmpi eq, %iota3A, %eq3A_896 : vector<16xi32>
    %broadcast_in_dim3A_898 = vector.broadcast %reduce_max3A_882 : f32 to vector<16xf32>
    %select_n3A_899 = arith.select %eq3A_897, %broadcast_in_dim3A_898, %select_n3A_758 : vector<16xi1>, vector<16xf32>
    %eq3A_900 = vector.broadcast %and3A_802 : i32 to vector<16xi32>
    %eq3A_901 = arith.cmpi eq, %iota3A, %eq3A_900 : vector<16xi32>
    %broadcast_in_dim3A_902 = vector.broadcast %reduce_min3A_895 : i32 to vector<16xi32>
    %select_n3A_903 = arith.select %eq3A_901, %broadcast_in_dim3A_902, %select_n3A_762 : vector<16xi1>, vector<16xi32>
    %reduce_max3A_904 = arith.constant true
    %reduce_max3A_905 = vector.broadcast %reduce_max3A_904 : i1 to vector<16xi1>
    %reduce_max3A_906 = tpu.scan <max>, %select_n3A_899 masked %reduce_max3A_905 : vector<16xf32>, vector<16xi1> -> vector<16xf32>
    %reduce_max3A_907 = vector.extract %reduce_max3A_906[15] : f32 from vector<16xf32>
    %eq3A_908 = vector.broadcast %reduce_max3A_907 : f32 to vector<16xf32>
    %eq3A_909 = arith.cmpf oeq, %select_n3A_899, %eq3A_908 : vector<16xf32>
    %jit3A_910 = arith.constant 1073741824 : i32
    %broadcast_in_dim3A_911 = vector.broadcast %jit3A_910 : i32 to vector<16xi32>
    %select_n3A_912 = arith.select %eq3A_909, %select_n3A_903, %broadcast_in_dim3A_911 : vector<16xi1>, vector<16xi32>
    %reduce_min3A_913 = arith.constant true
    %reduce_min3A_914 = vector.broadcast %reduce_min3A_913 : i1 to vector<16xi1>
    %reduce_min3A_915 = arith.constant -2147483648 : i32
    %reduce_min3A_916 = vector.broadcast %reduce_min3A_915 : i32 to vector<16xi32>
    %reduce_min3A_917 = arith.xori %select_n3A_912, %reduce_min3A_916 : vector<16xi32>
    %reduce_min3A_918 = tpu.scan <min>, %reduce_min3A_917 masked %reduce_min3A_914 : vector<16xi32>, vector<16xi1> -> vector<16xi32>
    %reduce_min3A_919 = arith.xori %reduce_min3A_918, %reduce_min3A_916 : vector<16xi32>
    %reduce_min3A_920 = vector.extract %reduce_min3A_919[15] : i32 from vector<16xi32>
    %eq3A_921 = arith.constant 6 : i32
    %eq3A_922 = vector.broadcast %eq3A_921 : i32 to vector<16xi32>
    %eq3A_923 = arith.cmpi eq, %iota3A, %eq3A_922 : vector<16xi32>
    %broadcast_in_dim3A_924 = vector.broadcast %reduce_max3A_907 : f32 to vector<16xf32>
    %select_n3A_925 = arith.select %eq3A_923, %broadcast_in_dim3A_924, %select_n3A_784 : vector<16xi1>, vector<16xf32>
    %eq3A_926 = arith.constant 6 : i32
    %eq3A_927 = vector.broadcast %eq3A_926 : i32 to vector<16xi32>
    %eq3A_928 = arith.cmpi eq, %iota3A, %eq3A_927 : vector<16xi32>
    %broadcast_in_dim3A_929 = vector.broadcast %reduce_min3A_920 : i32 to vector<16xi32>
    %select_n3A_930 = arith.select %eq3A_928, %broadcast_in_dim3A_929, %select_n3A_789 : vector<16xi1>, vector<16xi32>
    %broadcast_in_dim3A_931 = arith.constant 0 : i32
    %broadcast_in_dim3A_932 = vector.broadcast %broadcast_in_dim3A_931 : i32 to vector<16xi32>
    %sub3A_933 = arith.subi %reduce_min3A_920, %mul3A_32 : i32
    %add3A_934 = vector.broadcast %sub3A_933 : i32 to vector<16xi32>
    %add3A_935 = arith.addi %broadcast_in_dim3A_932, %add3A_934 : vector<16xi32>
    %broadcast_in_dim3A_936 = arith.constant 0xFF800000 : f32
    %broadcast_in_dim3A_937 = vector.broadcast %broadcast_in_dim3A_936 : f32 to vector<16xf32>
    %eq3A_938 = arith.constant 0 : i32
    %eq3A_939 = vector.broadcast %eq3A_938 : i32 to vector<16xi32>
    %eq3A_940 = arith.cmpi eq, %iota3A, %eq3A_939 : vector<16xi32>
    tpu.vector_store_idx %arg7[%add3A_935], %broadcast_in_dim3A_937 masked %eq3A_940 : memref<1024xf32, #tpu.memory_space<vmem>>[vector<16xi32>], vector<16xf32>, vector<16xi1>
    %sub3A_941 = arith.subi %reduce_min3A_920, %mul3A_32 : i32
    %and3A_942 = arith.constant 15 : i32
    %and3A_943 = arith.andi %sub3A_941, %and3A_942 : i32
    %broadcast_in_dim3A_944 = arith.constant 0xFF800000 : f32
    %broadcast_in_dim3A_945 = vector.broadcast %broadcast_in_dim3A_944 : f32 to vector<16xf32>
    %broadcast_in_dim3A_946 = arith.constant 1073741824 : i32
    %broadcast_in_dim3A_947 = vector.broadcast %broadcast_in_dim3A_946 : i32 to vector<16xi32>
    %add3A_948 = arith.constant 0 : i32
    %add3A_949 = vector.broadcast %add3A_948 : i32 to vector<16xi32>
    %add3A_950 = arith.addi %add3A_949, %iota3A : vector<16xi32>
    %mul3A_951 = arith.constant 16 : i32
    %mul3A_952 = vector.broadcast %mul3A_951 : i32 to vector<16xi32>
    %mul3A_953 = arith.muli %add3A_950, %mul3A_952 : vector<16xi32>
    %add3A_954 = vector.broadcast %and3A_943 : i32 to vector<16xi32>
    %add3A_955 = arith.addi %mul3A_953, %add3A_954 : vector<16xi32>
    %gather3A_956 = tpu.vector_load_idx %arg7[%add3A_955] : memref<1024xf32, #tpu.memory_space<vmem>>[vector<16xi32>], vector<16xf32>,
    %add3A_957 = vector.broadcast %mul3A_32 : i32 to vector<16xi32>
    %add3A_958 = arith.addi %add3A_957, %add3A_955 : vector<16xi32>
    %gt3A_959 = arith.cmpf ogt, %gather3A_956, %broadcast_in_dim3A_945 : vector<16xf32>
    %eq3A_960 = arith.cmpf oeq, %gather3A_956, %broadcast_in_dim3A_945 : vector<16xf32>
    %lt3A_961 = arith.cmpi slt, %add3A_958, %broadcast_in_dim3A_947 : vector<16xi32>
    %and3A_962 = arith.andi %eq3A_960, %lt3A_961 : vector<16xi1>
    %or3A_963 = arith.ori %gt3A_959, %and3A_962 : vector<16xi1>
    %select_n3A_964 = arith.select %or3A_963, %gather3A_956, %broadcast_in_dim3A_945 : vector<16xi1>, vector<16xf32>
    %select_n3A_965 = arith.select %or3A_963, %add3A_958, %broadcast_in_dim3A_947 : vector<16xi1>, vector<16xi32>
    %add3A_966 = arith.constant 16 : i32
    %add3A_967 = vector.broadcast %add3A_966 : i32 to vector<16xi32>
    %add3A_968 = arith.addi %add3A_967, %iota3A : vector<16xi32>
    %mul3A_969 = arith.constant 16 : i32
    %mul3A_970 = vector.broadcast %mul3A_969 : i32 to vector<16xi32>
    %mul3A_971 = arith.muli %add3A_968, %mul3A_970 : vector<16xi32>
    %add3A_972 = vector.broadcast %and3A_943 : i32 to vector<16xi32>
    %add3A_973 = arith.addi %mul3A_971, %add3A_972 : vector<16xi32>
    %gather3A_974 = tpu.vector_load_idx %arg7[%add3A_973] : memref<1024xf32, #tpu.memory_space<vmem>>[vector<16xi32>], vector<16xf32>,
    %add3A_975 = vector.broadcast %mul3A_32 : i32 to vector<16xi32>
    %add3A_976 = arith.addi %add3A_975, %add3A_973 : vector<16xi32>
    %gt3A_977 = arith.cmpf ogt, %gather3A_974, %select_n3A_964 : vector<16xf32>
    %eq3A_978 = arith.cmpf oeq, %gather3A_974, %select_n3A_964 : vector<16xf32>
    %lt3A_979 = arith.cmpi slt, %add3A_976, %select_n3A_965 : vector<16xi32>
    %and3A_980 = arith.andi %eq3A_978, %lt3A_979 : vector<16xi1>
    %or3A_981 = arith.ori %gt3A_977, %and3A_980 : vector<16xi1>
    %select_n3A_982 = arith.select %or3A_981, %gather3A_974, %select_n3A_964 : vector<16xi1>, vector<16xf32>
    %select_n3A_983 = arith.select %or3A_981, %add3A_976, %select_n3A_965 : vector<16xi1>, vector<16xi32>
    %add3A_984 = arith.constant 32 : i32
    %add3A_985 = vector.broadcast %add3A_984 : i32 to vector<16xi32>
    %add3A_986 = arith.addi %add3A_985, %iota3A : vector<16xi32>
    %mul3A_987 = arith.constant 16 : i32
    %mul3A_988 = vector.broadcast %mul3A_987 : i32 to vector<16xi32>
    %mul3A_989 = arith.muli %add3A_986, %mul3A_988 : vector<16xi32>
    %add3A_990 = vector.broadcast %and3A_943 : i32 to vector<16xi32>
    %add3A_991 = arith.addi %mul3A_989, %add3A_990 : vector<16xi32>
    %gather3A_992 = tpu.vector_load_idx %arg7[%add3A_991] : memref<1024xf32, #tpu.memory_space<vmem>>[vector<16xi32>], vector<16xf32>,
    %add3A_993 = vector.broadcast %mul3A_32 : i32 to vector<16xi32>
    %add3A_994 = arith.addi %add3A_993, %add3A_991 : vector<16xi32>
    %gt3A_995 = arith.cmpf ogt, %gather3A_992, %select_n3A_982 : vector<16xf32>
    %eq3A_996 = arith.cmpf oeq, %gather3A_992, %select_n3A_982 : vector<16xf32>
    %lt3A_997 = arith.cmpi slt, %add3A_994, %select_n3A_983 : vector<16xi32>
    %and3A_998 = arith.andi %eq3A_996, %lt3A_997 : vector<16xi1>
    %or3A_999 = arith.ori %gt3A_995, %and3A_998 : vector<16xi1>
    %select_n3A_1000 = arith.select %or3A_999, %gather3A_992, %select_n3A_982 : vector<16xi1>, vector<16xf32>
    %select_n3A_1001 = arith.select %or3A_999, %add3A_994, %select_n3A_983 : vector<16xi1>, vector<16xi32>
    %add3A_1002 = arith.constant 48 : i32
    %add3A_1003 = vector.broadcast %add3A_1002 : i32 to vector<16xi32>
    %add3A_1004 = arith.addi %add3A_1003, %iota3A : vector<16xi32>
    %mul3A_1005 = arith.constant 16 : i32
    %mul3A_1006 = vector.broadcast %mul3A_1005 : i32 to vector<16xi32>
    %mul3A_1007 = arith.muli %add3A_1004, %mul3A_1006 : vector<16xi32>
    %add3A_1008 = vector.broadcast %and3A_943 : i32 to vector<16xi32>
    %add3A_1009 = arith.addi %mul3A_1007, %add3A_1008 : vector<16xi32>
    %gather3A_1010 = tpu.vector_load_idx %arg7[%add3A_1009] : memref<1024xf32, #tpu.memory_space<vmem>>[vector<16xi32>], vector<16xf32>,
    %add3A_1011 = vector.broadcast %mul3A_32 : i32 to vector<16xi32>
    %add3A_1012 = arith.addi %add3A_1011, %add3A_1009 : vector<16xi32>
    %gt3A_1013 = arith.cmpf ogt, %gather3A_1010, %select_n3A_1000 : vector<16xf32>
    %eq3A_1014 = arith.cmpf oeq, %gather3A_1010, %select_n3A_1000 : vector<16xf32>
    %lt3A_1015 = arith.cmpi slt, %add3A_1012, %select_n3A_1001 : vector<16xi32>
    %and3A_1016 = arith.andi %eq3A_1014, %lt3A_1015 : vector<16xi1>
    %or3A_1017 = arith.ori %gt3A_1013, %and3A_1016 : vector<16xi1>
    %select_n3A_1018 = arith.select %or3A_1017, %gather3A_1010, %select_n3A_1000 : vector<16xi1>, vector<16xf32>
    %select_n3A_1019 = arith.select %or3A_1017, %add3A_1012, %select_n3A_1001 : vector<16xi1>, vector<16xi32>
    %reduce_max3A_1020 = arith.constant true
    %reduce_max3A_1021 = vector.broadcast %reduce_max3A_1020 : i1 to vector<16xi1>
    %reduce_max3A_1022 = tpu.scan <max>, %select_n3A_1018 masked %reduce_max3A_1021 : vector<16xf32>, vector<16xi1> -> vector<16xf32>
    %reduce_max3A_1023 = vector.extract %reduce_max3A_1022[15] : f32 from vector<16xf32>
    %eq3A_1024 = vector.broadcast %reduce_max3A_1023 : f32 to vector<16xf32>
    %eq3A_1025 = arith.cmpf oeq, %select_n3A_1018, %eq3A_1024 : vector<16xf32>
    %jit3A_1026 = arith.constant 1073741824 : i32
    %broadcast_in_dim3A_1027 = vector.broadcast %jit3A_1026 : i32 to vector<16xi32>
    %select_n3A_1028 = arith.select %eq3A_1025, %select_n3A_1019, %broadcast_in_dim3A_1027 : vector<16xi1>, vector<16xi32>
    %reduce_min3A_1029 = arith.constant true
    %reduce_min3A_1030 = vector.broadcast %reduce_min3A_1029 : i1 to vector<16xi1>
    %reduce_min3A_1031 = arith.constant -2147483648 : i32
    %reduce_min3A_1032 = vector.broadcast %reduce_min3A_1031 : i32 to vector<16xi32>
    %reduce_min3A_1033 = arith.xori %select_n3A_1028, %reduce_min3A_1032 : vector<16xi32>
    %reduce_min3A_1034 = tpu.scan <min>, %reduce_min3A_1033 masked %reduce_min3A_1030 : vector<16xi32>, vector<16xi1> -> vector<16xi32>
    %reduce_min3A_1035 = arith.xori %reduce_min3A_1034, %reduce_min3A_1032 : vector<16xi32>
    %reduce_min3A_1036 = vector.extract %reduce_min3A_1035[15] : i32 from vector<16xi32>
    %eq3A_1037 = vector.broadcast %and3A_943 : i32 to vector<16xi32>
    %eq3A_1038 = arith.cmpi eq, %iota3A, %eq3A_1037 : vector<16xi32>
    %broadcast_in_dim3A_1039 = vector.broadcast %reduce_max3A_1023 : f32 to vector<16xf32>
    %select_n3A_1040 = arith.select %eq3A_1038, %broadcast_in_dim3A_1039, %select_n3A_899 : vector<16xi1>, vector<16xf32>
    %eq3A_1041 = vector.broadcast %and3A_943 : i32 to vector<16xi32>
    %eq3A_1042 = arith.cmpi eq, %iota3A, %eq3A_1041 : vector<16xi32>
    %broadcast_in_dim3A_1043 = vector.broadcast %reduce_min3A_1036 : i32 to vector<16xi32>
    %select_n3A_1044 = arith.select %eq3A_1042, %broadcast_in_dim3A_1043, %select_n3A_903 : vector<16xi1>, vector<16xi32>
    %reduce_max3A_1045 = arith.constant true
    %reduce_max3A_1046 = vector.broadcast %reduce_max3A_1045 : i1 to vector<16xi1>
    %reduce_max3A_1047 = tpu.scan <max>, %select_n3A_1040 masked %reduce_max3A_1046 : vector<16xf32>, vector<16xi1> -> vector<16xf32>
    %reduce_max3A_1048 = vector.extract %reduce_max3A_1047[15] : f32 from vector<16xf32>
    %eq3A_1049 = vector.broadcast %reduce_max3A_1048 : f32 to vector<16xf32>
    %eq3A_1050 = arith.cmpf oeq, %select_n3A_1040, %eq3A_1049 : vector<16xf32>
    %jit3A_1051 = arith.constant 1073741824 : i32
    %broadcast_in_dim3A_1052 = vector.broadcast %jit3A_1051 : i32 to vector<16xi32>
    %select_n3A_1053 = arith.select %eq3A_1050, %select_n3A_1044, %broadcast_in_dim3A_1052 : vector<16xi1>, vector<16xi32>
    %reduce_min3A_1054 = arith.constant true
    %reduce_min3A_1055 = vector.broadcast %reduce_min3A_1054 : i1 to vector<16xi1>
    %reduce_min3A_1056 = arith.constant -2147483648 : i32
    %reduce_min3A_1057 = vector.broadcast %reduce_min3A_1056 : i32 to vector<16xi32>
    %reduce_min3A_1058 = arith.xori %select_n3A_1053, %reduce_min3A_1057 : vector<16xi32>
    %reduce_min3A_1059 = tpu.scan <min>, %reduce_min3A_1058 masked %reduce_min3A_1055 : vector<16xi32>, vector<16xi1> -> vector<16xi32>
    %reduce_min3A_1060 = arith.xori %reduce_min3A_1059, %reduce_min3A_1057 : vector<16xi32>
    %reduce_min3A_1061 = vector.extract %reduce_min3A_1060[15] : i32 from vector<16xi32>
    %eq3A_1062 = arith.constant 7 : i32
    %eq3A_1063 = vector.broadcast %eq3A_1062 : i32 to vector<16xi32>
    %eq3A_1064 = arith.cmpi eq, %iota3A, %eq3A_1063 : vector<16xi32>
    %broadcast_in_dim3A_1065 = vector.broadcast %reduce_max3A_1048 : f32 to vector<16xf32>
    %select_n3A_1066 = arith.select %eq3A_1064, %broadcast_in_dim3A_1065, %select_n3A_925 : vector<16xi1>, vector<16xf32>
    %eq3A_1067 = arith.constant 7 : i32
    %eq3A_1068 = vector.broadcast %eq3A_1067 : i32 to vector<16xi32>
    %eq3A_1069 = arith.cmpi eq, %iota3A, %eq3A_1068 : vector<16xi32>
    %broadcast_in_dim3A_1070 = vector.broadcast %reduce_min3A_1061 : i32 to vector<16xi32>
    %select_n3A_1071 = arith.select %eq3A_1069, %broadcast_in_dim3A_1070, %select_n3A_930 : vector<16xi1>, vector<16xi32>
    %broadcast_in_dim3A_1072 = arith.constant 0 : i32
    %broadcast_in_dim3A_1073 = vector.broadcast %broadcast_in_dim3A_1072 : i32 to vector<16xi32>
    %sub3A_1074 = arith.subi %reduce_min3A_1061, %mul3A_32 : i32
    %add3A_1075 = vector.broadcast %sub3A_1074 : i32 to vector<16xi32>
    %add3A_1076 = arith.addi %broadcast_in_dim3A_1073, %add3A_1075 : vector<16xi32>
    %broadcast_in_dim3A_1077 = arith.constant 0xFF800000 : f32
    %broadcast_in_dim3A_1078 = vector.broadcast %broadcast_in_dim3A_1077 : f32 to vector<16xf32>
    %eq3A_1079 = arith.constant 0 : i32
    %eq3A_1080 = vector.broadcast %eq3A_1079 : i32 to vector<16xi32>
    %eq3A_1081 = arith.cmpi eq, %iota3A, %eq3A_1080 : vector<16xi32>
    tpu.vector_store_idx %arg7[%add3A_1076], %broadcast_in_dim3A_1078 masked %eq3A_1081 : memref<1024xf32, #tpu.memory_space<vmem>>[vector<16xi32>], vector<16xf32>, vector<16xi1>
    %swap3A_1082 = arith.constant 0 : index
    %swap3A_1083 = tpu.vector_load %arg10[%swap3A_1082] {strides = array<i32>} : memref<16xf32, #tpu.memory_space<vmem>>, vector<16xf32>,
    tpu.vector_store %arg10[%swap3A_1082], %select_n3A_1066 {strides = array<i32>} : memref<16xf32, #tpu.memory_space<vmem>>, vector<16xf32>,
    %swap3A_1084 = arith.constant 0 : index
    %swap3A_1085 = tpu.vector_load %arg11[%swap3A_1084] {strides = array<i32>} : memref<16xi32, #tpu.memory_space<vmem>>, vector<16xi32>,
    tpu.vector_store %arg11[%swap3A_1084], %select_n3A_1071 {strides = array<i32>} : memref<16xi32, #tpu.memory_space<vmem>>, vector<16xi32>,
    %mul3A_1086 = arith.constant 16 : i32
    %mul3A_1087 = arith.muli %arg1, %mul3A_1086 : i32
    "tpu.region"() ({
      %run_scoped3A = tpu.sem_alloc : memref<!tpu.dma_semaphore, #tpu.memory_space<semaphore_mem>>
      %dma_start3A = tpu.memref_slice %arg15[%mul3A_1087] : memref<256xf32, #tpu.memory_space<vmem_shared>> -> memref<16xf32, #tpu.memory_space<vmem_shared>>
      %dma_start3A_1377 = tpu.memref_slice %arg15[%mul3A_1087] : memref<256xf32, #tpu.memory_space<vmem_shared>> -> memref<16xf32, #tpu.memory_space<vmem_shared>>
      tpu.enqueue_dma source(%arg10 : memref<16xf32, #tpu.memory_space<vmem>>) target(%dma_start3A_1377 : memref<16xf32, #tpu.memory_space<vmem_shared>>) target_semaphore(%run_scoped3A : memref<!tpu.dma_semaphore, #tpu.memory_space<semaphore_mem>>)
      %dma_wait3A = tpu.memref_slice %arg15[%mul3A_1087] : memref<256xf32, #tpu.memory_space<vmem_shared>> -> memref<16xf32, #tpu.memory_space<vmem_shared>>
      %dma_wait3A_1378 = tpu.memref_slice %arg15[%mul3A_1087] : memref<256xf32, #tpu.memory_space<vmem_shared>> -> memref<16xf32, #tpu.memory_space<vmem_shared>>
      tpu.wait_dma2 semaphore(%run_scoped3A : memref<!tpu.dma_semaphore, #tpu.memory_space<semaphore_mem>>) src(%arg10 : memref<16xf32, #tpu.memory_space<vmem>>) dst(%dma_wait3A_1378 : memref<16xf32, #tpu.memory_space<vmem_shared>>)
      tpu.yield
    }) : () -> ()
    %mul3A_1088 = arith.constant 16 : i32
    %mul3A_1089 = arith.muli %arg1, %mul3A_1088 : i32
    "tpu.region"() ({
      %run_scoped3A = tpu.sem_alloc : memref<!tpu.dma_semaphore, #tpu.memory_space<semaphore_mem>>
      %dma_start3A = tpu.memref_slice %arg16[%mul3A_1089] : memref<256xi32, #tpu.memory_space<vmem_shared>> -> memref<16xi32, #tpu.memory_space<vmem_shared>>
      %dma_start3A_1377 = tpu.memref_slice %arg16[%mul3A_1089] : memref<256xi32, #tpu.memory_space<vmem_shared>> -> memref<16xi32, #tpu.memory_space<vmem_shared>>
      tpu.enqueue_dma source(%arg11 : memref<16xi32, #tpu.memory_space<vmem>>) target(%dma_start3A_1377 : memref<16xi32, #tpu.memory_space<vmem_shared>>) target_semaphore(%run_scoped3A : memref<!tpu.dma_semaphore, #tpu.memory_space<semaphore_mem>>)
      %dma_wait3A = tpu.memref_slice %arg16[%mul3A_1089] : memref<256xi32, #tpu.memory_space<vmem_shared>> -> memref<16xi32, #tpu.memory_space<vmem_shared>>
      %dma_wait3A_1378 = tpu.memref_slice %arg16[%mul3A_1089] : memref<256xi32, #tpu.memory_space<vmem_shared>> -> memref<16xi32, #tpu.memory_space<vmem_shared>>
      tpu.wait_dma2 semaphore(%run_scoped3A : memref<!tpu.dma_semaphore, #tpu.memory_space<semaphore_mem>>) src(%arg11 : memref<16xi32, #tpu.memory_space<vmem>>) dst(%dma_wait3A_1378 : memref<16xi32, #tpu.memory_space<vmem_shared>>)
      tpu.yield
    }) : () -> ()
    %barrier3A = arith.constant 0 : index
    tpu.barrier barrier_id(%barrier3A)
    %eq3A_1090 = arith.constant 0 : i32
    %eq3A_1091 = arith.cmpi eq, %select_n3A_30, %eq3A_1090 : i32
    %convert_element_type3A_1092 = arith.extui %eq3A_1091 : i1 to i32
    %cond3A_1093 = arith.constant 0xFF800000 : f32
    %cond3A_1094 = arith.constant 1073741824 : i32
    %cond3A_1095 = arith.constant 0 : i32
    %cond3A_1096 = arith.cmpi ne, %convert_element_type3A_1092, %cond3A_1095 : i32
    scf.if %cond3A_1096 {
      %jit3A_1377 = arith.constant 8 : i32
      %div3A_1378 = arith.divsi %arg1, %jit3A_1377 : i32
      %sign3A_1379 = arith.constant 0 : i32
      %sign3A_1380 = arith.cmpi sgt, %arg1, %sign3A_1379 : i32
      %sign3A_1381 = arith.extui %sign3A_1380 : i1 to i32
      %sign3A_1382 = arith.constant 0 : i32
      %sign3A_1383 = arith.cmpi slt, %arg1, %sign3A_1382 : i32
      %sign3A_1384 = arith.extui %sign3A_1383 : i1 to i32
      %sign3A_1385 = arith.subi %sign3A_1381, %sign3A_1384 : i32
      %sign3A_1386 = arith.constant 0 : i32
      %sign3A_1387 = arith.cmpi sgt, %jit3A_1377, %sign3A_1386 : i32
      %sign3A_1388 = arith.extui %sign3A_1387 : i1 to i32
      %sign3A_1389 = arith.constant 0 : i32
      %sign3A_1390 = arith.cmpi slt, %jit3A_1377, %sign3A_1389 : i32
      %sign3A_1391 = arith.extui %sign3A_1390 : i1 to i32
      %sign3A_1392 = arith.subi %sign3A_1388, %sign3A_1391 : i32
      %ne3A_1393 = arith.cmpi ne, %sign3A_1385, %sign3A_1392 : i32
      %rem3A_1394 = arith.remsi %arg1, %jit3A_1377 : i32
      %ne3A_1395 = arith.constant 0 : i32
      %ne3A_1396 = arith.cmpi ne, %rem3A_1394, %ne3A_1395 : i32
      %and3A_1397 = arith.andi %ne3A_1393, %ne3A_1396 : i1
      %sub3A_1398 = arith.constant 1 : i32
      %sub3A_1399 = arith.subi %div3A_1378, %sub3A_1398 : i32
      %select_n3A_1400 = arith.select %and3A_1397, %sub3A_1399, %div3A_1378 : i32
      %mul3A_1401 = arith.constant 8 : i32
      %mul3A_1402 = arith.muli %select_n3A_1400, %mul3A_1401 : i32
      %mul3A_1403 = arith.constant 16 : i32
      %mul3A_1404 = arith.muli %mul3A_1402, %mul3A_1403 : i32
      "tpu.region"() ({
        %run_scoped3A = tpu.sem_alloc : memref<!tpu.dma_semaphore, #tpu.memory_space<semaphore_mem>>
        %dma_start3A = tpu.memref_slice %arg15[%mul3A_1404] : memref<256xf32, #tpu.memory_space<vmem_shared>> -> memref<128xf32, #tpu.memory_space<vmem_shared>>
        %dma_start3A_1743 = tpu.memref_slice %arg15[%mul3A_1404] : memref<256xf32, #tpu.memory_space<vmem_shared>> -> memref<128xf32, #tpu.memory_space<vmem_shared>>
        tpu.enqueue_dma source(%dma_start3A_1743 : memref<128xf32, #tpu.memory_space<vmem_shared>>) target(%arg12 : memref<128xf32, #tpu.memory_space<vmem>>) target_semaphore(%run_scoped3A : memref<!tpu.dma_semaphore, #tpu.memory_space<semaphore_mem>>)
        %dma_wait3A = tpu.memref_slice %arg15[%mul3A_1404] : memref<256xf32, #tpu.memory_space<vmem_shared>> -> memref<128xf32, #tpu.memory_space<vmem_shared>>
        %dma_wait3A_1744 = tpu.memref_slice %arg15[%mul3A_1404] : memref<256xf32, #tpu.memory_space<vmem_shared>> -> memref<128xf32, #tpu.memory_space<vmem_shared>>
        tpu.wait_dma2 semaphore(%run_scoped3A : memref<!tpu.dma_semaphore, #tpu.memory_space<semaphore_mem>>) src(%dma_wait3A_1744 : memref<128xf32, #tpu.memory_space<vmem_shared>>) dst(%arg12 : memref<128xf32, #tpu.memory_space<vmem>>)
        tpu.yield
      }) : () -> ()
      %jit3A_1405 = arith.constant 8 : i32
      %div3A_1406 = arith.divsi %arg1, %jit3A_1405 : i32
      %sign3A_1407 = arith.constant 0 : i32
      %sign3A_1408 = arith.cmpi sgt, %arg1, %sign3A_1407 : i32
      %sign3A_1409 = arith.extui %sign3A_1408 : i1 to i32
      %sign3A_1410 = arith.constant 0 : i32
      %sign3A_1411 = arith.cmpi slt, %arg1, %sign3A_1410 : i32
      %sign3A_1412 = arith.extui %sign3A_1411 : i1 to i32
      %sign3A_1413 = arith.subi %sign3A_1409, %sign3A_1412 : i32
      %sign3A_1414 = arith.constant 0 : i32
      %sign3A_1415 = arith.cmpi sgt, %jit3A_1405, %sign3A_1414 : i32
      %sign3A_1416 = arith.extui %sign3A_1415 : i1 to i32
      %sign3A_1417 = arith.constant 0 : i32
      %sign3A_1418 = arith.cmpi slt, %jit3A_1405, %sign3A_1417 : i32
      %sign3A_1419 = arith.extui %sign3A_1418 : i1 to i32
      %sign3A_1420 = arith.subi %sign3A_1416, %sign3A_1419 : i32
      %ne3A_1421 = arith.cmpi ne, %sign3A_1413, %sign3A_1420 : i32
      %rem3A_1422 = arith.remsi %arg1, %jit3A_1405 : i32
      %ne3A_1423 = arith.constant 0 : i32
      %ne3A_1424 = arith.cmpi ne, %rem3A_1422, %ne3A_1423 : i32
      %and3A_1425 = arith.andi %ne3A_1421, %ne3A_1424 : i1
      %sub3A_1426 = arith.constant 1 : i32
      %sub3A_1427 = arith.subi %div3A_1406, %sub3A_1426 : i32
      %select_n3A_1428 = arith.select %and3A_1425, %sub3A_1427, %div3A_1406 : i32
      %mul3A_1429 = arith.constant 8 : i32
      %mul3A_1430 = arith.muli %select_n3A_1428, %mul3A_1429 : i32
      %mul3A_1431 = arith.constant 16 : i32
      %mul3A_1432 = arith.muli %mul3A_1430, %mul3A_1431 : i32
      "tpu.region"() ({
        %run_scoped3A = tpu.sem_alloc : memref<!tpu.dma_semaphore, #tpu.memory_space<semaphore_mem>>
        %dma_start3A = tpu.memref_slice %arg16[%mul3A_1432] : memref<256xi32, #tpu.memory_space<vmem_shared>> -> memref<128xi32, #tpu.memory_space<vmem_shared>>
        %dma_start3A_1743 = tpu.memref_slice %arg16[%mul3A_1432] : memref<256xi32, #tpu.memory_space<vmem_shared>> -> memref<128xi32, #tpu.memory_space<vmem_shared>>
        tpu.enqueue_dma source(%dma_start3A_1743 : memref<128xi32, #tpu.memory_space<vmem_shared>>) target(%arg13 : memref<128xi32, #tpu.memory_space<vmem>>) target_semaphore(%run_scoped3A : memref<!tpu.dma_semaphore, #tpu.memory_space<semaphore_mem>>)
        %dma_wait3A = tpu.memref_slice %arg16[%mul3A_1432] : memref<256xi32, #tpu.memory_space<vmem_shared>> -> memref<128xi32, #tpu.memory_space<vmem_shared>>
        %dma_wait3A_1744 = tpu.memref_slice %arg16[%mul3A_1432] : memref<256xi32, #tpu.memory_space<vmem_shared>> -> memref<128xi32, #tpu.memory_space<vmem_shared>>
        tpu.wait_dma2 semaphore(%run_scoped3A : memref<!tpu.dma_semaphore, #tpu.memory_space<semaphore_mem>>) src(%dma_wait3A_1744 : memref<128xi32, #tpu.memory_space<vmem_shared>>) dst(%arg13 : memref<128xi32, #tpu.memory_space<vmem>>)
        tpu.yield
      }) : () -> ()
      %broadcast_in_dim3A_1433 = arith.constant 0 : i32
      %broadcast_in_dim3A_1434 = vector.broadcast %broadcast_in_dim3A_1433 : i32 to vector<16xi32>
      %broadcast_in_dim3A_1435 = vector.broadcast %cond3A_1093 : f32 to vector<16xf32>
      %broadcast_in_dim3A_1436 = vector.broadcast %cond3A_1094 : i32 to vector<16xi32>
      %scan3A_1437 = arith.constant 0 : i32
      %scan3A_1438 = arith.constant 8 : i32
      %scan3A_1439 = arith.addi %scan3A_1437, %scan3A_1438 : i32
      %scan3A_1440 = arith.constant 1 : i32
      %scan3A_1441:2 = scf.for %scan3A_1743 = %scan3A_1437 to %scan3A_1439 step %scan3A_1440 iter_args(%scan3A_1744 = %broadcast_in_dim3A_1435, %scan3A_1745 = %broadcast_in_dim3A_1436) -> (vector<16xf32>, vector<16xi32>)  : i32 {
        %mul3A_1746 = arith.constant 16 : i32
        %mul3A_1747 = arith.muli %scan3A_1743, %mul3A_1746 : i32
        %add3A_1748 = vector.broadcast %mul3A_1747 : i32 to vector<16xi32>
        %add3A_1749 = arith.addi %add3A_1748, %iota3A : vector<16xi32>
        %gather3A_1750 = tpu.vector_load_idx %arg12[%add3A_1749] : memref<128xf32, #tpu.memory_space<vmem>>[vector<16xi32>], vector<16xf32>,
        %gather3A_1751 = tpu.vector_load_idx %arg13[%add3A_1749] : memref<128xi32, #tpu.memory_space<vmem>>[vector<16xi32>], vector<16xi32>,
        %gt3A_1752 = arith.cmpf ogt, %gather3A_1750, %scan3A_1744 : vector<16xf32>
        %eq3A_1753 = arith.cmpf oeq, %gather3A_1750, %scan3A_1744 : vector<16xf32>
        %lt3A_1754 = arith.cmpi slt, %gather3A_1751, %scan3A_1745 : vector<16xi32>
        %and3A_1755 = arith.andi %eq3A_1753, %lt3A_1754 : vector<16xi1>
        %or3A_1756 = arith.ori %gt3A_1752, %and3A_1755 : vector<16xi1>
        %select_n3A_1757 = arith.select %or3A_1756, %gather3A_1750, %scan3A_1744 : vector<16xi1>, vector<16xf32>
        %select_n3A_1758 = arith.select %or3A_1756, %gather3A_1751, %scan3A_1745 : vector<16xi1>, vector<16xi32>
        scf.yield %select_n3A_1757, %select_n3A_1758 : vector<16xf32>, vector<16xi32>
      }
      %scan3A_1442 = arith.constant 8 : i32
      %reduce_max3A_1443 = arith.constant true
      %reduce_max3A_1444 = vector.broadcast %reduce_max3A_1443 : i1 to vector<16xi1>
      %reduce_max3A_1445 = tpu.scan <max>, %scan3A_1441#0 masked %reduce_max3A_1444 : vector<16xf32>, vector<16xi1> -> vector<16xf32>
      %reduce_max3A_1446 = vector.extract %reduce_max3A_1445[15] : f32 from vector<16xf32>
      %eq3A_1447 = vector.broadcast %reduce_max3A_1446 : f32 to vector<16xf32>
      %eq3A_1448 = arith.cmpf oeq, %scan3A_1441#0, %eq3A_1447 : vector<16xf32>
      %broadcast_in_dim3A_1449 = vector.broadcast %cond3A_1094 : i32 to vector<16xi32>
      %select_n3A_1450 = arith.select %eq3A_1448, %scan3A_1441#1, %broadcast_in_dim3A_1449 : vector<16xi1>, vector<16xi32>
      %reduce_min3A_1451 = arith.constant true
      %reduce_min3A_1452 = vector.broadcast %reduce_min3A_1451 : i1 to vector<16xi1>
      %reduce_min3A_1453 = arith.constant -2147483648 : i32
      %reduce_min3A_1454 = vector.broadcast %reduce_min3A_1453 : i32 to vector<16xi32>
      %reduce_min3A_1455 = arith.xori %select_n3A_1450, %reduce_min3A_1454 : vector<16xi32>
      %reduce_min3A_1456 = tpu.scan <min>, %reduce_min3A_1455 masked %reduce_min3A_1452 : vector<16xi32>, vector<16xi1> -> vector<16xi32>
      %reduce_min3A_1457 = arith.xori %reduce_min3A_1456, %reduce_min3A_1454 : vector<16xi32>
      %reduce_min3A_1458 = vector.extract %reduce_min3A_1457[15] : i32 from vector<16xi32>
      %eq3A_1459 = arith.constant 0 : i32
      %eq3A_1460 = vector.broadcast %eq3A_1459 : i32 to vector<16xi32>
      %eq3A_1461 = arith.cmpi eq, %iota3A, %eq3A_1460 : vector<16xi32>
      %broadcast_in_dim3A_1462 = vector.broadcast %reduce_min3A_1458 : i32 to vector<16xi32>
      %select_n3A_1463 = arith.select %eq3A_1461, %broadcast_in_dim3A_1462, %broadcast_in_dim3A_1434 : vector<16xi1>, vector<16xi32>
      %scan3A_1464 = arith.constant 0 : i32
      %scan3A_1465 = arith.constant 0 : i32
      %scan3A_1466 = arith.constant 8 : i32
      %scan3A_1467 = arith.addi %scan3A_1465, %scan3A_1466 : i32
      %scan3A_1468 = arith.constant 1 : i32
      scf.for %scan3A_1743 = %scan3A_1465 to %scan3A_1467 step %scan3A_1468  : i32 {
        %mul3A_1744 = arith.constant 16 : i32
        %mul3A_1745 = arith.muli %scan3A_1743, %mul3A_1744 : i32
        %add3A_1746 = vector.broadcast %mul3A_1745 : i32 to vector<16xi32>
        %add3A_1747 = arith.addi %add3A_1746, %iota3A : vector<16xi32>
        %gather3A_1748 = tpu.vector_load_idx %arg12[%add3A_1747] : memref<128xf32, #tpu.memory_space<vmem>>[vector<16xi32>], vector<16xf32>,
        %gather3A_1749 = tpu.vector_load_idx %arg13[%add3A_1747] : memref<128xi32, #tpu.memory_space<vmem>>[vector<16xi32>], vector<16xi32>,
        %eq3A_1750 = vector.broadcast %reduce_max3A_1446 : f32 to vector<16xf32>
        %eq3A_1751 = arith.cmpf oeq, %gather3A_1748, %eq3A_1750 : vector<16xf32>
        %eq3A_1752 = vector.broadcast %reduce_min3A_1458 : i32 to vector<16xi32>
        %eq3A_1753 = arith.cmpi eq, %gather3A_1749, %eq3A_1752 : vector<16xi32>
        %and3A_1754 = arith.andi %eq3A_1751, %eq3A_1753 : vector<16xi1>
        %broadcast_in_dim3A_1755 = vector.broadcast %cond3A_1093 : f32 to vector<16xf32>
        tpu.vector_store_idx %arg12[%add3A_1747], %broadcast_in_dim3A_1755 masked %and3A_1754 : memref<128xf32, #tpu.memory_space<vmem>>[vector<16xi32>], vector<16xf32>, vector<16xi1>
      }
      %scan3A_1469 = arith.constant 8 : i32
      %broadcast_in_dim3A_1470 = vector.broadcast %cond3A_1093 : f32 to vector<16xf32>
      %broadcast_in_dim3A_1471 = vector.broadcast %cond3A_1094 : i32 to vector<16xi32>
      %scan3A_1472 = arith.constant 0 : i32
      %scan3A_1473 = arith.constant 8 : i32
      %scan3A_1474 = arith.addi %scan3A_1472, %scan3A_1473 : i32
      %scan3A_1475 = arith.constant 1 : i32
      %scan3A_1476:2 = scf.for %scan3A_1743 = %scan3A_1472 to %scan3A_1474 step %scan3A_1475 iter_args(%scan3A_1744 = %broadcast_in_dim3A_1470, %scan3A_1745 = %broadcast_in_dim3A_1471) -> (vector<16xf32>, vector<16xi32>)  : i32 {
        %mul3A_1746 = arith.constant 16 : i32
        %mul3A_1747 = arith.muli %scan3A_1743, %mul3A_1746 : i32
        %add3A_1748 = vector.broadcast %mul3A_1747 : i32 to vector<16xi32>
        %add3A_1749 = arith.addi %add3A_1748, %iota3A : vector<16xi32>
        %gather3A_1750 = tpu.vector_load_idx %arg12[%add3A_1749] : memref<128xf32, #tpu.memory_space<vmem>>[vector<16xi32>], vector<16xf32>,
        %gather3A_1751 = tpu.vector_load_idx %arg13[%add3A_1749] : memref<128xi32, #tpu.memory_space<vmem>>[vector<16xi32>], vector<16xi32>,
        %gt3A_1752 = arith.cmpf ogt, %gather3A_1750, %scan3A_1744 : vector<16xf32>
        %eq3A_1753 = arith.cmpf oeq, %gather3A_1750, %scan3A_1744 : vector<16xf32>
        %lt3A_1754 = arith.cmpi slt, %gather3A_1751, %scan3A_1745 : vector<16xi32>
        %and3A_1755 = arith.andi %eq3A_1753, %lt3A_1754 : vector<16xi1>
        %or3A_1756 = arith.ori %gt3A_1752, %and3A_1755 : vector<16xi1>
        %select_n3A_1757 = arith.select %or3A_1756, %gather3A_1750, %scan3A_1744 : vector<16xi1>, vector<16xf32>
        %select_n3A_1758 = arith.select %or3A_1756, %gather3A_1751, %scan3A_1745 : vector<16xi1>, vector<16xi32>
        scf.yield %select_n3A_1757, %select_n3A_1758 : vector<16xf32>, vector<16xi32>
      }
      %scan3A_1477 = arith.constant 8 : i32
      %reduce_max3A_1478 = arith.constant true
      %reduce_max3A_1479 = vector.broadcast %reduce_max3A_1478 : i1 to vector<16xi1>
      %reduce_max3A_1480 = tpu.scan <max>, %scan3A_1476#0 masked %reduce_max3A_1479 : vector<16xf32>, vector<16xi1> -> vector<16xf32>
      %reduce_max3A_1481 = vector.extract %reduce_max3A_1480[15] : f32 from vector<16xf32>
      %eq3A_1482 = vector.broadcast %reduce_max3A_1481 : f32 to vector<16xf32>
      %eq3A_1483 = arith.cmpf oeq, %scan3A_1476#0, %eq3A_1482 : vector<16xf32>
      %broadcast_in_dim3A_1484 = vector.broadcast %cond3A_1094 : i32 to vector<16xi32>
      %select_n3A_1485 = arith.select %eq3A_1483, %scan3A_1476#1, %broadcast_in_dim3A_1484 : vector<16xi1>, vector<16xi32>
      %reduce_min3A_1486 = arith.constant true
      %reduce_min3A_1487 = vector.broadcast %reduce_min3A_1486 : i1 to vector<16xi1>
      %reduce_min3A_1488 = arith.constant -2147483648 : i32
      %reduce_min3A_1489 = vector.broadcast %reduce_min3A_1488 : i32 to vector<16xi32>
      %reduce_min3A_1490 = arith.xori %select_n3A_1485, %reduce_min3A_1489 : vector<16xi32>
      %reduce_min3A_1491 = tpu.scan <min>, %reduce_min3A_1490 masked %reduce_min3A_1487 : vector<16xi32>, vector<16xi1> -> vector<16xi32>
      %reduce_min3A_1492 = arith.xori %reduce_min3A_1491, %reduce_min3A_1489 : vector<16xi32>
      %reduce_min3A_1493 = vector.extract %reduce_min3A_1492[15] : i32 from vector<16xi32>
      %eq3A_1494 = arith.constant 1 : i32
      %eq3A_1495 = vector.broadcast %eq3A_1494 : i32 to vector<16xi32>
      %eq3A_1496 = arith.cmpi eq, %iota3A, %eq3A_1495 : vector<16xi32>
      %broadcast_in_dim3A_1497 = vector.broadcast %reduce_min3A_1493 : i32 to vector<16xi32>
      %select_n3A_1498 = arith.select %eq3A_1496, %broadcast_in_dim3A_1497, %select_n3A_1463 : vector<16xi1>, vector<16xi32>
      %scan3A_1499 = arith.constant 0 : i32
      %scan3A_1500 = arith.constant 0 : i32
      %scan3A_1501 = arith.constant 8 : i32
      %scan3A_1502 = arith.addi %scan3A_1500, %scan3A_1501 : i32
      %scan3A_1503 = arith.constant 1 : i32
      scf.for %scan3A_1743 = %scan3A_1500 to %scan3A_1502 step %scan3A_1503  : i32 {
        %mul3A_1744 = arith.constant 16 : i32
        %mul3A_1745 = arith.muli %scan3A_1743, %mul3A_1744 : i32
        %add3A_1746 = vector.broadcast %mul3A_1745 : i32 to vector<16xi32>
        %add3A_1747 = arith.addi %add3A_1746, %iota3A : vector<16xi32>
        %gather3A_1748 = tpu.vector_load_idx %arg12[%add3A_1747] : memref<128xf32, #tpu.memory_space<vmem>>[vector<16xi32>], vector<16xf32>,
        %gather3A_1749 = tpu.vector_load_idx %arg13[%add3A_1747] : memref<128xi32, #tpu.memory_space<vmem>>[vector<16xi32>], vector<16xi32>,
        %eq3A_1750 = vector.broadcast %reduce_max3A_1481 : f32 to vector<16xf32>
        %eq3A_1751 = arith.cmpf oeq, %gather3A_1748, %eq3A_1750 : vector<16xf32>
        %eq3A_1752 = vector.broadcast %reduce_min3A_1493 : i32 to vector<16xi32>
        %eq3A_1753 = arith.cmpi eq, %gather3A_1749, %eq3A_1752 : vector<16xi32>
        %and3A_1754 = arith.andi %eq3A_1751, %eq3A_1753 : vector<16xi1>
        %broadcast_in_dim3A_1755 = vector.broadcast %cond3A_1093 : f32 to vector<16xf32>
        tpu.vector_store_idx %arg12[%add3A_1747], %broadcast_in_dim3A_1755 masked %and3A_1754 : memref<128xf32, #tpu.memory_space<vmem>>[vector<16xi32>], vector<16xf32>, vector<16xi1>
      }
      %scan3A_1504 = arith.constant 8 : i32
      %broadcast_in_dim3A_1505 = vector.broadcast %cond3A_1093 : f32 to vector<16xf32>
      %broadcast_in_dim3A_1506 = vector.broadcast %cond3A_1094 : i32 to vector<16xi32>
      %scan3A_1507 = arith.constant 0 : i32
      %scan3A_1508 = arith.constant 8 : i32
      %scan3A_1509 = arith.addi %scan3A_1507, %scan3A_1508 : i32
      %scan3A_1510 = arith.constant 1 : i32
      %scan3A_1511:2 = scf.for %scan3A_1743 = %scan3A_1507 to %scan3A_1509 step %scan3A_1510 iter_args(%scan3A_1744 = %broadcast_in_dim3A_1505, %scan3A_1745 = %broadcast_in_dim3A_1506) -> (vector<16xf32>, vector<16xi32>)  : i32 {
        %mul3A_1746 = arith.constant 16 : i32
        %mul3A_1747 = arith.muli %scan3A_1743, %mul3A_1746 : i32
        %add3A_1748 = vector.broadcast %mul3A_1747 : i32 to vector<16xi32>
        %add3A_1749 = arith.addi %add3A_1748, %iota3A : vector<16xi32>
        %gather3A_1750 = tpu.vector_load_idx %arg12[%add3A_1749] : memref<128xf32, #tpu.memory_space<vmem>>[vector<16xi32>], vector<16xf32>,
        %gather3A_1751 = tpu.vector_load_idx %arg13[%add3A_1749] : memref<128xi32, #tpu.memory_space<vmem>>[vector<16xi32>], vector<16xi32>,
        %gt3A_1752 = arith.cmpf ogt, %gather3A_1750, %scan3A_1744 : vector<16xf32>
        %eq3A_1753 = arith.cmpf oeq, %gather3A_1750, %scan3A_1744 : vector<16xf32>
        %lt3A_1754 = arith.cmpi slt, %gather3A_1751, %scan3A_1745 : vector<16xi32>
        %and3A_1755 = arith.andi %eq3A_1753, %lt3A_1754 : vector<16xi1>
        %or3A_1756 = arith.ori %gt3A_1752, %and3A_1755 : vector<16xi1>
        %select_n3A_1757 = arith.select %or3A_1756, %gather3A_1750, %scan3A_1744 : vector<16xi1>, vector<16xf32>
        %select_n3A_1758 = arith.select %or3A_1756, %gather3A_1751, %scan3A_1745 : vector<16xi1>, vector<16xi32>
        scf.yield %select_n3A_1757, %select_n3A_1758 : vector<16xf32>, vector<16xi32>
      }
      %scan3A_1512 = arith.constant 8 : i32
      %reduce_max3A_1513 = arith.constant true
      %reduce_max3A_1514 = vector.broadcast %reduce_max3A_1513 : i1 to vector<16xi1>
      %reduce_max3A_1515 = tpu.scan <max>, %scan3A_1511#0 masked %reduce_max3A_1514 : vector<16xf32>, vector<16xi1> -> vector<16xf32>
      %reduce_max3A_1516 = vector.extract %reduce_max3A_1515[15] : f32 from vector<16xf32>
      %eq3A_1517 = vector.broadcast %reduce_max3A_1516 : f32 to vector<16xf32>
      %eq3A_1518 = arith.cmpf oeq, %scan3A_1511#0, %eq3A_1517 : vector<16xf32>
      %broadcast_in_dim3A_1519 = vector.broadcast %cond3A_1094 : i32 to vector<16xi32>
      %select_n3A_1520 = arith.select %eq3A_1518, %scan3A_1511#1, %broadcast_in_dim3A_1519 : vector<16xi1>, vector<16xi32>
      %reduce_min3A_1521 = arith.constant true
      %reduce_min3A_1522 = vector.broadcast %reduce_min3A_1521 : i1 to vector<16xi1>
      %reduce_min3A_1523 = arith.constant -2147483648 : i32
      %reduce_min3A_1524 = vector.broadcast %reduce_min3A_1523 : i32 to vector<16xi32>
      %reduce_min3A_1525 = arith.xori %select_n3A_1520, %reduce_min3A_1524 : vector<16xi32>
      %reduce_min3A_1526 = tpu.scan <min>, %reduce_min3A_1525 masked %reduce_min3A_1522 : vector<16xi32>, vector<16xi1> -> vector<16xi32>
      %reduce_min3A_1527 = arith.xori %reduce_min3A_1526, %reduce_min3A_1524 : vector<16xi32>
      %reduce_min3A_1528 = vector.extract %reduce_min3A_1527[15] : i32 from vector<16xi32>
      %eq3A_1529 = arith.constant 2 : i32
      %eq3A_1530 = vector.broadcast %eq3A_1529 : i32 to vector<16xi32>
      %eq3A_1531 = arith.cmpi eq, %iota3A, %eq3A_1530 : vector<16xi32>
      %broadcast_in_dim3A_1532 = vector.broadcast %reduce_min3A_1528 : i32 to vector<16xi32>
      %select_n3A_1533 = arith.select %eq3A_1531, %broadcast_in_dim3A_1532, %select_n3A_1498 : vector<16xi1>, vector<16xi32>
      %scan3A_1534 = arith.constant 0 : i32
      %scan3A_1535 = arith.constant 0 : i32
      %scan3A_1536 = arith.constant 8 : i32
      %scan3A_1537 = arith.addi %scan3A_1535, %scan3A_1536 : i32
      %scan3A_1538 = arith.constant 1 : i32
      scf.for %scan3A_1743 = %scan3A_1535 to %scan3A_1537 step %scan3A_1538  : i32 {
        %mul3A_1744 = arith.constant 16 : i32
        %mul3A_1745 = arith.muli %scan3A_1743, %mul3A_1744 : i32
        %add3A_1746 = vector.broadcast %mul3A_1745 : i32 to vector<16xi32>
        %add3A_1747 = arith.addi %add3A_1746, %iota3A : vector<16xi32>
        %gather3A_1748 = tpu.vector_load_idx %arg12[%add3A_1747] : memref<128xf32, #tpu.memory_space<vmem>>[vector<16xi32>], vector<16xf32>,
        %gather3A_1749 = tpu.vector_load_idx %arg13[%add3A_1747] : memref<128xi32, #tpu.memory_space<vmem>>[vector<16xi32>], vector<16xi32>,
        %eq3A_1750 = vector.broadcast %reduce_max3A_1516 : f32 to vector<16xf32>
        %eq3A_1751 = arith.cmpf oeq, %gather3A_1748, %eq3A_1750 : vector<16xf32>
        %eq3A_1752 = vector.broadcast %reduce_min3A_1528 : i32 to vector<16xi32>
        %eq3A_1753 = arith.cmpi eq, %gather3A_1749, %eq3A_1752 : vector<16xi32>
        %and3A_1754 = arith.andi %eq3A_1751, %eq3A_1753 : vector<16xi1>
        %broadcast_in_dim3A_1755 = vector.broadcast %cond3A_1093 : f32 to vector<16xf32>
        tpu.vector_store_idx %arg12[%add3A_1747], %broadcast_in_dim3A_1755 masked %and3A_1754 : memref<128xf32, #tpu.memory_space<vmem>>[vector<16xi32>], vector<16xf32>, vector<16xi1>
      }
      %scan3A_1539 = arith.constant 8 : i32
      %broadcast_in_dim3A_1540 = vector.broadcast %cond3A_1093 : f32 to vector<16xf32>
      %broadcast_in_dim3A_1541 = vector.broadcast %cond3A_1094 : i32 to vector<16xi32>
      %scan3A_1542 = arith.constant 0 : i32
      %scan3A_1543 = arith.constant 8 : i32
      %scan3A_1544 = arith.addi %scan3A_1542, %scan3A_1543 : i32
      %scan3A_1545 = arith.constant 1 : i32
      %scan3A_1546:2 = scf.for %scan3A_1743 = %scan3A_1542 to %scan3A_1544 step %scan3A_1545 iter_args(%scan3A_1744 = %broadcast_in_dim3A_1540, %scan3A_1745 = %broadcast_in_dim3A_1541) -> (vector<16xf32>, vector<16xi32>)  : i32 {
        %mul3A_1746 = arith.constant 16 : i32
        %mul3A_1747 = arith.muli %scan3A_1743, %mul3A_1746 : i32
        %add3A_1748 = vector.broadcast %mul3A_1747 : i32 to vector<16xi32>
        %add3A_1749 = arith.addi %add3A_1748, %iota3A : vector<16xi32>
        %gather3A_1750 = tpu.vector_load_idx %arg12[%add3A_1749] : memref<128xf32, #tpu.memory_space<vmem>>[vector<16xi32>], vector<16xf32>,
        %gather3A_1751 = tpu.vector_load_idx %arg13[%add3A_1749] : memref<128xi32, #tpu.memory_space<vmem>>[vector<16xi32>], vector<16xi32>,
        %gt3A_1752 = arith.cmpf ogt, %gather3A_1750, %scan3A_1744 : vector<16xf32>
        %eq3A_1753 = arith.cmpf oeq, %gather3A_1750, %scan3A_1744 : vector<16xf32>
        %lt3A_1754 = arith.cmpi slt, %gather3A_1751, %scan3A_1745 : vector<16xi32>
        %and3A_1755 = arith.andi %eq3A_1753, %lt3A_1754 : vector<16xi1>
        %or3A_1756 = arith.ori %gt3A_1752, %and3A_1755 : vector<16xi1>
        %select_n3A_1757 = arith.select %or3A_1756, %gather3A_1750, %scan3A_1744 : vector<16xi1>, vector<16xf32>
        %select_n3A_1758 = arith.select %or3A_1756, %gather3A_1751, %scan3A_1745 : vector<16xi1>, vector<16xi32>
        scf.yield %select_n3A_1757, %select_n3A_1758 : vector<16xf32>, vector<16xi32>
      }
      %scan3A_1547 = arith.constant 8 : i32
      %reduce_max3A_1548 = arith.constant true
      %reduce_max3A_1549 = vector.broadcast %reduce_max3A_1548 : i1 to vector<16xi1>
      %reduce_max3A_1550 = tpu.scan <max>, %scan3A_1546#0 masked %reduce_max3A_1549 : vector<16xf32>, vector<16xi1> -> vector<16xf32>
      %reduce_max3A_1551 = vector.extract %reduce_max3A_1550[15] : f32 from vector<16xf32>
      %eq3A_1552 = vector.broadcast %reduce_max3A_1551 : f32 to vector<16xf32>
      %eq3A_1553 = arith.cmpf oeq, %scan3A_1546#0, %eq3A_1552 : vector<16xf32>
      %broadcast_in_dim3A_1554 = vector.broadcast %cond3A_1094 : i32 to vector<16xi32>
      %select_n3A_1555 = arith.select %eq3A_1553, %scan3A_1546#1, %broadcast_in_dim3A_1554 : vector<16xi1>, vector<16xi32>
      %reduce_min3A_1556 = arith.constant true
      %reduce_min3A_1557 = vector.broadcast %reduce_min3A_1556 : i1 to vector<16xi1>
      %reduce_min3A_1558 = arith.constant -2147483648 : i32
      %reduce_min3A_1559 = vector.broadcast %reduce_min3A_1558 : i32 to vector<16xi32>
      %reduce_min3A_1560 = arith.xori %select_n3A_1555, %reduce_min3A_1559 : vector<16xi32>
      %reduce_min3A_1561 = tpu.scan <min>, %reduce_min3A_1560 masked %reduce_min3A_1557 : vector<16xi32>, vector<16xi1> -> vector<16xi32>
      %reduce_min3A_1562 = arith.xori %reduce_min3A_1561, %reduce_min3A_1559 : vector<16xi32>
      %reduce_min3A_1563 = vector.extract %reduce_min3A_1562[15] : i32 from vector<16xi32>
      %eq3A_1564 = arith.constant 3 : i32
      %eq3A_1565 = vector.broadcast %eq3A_1564 : i32 to vector<16xi32>
      %eq3A_1566 = arith.cmpi eq, %iota3A, %eq3A_1565 : vector<16xi32>
      %broadcast_in_dim3A_1567 = vector.broadcast %reduce_min3A_1563 : i32 to vector<16xi32>
      %select_n3A_1568 = arith.select %eq3A_1566, %broadcast_in_dim3A_1567, %select_n3A_1533 : vector<16xi1>, vector<16xi32>
      %scan3A_1569 = arith.constant 0 : i32
      %scan3A_1570 = arith.constant 0 : i32
      %scan3A_1571 = arith.constant 8 : i32
      %scan3A_1572 = arith.addi %scan3A_1570, %scan3A_1571 : i32
      %scan3A_1573 = arith.constant 1 : i32
      scf.for %scan3A_1743 = %scan3A_1570 to %scan3A_1572 step %scan3A_1573  : i32 {
        %mul3A_1744 = arith.constant 16 : i32
        %mul3A_1745 = arith.muli %scan3A_1743, %mul3A_1744 : i32
        %add3A_1746 = vector.broadcast %mul3A_1745 : i32 to vector<16xi32>
        %add3A_1747 = arith.addi %add3A_1746, %iota3A : vector<16xi32>
        %gather3A_1748 = tpu.vector_load_idx %arg12[%add3A_1747] : memref<128xf32, #tpu.memory_space<vmem>>[vector<16xi32>], vector<16xf32>,
        %gather3A_1749 = tpu.vector_load_idx %arg13[%add3A_1747] : memref<128xi32, #tpu.memory_space<vmem>>[vector<16xi32>], vector<16xi32>,
        %eq3A_1750 = vector.broadcast %reduce_max3A_1551 : f32 to vector<16xf32>
        %eq3A_1751 = arith.cmpf oeq, %gather3A_1748, %eq3A_1750 : vector<16xf32>
        %eq3A_1752 = vector.broadcast %reduce_min3A_1563 : i32 to vector<16xi32>
        %eq3A_1753 = arith.cmpi eq, %gather3A_1749, %eq3A_1752 : vector<16xi32>
        %and3A_1754 = arith.andi %eq3A_1751, %eq3A_1753 : vector<16xi1>
        %broadcast_in_dim3A_1755 = vector.broadcast %cond3A_1093 : f32 to vector<16xf32>
        tpu.vector_store_idx %arg12[%add3A_1747], %broadcast_in_dim3A_1755 masked %and3A_1754 : memref<128xf32, #tpu.memory_space<vmem>>[vector<16xi32>], vector<16xf32>, vector<16xi1>
      }
      %scan3A_1574 = arith.constant 8 : i32
      %broadcast_in_dim3A_1575 = vector.broadcast %cond3A_1093 : f32 to vector<16xf32>
      %broadcast_in_dim3A_1576 = vector.broadcast %cond3A_1094 : i32 to vector<16xi32>
      %scan3A_1577 = arith.constant 0 : i32
      %scan3A_1578 = arith.constant 8 : i32
      %scan3A_1579 = arith.addi %scan3A_1577, %scan3A_1578 : i32
      %scan3A_1580 = arith.constant 1 : i32
      %scan3A_1581:2 = scf.for %scan3A_1743 = %scan3A_1577 to %scan3A_1579 step %scan3A_1580 iter_args(%scan3A_1744 = %broadcast_in_dim3A_1575, %scan3A_1745 = %broadcast_in_dim3A_1576) -> (vector<16xf32>, vector<16xi32>)  : i32 {
        %mul3A_1746 = arith.constant 16 : i32
        %mul3A_1747 = arith.muli %scan3A_1743, %mul3A_1746 : i32
        %add3A_1748 = vector.broadcast %mul3A_1747 : i32 to vector<16xi32>
        %add3A_1749 = arith.addi %add3A_1748, %iota3A : vector<16xi32>
        %gather3A_1750 = tpu.vector_load_idx %arg12[%add3A_1749] : memref<128xf32, #tpu.memory_space<vmem>>[vector<16xi32>], vector<16xf32>,
        %gather3A_1751 = tpu.vector_load_idx %arg13[%add3A_1749] : memref<128xi32, #tpu.memory_space<vmem>>[vector<16xi32>], vector<16xi32>,
        %gt3A_1752 = arith.cmpf ogt, %gather3A_1750, %scan3A_1744 : vector<16xf32>
        %eq3A_1753 = arith.cmpf oeq, %gather3A_1750, %scan3A_1744 : vector<16xf32>
        %lt3A_1754 = arith.cmpi slt, %gather3A_1751, %scan3A_1745 : vector<16xi32>
        %and3A_1755 = arith.andi %eq3A_1753, %lt3A_1754 : vector<16xi1>
        %or3A_1756 = arith.ori %gt3A_1752, %and3A_1755 : vector<16xi1>
        %select_n3A_1757 = arith.select %or3A_1756, %gather3A_1750, %scan3A_1744 : vector<16xi1>, vector<16xf32>
        %select_n3A_1758 = arith.select %or3A_1756, %gather3A_1751, %scan3A_1745 : vector<16xi1>, vector<16xi32>
        scf.yield %select_n3A_1757, %select_n3A_1758 : vector<16xf32>, vector<16xi32>
      }
      %scan3A_1582 = arith.constant 8 : i32
      %reduce_max3A_1583 = arith.constant true
      %reduce_max3A_1584 = vector.broadcast %reduce_max3A_1583 : i1 to vector<16xi1>
      %reduce_max3A_1585 = tpu.scan <max>, %scan3A_1581#0 masked %reduce_max3A_1584 : vector<16xf32>, vector<16xi1> -> vector<16xf32>
      %reduce_max3A_1586 = vector.extract %reduce_max3A_1585[15] : f32 from vector<16xf32>
      %eq3A_1587 = vector.broadcast %reduce_max3A_1586 : f32 to vector<16xf32>
      %eq3A_1588 = arith.cmpf oeq, %scan3A_1581#0, %eq3A_1587 : vector<16xf32>
      %broadcast_in_dim3A_1589 = vector.broadcast %cond3A_1094 : i32 to vector<16xi32>
      %select_n3A_1590 = arith.select %eq3A_1588, %scan3A_1581#1, %broadcast_in_dim3A_1589 : vector<16xi1>, vector<16xi32>
      %reduce_min3A_1591 = arith.constant true
      %reduce_min3A_1592 = vector.broadcast %reduce_min3A_1591 : i1 to vector<16xi1>
      %reduce_min3A_1593 = arith.constant -2147483648 : i32
      %reduce_min3A_1594 = vector.broadcast %reduce_min3A_1593 : i32 to vector<16xi32>
      %reduce_min3A_1595 = arith.xori %select_n3A_1590, %reduce_min3A_1594 : vector<16xi32>
      %reduce_min3A_1596 = tpu.scan <min>, %reduce_min3A_1595 masked %reduce_min3A_1592 : vector<16xi32>, vector<16xi1> -> vector<16xi32>
      %reduce_min3A_1597 = arith.xori %reduce_min3A_1596, %reduce_min3A_1594 : vector<16xi32>
      %reduce_min3A_1598 = vector.extract %reduce_min3A_1597[15] : i32 from vector<16xi32>
      %eq3A_1599 = arith.constant 4 : i32
      %eq3A_1600 = vector.broadcast %eq3A_1599 : i32 to vector<16xi32>
      %eq3A_1601 = arith.cmpi eq, %iota3A, %eq3A_1600 : vector<16xi32>
      %broadcast_in_dim3A_1602 = vector.broadcast %reduce_min3A_1598 : i32 to vector<16xi32>
      %select_n3A_1603 = arith.select %eq3A_1601, %broadcast_in_dim3A_1602, %select_n3A_1568 : vector<16xi1>, vector<16xi32>
      %scan3A_1604 = arith.constant 0 : i32
      %scan3A_1605 = arith.constant 0 : i32
      %scan3A_1606 = arith.constant 8 : i32
      %scan3A_1607 = arith.addi %scan3A_1605, %scan3A_1606 : i32
      %scan3A_1608 = arith.constant 1 : i32
      scf.for %scan3A_1743 = %scan3A_1605 to %scan3A_1607 step %scan3A_1608  : i32 {
        %mul3A_1744 = arith.constant 16 : i32
        %mul3A_1745 = arith.muli %scan3A_1743, %mul3A_1744 : i32
        %add3A_1746 = vector.broadcast %mul3A_1745 : i32 to vector<16xi32>
        %add3A_1747 = arith.addi %add3A_1746, %iota3A : vector<16xi32>
        %gather3A_1748 = tpu.vector_load_idx %arg12[%add3A_1747] : memref<128xf32, #tpu.memory_space<vmem>>[vector<16xi32>], vector<16xf32>,
        %gather3A_1749 = tpu.vector_load_idx %arg13[%add3A_1747] : memref<128xi32, #tpu.memory_space<vmem>>[vector<16xi32>], vector<16xi32>,
        %eq3A_1750 = vector.broadcast %reduce_max3A_1586 : f32 to vector<16xf32>
        %eq3A_1751 = arith.cmpf oeq, %gather3A_1748, %eq3A_1750 : vector<16xf32>
        %eq3A_1752 = vector.broadcast %reduce_min3A_1598 : i32 to vector<16xi32>
        %eq3A_1753 = arith.cmpi eq, %gather3A_1749, %eq3A_1752 : vector<16xi32>
        %and3A_1754 = arith.andi %eq3A_1751, %eq3A_1753 : vector<16xi1>
        %broadcast_in_dim3A_1755 = vector.broadcast %cond3A_1093 : f32 to vector<16xf32>
        tpu.vector_store_idx %arg12[%add3A_1747], %broadcast_in_dim3A_1755 masked %and3A_1754 : memref<128xf32, #tpu.memory_space<vmem>>[vector<16xi32>], vector<16xf32>, vector<16xi1>
      }
      %scan3A_1609 = arith.constant 8 : i32
      %broadcast_in_dim3A_1610 = vector.broadcast %cond3A_1093 : f32 to vector<16xf32>
      %broadcast_in_dim3A_1611 = vector.broadcast %cond3A_1094 : i32 to vector<16xi32>
      %scan3A_1612 = arith.constant 0 : i32
      %scan3A_1613 = arith.constant 8 : i32
      %scan3A_1614 = arith.addi %scan3A_1612, %scan3A_1613 : i32
      %scan3A_1615 = arith.constant 1 : i32
      %scan3A_1616:2 = scf.for %scan3A_1743 = %scan3A_1612 to %scan3A_1614 step %scan3A_1615 iter_args(%scan3A_1744 = %broadcast_in_dim3A_1610, %scan3A_1745 = %broadcast_in_dim3A_1611) -> (vector<16xf32>, vector<16xi32>)  : i32 {
        %mul3A_1746 = arith.constant 16 : i32
        %mul3A_1747 = arith.muli %scan3A_1743, %mul3A_1746 : i32
        %add3A_1748 = vector.broadcast %mul3A_1747 : i32 to vector<16xi32>
        %add3A_1749 = arith.addi %add3A_1748, %iota3A : vector<16xi32>
        %gather3A_1750 = tpu.vector_load_idx %arg12[%add3A_1749] : memref<128xf32, #tpu.memory_space<vmem>>[vector<16xi32>], vector<16xf32>,
        %gather3A_1751 = tpu.vector_load_idx %arg13[%add3A_1749] : memref<128xi32, #tpu.memory_space<vmem>>[vector<16xi32>], vector<16xi32>,
        %gt3A_1752 = arith.cmpf ogt, %gather3A_1750, %scan3A_1744 : vector<16xf32>
        %eq3A_1753 = arith.cmpf oeq, %gather3A_1750, %scan3A_1744 : vector<16xf32>
        %lt3A_1754 = arith.cmpi slt, %gather3A_1751, %scan3A_1745 : vector<16xi32>
        %and3A_1755 = arith.andi %eq3A_1753, %lt3A_1754 : vector<16xi1>
        %or3A_1756 = arith.ori %gt3A_1752, %and3A_1755 : vector<16xi1>
        %select_n3A_1757 = arith.select %or3A_1756, %gather3A_1750, %scan3A_1744 : vector<16xi1>, vector<16xf32>
        %select_n3A_1758 = arith.select %or3A_1756, %gather3A_1751, %scan3A_1745 : vector<16xi1>, vector<16xi32>
        scf.yield %select_n3A_1757, %select_n3A_1758 : vector<16xf32>, vector<16xi32>
      }
      %scan3A_1617 = arith.constant 8 : i32
      %reduce_max3A_1618 = arith.constant true
      %reduce_max3A_1619 = vector.broadcast %reduce_max3A_1618 : i1 to vector<16xi1>
      %reduce_max3A_1620 = tpu.scan <max>, %scan3A_1616#0 masked %reduce_max3A_1619 : vector<16xf32>, vector<16xi1> -> vector<16xf32>
      %reduce_max3A_1621 = vector.extract %reduce_max3A_1620[15] : f32 from vector<16xf32>
      %eq3A_1622 = vector.broadcast %reduce_max3A_1621 : f32 to vector<16xf32>
      %eq3A_1623 = arith.cmpf oeq, %scan3A_1616#0, %eq3A_1622 : vector<16xf32>
      %broadcast_in_dim3A_1624 = vector.broadcast %cond3A_1094 : i32 to vector<16xi32>
      %select_n3A_1625 = arith.select %eq3A_1623, %scan3A_1616#1, %broadcast_in_dim3A_1624 : vector<16xi1>, vector<16xi32>
      %reduce_min3A_1626 = arith.constant true
      %reduce_min3A_1627 = vector.broadcast %reduce_min3A_1626 : i1 to vector<16xi1>
      %reduce_min3A_1628 = arith.constant -2147483648 : i32
      %reduce_min3A_1629 = vector.broadcast %reduce_min3A_1628 : i32 to vector<16xi32>
      %reduce_min3A_1630 = arith.xori %select_n3A_1625, %reduce_min3A_1629 : vector<16xi32>
      %reduce_min3A_1631 = tpu.scan <min>, %reduce_min3A_1630 masked %reduce_min3A_1627 : vector<16xi32>, vector<16xi1> -> vector<16xi32>
      %reduce_min3A_1632 = arith.xori %reduce_min3A_1631, %reduce_min3A_1629 : vector<16xi32>
      %reduce_min3A_1633 = vector.extract %reduce_min3A_1632[15] : i32 from vector<16xi32>
      %eq3A_1634 = arith.constant 5 : i32
      %eq3A_1635 = vector.broadcast %eq3A_1634 : i32 to vector<16xi32>
      %eq3A_1636 = arith.cmpi eq, %iota3A, %eq3A_1635 : vector<16xi32>
      %broadcast_in_dim3A_1637 = vector.broadcast %reduce_min3A_1633 : i32 to vector<16xi32>
      %select_n3A_1638 = arith.select %eq3A_1636, %broadcast_in_dim3A_1637, %select_n3A_1603 : vector<16xi1>, vector<16xi32>
      %scan3A_1639 = arith.constant 0 : i32
      %scan3A_1640 = arith.constant 0 : i32
      %scan3A_1641 = arith.constant 8 : i32
      %scan3A_1642 = arith.addi %scan3A_1640, %scan3A_1641 : i32
      %scan3A_1643 = arith.constant 1 : i32
      scf.for %scan3A_1743 = %scan3A_1640 to %scan3A_1642 step %scan3A_1643  : i32 {
        %mul3A_1744 = arith.constant 16 : i32
        %mul3A_1745 = arith.muli %scan3A_1743, %mul3A_1744 : i32
        %add3A_1746 = vector.broadcast %mul3A_1745 : i32 to vector<16xi32>
        %add3A_1747 = arith.addi %add3A_1746, %iota3A : vector<16xi32>
        %gather3A_1748 = tpu.vector_load_idx %arg12[%add3A_1747] : memref<128xf32, #tpu.memory_space<vmem>>[vector<16xi32>], vector<16xf32>,
        %gather3A_1749 = tpu.vector_load_idx %arg13[%add3A_1747] : memref<128xi32, #tpu.memory_space<vmem>>[vector<16xi32>], vector<16xi32>,
        %eq3A_1750 = vector.broadcast %reduce_max3A_1621 : f32 to vector<16xf32>
        %eq3A_1751 = arith.cmpf oeq, %gather3A_1748, %eq3A_1750 : vector<16xf32>
        %eq3A_1752 = vector.broadcast %reduce_min3A_1633 : i32 to vector<16xi32>
        %eq3A_1753 = arith.cmpi eq, %gather3A_1749, %eq3A_1752 : vector<16xi32>
        %and3A_1754 = arith.andi %eq3A_1751, %eq3A_1753 : vector<16xi1>
        %broadcast_in_dim3A_1755 = vector.broadcast %cond3A_1093 : f32 to vector<16xf32>
        tpu.vector_store_idx %arg12[%add3A_1747], %broadcast_in_dim3A_1755 masked %and3A_1754 : memref<128xf32, #tpu.memory_space<vmem>>[vector<16xi32>], vector<16xf32>, vector<16xi1>
      }
      %scan3A_1644 = arith.constant 8 : i32
      %broadcast_in_dim3A_1645 = vector.broadcast %cond3A_1093 : f32 to vector<16xf32>
      %broadcast_in_dim3A_1646 = vector.broadcast %cond3A_1094 : i32 to vector<16xi32>
      %scan3A_1647 = arith.constant 0 : i32
      %scan3A_1648 = arith.constant 8 : i32
      %scan3A_1649 = arith.addi %scan3A_1647, %scan3A_1648 : i32
      %scan3A_1650 = arith.constant 1 : i32
      %scan3A_1651:2 = scf.for %scan3A_1743 = %scan3A_1647 to %scan3A_1649 step %scan3A_1650 iter_args(%scan3A_1744 = %broadcast_in_dim3A_1645, %scan3A_1745 = %broadcast_in_dim3A_1646) -> (vector<16xf32>, vector<16xi32>)  : i32 {
        %mul3A_1746 = arith.constant 16 : i32
        %mul3A_1747 = arith.muli %scan3A_1743, %mul3A_1746 : i32
        %add3A_1748 = vector.broadcast %mul3A_1747 : i32 to vector<16xi32>
        %add3A_1749 = arith.addi %add3A_1748, %iota3A : vector<16xi32>
        %gather3A_1750 = tpu.vector_load_idx %arg12[%add3A_1749] : memref<128xf32, #tpu.memory_space<vmem>>[vector<16xi32>], vector<16xf32>,
        %gather3A_1751 = tpu.vector_load_idx %arg13[%add3A_1749] : memref<128xi32, #tpu.memory_space<vmem>>[vector<16xi32>], vector<16xi32>,
        %gt3A_1752 = arith.cmpf ogt, %gather3A_1750, %scan3A_1744 : vector<16xf32>
        %eq3A_1753 = arith.cmpf oeq, %gather3A_1750, %scan3A_1744 : vector<16xf32>
        %lt3A_1754 = arith.cmpi slt, %gather3A_1751, %scan3A_1745 : vector<16xi32>
        %and3A_1755 = arith.andi %eq3A_1753, %lt3A_1754 : vector<16xi1>
        %or3A_1756 = arith.ori %gt3A_1752, %and3A_1755 : vector<16xi1>
        %select_n3A_1757 = arith.select %or3A_1756, %gather3A_1750, %scan3A_1744 : vector<16xi1>, vector<16xf32>
        %select_n3A_1758 = arith.select %or3A_1756, %gather3A_1751, %scan3A_1745 : vector<16xi1>, vector<16xi32>
        scf.yield %select_n3A_1757, %select_n3A_1758 : vector<16xf32>, vector<16xi32>
      }
      %scan3A_1652 = arith.constant 8 : i32
      %reduce_max3A_1653 = arith.constant true
      %reduce_max3A_1654 = vector.broadcast %reduce_max3A_1653 : i1 to vector<16xi1>
      %reduce_max3A_1655 = tpu.scan <max>, %scan3A_1651#0 masked %reduce_max3A_1654 : vector<16xf32>, vector<16xi1> -> vector<16xf32>
      %reduce_max3A_1656 = vector.extract %reduce_max3A_1655[15] : f32 from vector<16xf32>
      %eq3A_1657 = vector.broadcast %reduce_max3A_1656 : f32 to vector<16xf32>
      %eq3A_1658 = arith.cmpf oeq, %scan3A_1651#0, %eq3A_1657 : vector<16xf32>
      %broadcast_in_dim3A_1659 = vector.broadcast %cond3A_1094 : i32 to vector<16xi32>
      %select_n3A_1660 = arith.select %eq3A_1658, %scan3A_1651#1, %broadcast_in_dim3A_1659 : vector<16xi1>, vector<16xi32>
      %reduce_min3A_1661 = arith.constant true
      %reduce_min3A_1662 = vector.broadcast %reduce_min3A_1661 : i1 to vector<16xi1>
      %reduce_min3A_1663 = arith.constant -2147483648 : i32
      %reduce_min3A_1664 = vector.broadcast %reduce_min3A_1663 : i32 to vector<16xi32>
      %reduce_min3A_1665 = arith.xori %select_n3A_1660, %reduce_min3A_1664 : vector<16xi32>
      %reduce_min3A_1666 = tpu.scan <min>, %reduce_min3A_1665 masked %reduce_min3A_1662 : vector<16xi32>, vector<16xi1> -> vector<16xi32>
      %reduce_min3A_1667 = arith.xori %reduce_min3A_1666, %reduce_min3A_1664 : vector<16xi32>
      %reduce_min3A_1668 = vector.extract %reduce_min3A_1667[15] : i32 from vector<16xi32>
      %eq3A_1669 = arith.constant 6 : i32
      %eq3A_1670 = vector.broadcast %eq3A_1669 : i32 to vector<16xi32>
      %eq3A_1671 = arith.cmpi eq, %iota3A, %eq3A_1670 : vector<16xi32>
      %broadcast_in_dim3A_1672 = vector.broadcast %reduce_min3A_1668 : i32 to vector<16xi32>
      %select_n3A_1673 = arith.select %eq3A_1671, %broadcast_in_dim3A_1672, %select_n3A_1638 : vector<16xi1>, vector<16xi32>
      %scan3A_1674 = arith.constant 0 : i32
      %scan3A_1675 = arith.constant 0 : i32
      %scan3A_1676 = arith.constant 8 : i32
      %scan3A_1677 = arith.addi %scan3A_1675, %scan3A_1676 : i32
      %scan3A_1678 = arith.constant 1 : i32
      scf.for %scan3A_1743 = %scan3A_1675 to %scan3A_1677 step %scan3A_1678  : i32 {
        %mul3A_1744 = arith.constant 16 : i32
        %mul3A_1745 = arith.muli %scan3A_1743, %mul3A_1744 : i32
        %add3A_1746 = vector.broadcast %mul3A_1745 : i32 to vector<16xi32>
        %add3A_1747 = arith.addi %add3A_1746, %iota3A : vector<16xi32>
        %gather3A_1748 = tpu.vector_load_idx %arg12[%add3A_1747] : memref<128xf32, #tpu.memory_space<vmem>>[vector<16xi32>], vector<16xf32>,
        %gather3A_1749 = tpu.vector_load_idx %arg13[%add3A_1747] : memref<128xi32, #tpu.memory_space<vmem>>[vector<16xi32>], vector<16xi32>,
        %eq3A_1750 = vector.broadcast %reduce_max3A_1656 : f32 to vector<16xf32>
        %eq3A_1751 = arith.cmpf oeq, %gather3A_1748, %eq3A_1750 : vector<16xf32>
        %eq3A_1752 = vector.broadcast %reduce_min3A_1668 : i32 to vector<16xi32>
        %eq3A_1753 = arith.cmpi eq, %gather3A_1749, %eq3A_1752 : vector<16xi32>
        %and3A_1754 = arith.andi %eq3A_1751, %eq3A_1753 : vector<16xi1>
        %broadcast_in_dim3A_1755 = vector.broadcast %cond3A_1093 : f32 to vector<16xf32>
        tpu.vector_store_idx %arg12[%add3A_1747], %broadcast_in_dim3A_1755 masked %and3A_1754 : memref<128xf32, #tpu.memory_space<vmem>>[vector<16xi32>], vector<16xf32>, vector<16xi1>
      }
      %scan3A_1679 = arith.constant 8 : i32
      %broadcast_in_dim3A_1680 = vector.broadcast %cond3A_1093 : f32 to vector<16xf32>
      %broadcast_in_dim3A_1681 = vector.broadcast %cond3A_1094 : i32 to vector<16xi32>
      %scan3A_1682 = arith.constant 0 : i32
      %scan3A_1683 = arith.constant 8 : i32
      %scan3A_1684 = arith.addi %scan3A_1682, %scan3A_1683 : i32
      %scan3A_1685 = arith.constant 1 : i32
      %scan3A_1686:2 = scf.for %scan3A_1743 = %scan3A_1682 to %scan3A_1684 step %scan3A_1685 iter_args(%scan3A_1744 = %broadcast_in_dim3A_1680, %scan3A_1745 = %broadcast_in_dim3A_1681) -> (vector<16xf32>, vector<16xi32>)  : i32 {
        %mul3A_1746 = arith.constant 16 : i32
        %mul3A_1747 = arith.muli %scan3A_1743, %mul3A_1746 : i32
        %add3A_1748 = vector.broadcast %mul3A_1747 : i32 to vector<16xi32>
        %add3A_1749 = arith.addi %add3A_1748, %iota3A : vector<16xi32>
        %gather3A_1750 = tpu.vector_load_idx %arg12[%add3A_1749] : memref<128xf32, #tpu.memory_space<vmem>>[vector<16xi32>], vector<16xf32>,
        %gather3A_1751 = tpu.vector_load_idx %arg13[%add3A_1749] : memref<128xi32, #tpu.memory_space<vmem>>[vector<16xi32>], vector<16xi32>,
        %gt3A_1752 = arith.cmpf ogt, %gather3A_1750, %scan3A_1744 : vector<16xf32>
        %eq3A_1753 = arith.cmpf oeq, %gather3A_1750, %scan3A_1744 : vector<16xf32>
        %lt3A_1754 = arith.cmpi slt, %gather3A_1751, %scan3A_1745 : vector<16xi32>
        %and3A_1755 = arith.andi %eq3A_1753, %lt3A_1754 : vector<16xi1>
        %or3A_1756 = arith.ori %gt3A_1752, %and3A_1755 : vector<16xi1>
        %select_n3A_1757 = arith.select %or3A_1756, %gather3A_1750, %scan3A_1744 : vector<16xi1>, vector<16xf32>
        %select_n3A_1758 = arith.select %or3A_1756, %gather3A_1751, %scan3A_1745 : vector<16xi1>, vector<16xi32>
        scf.yield %select_n3A_1757, %select_n3A_1758 : vector<16xf32>, vector<16xi32>
      }
      %scan3A_1687 = arith.constant 8 : i32
      %reduce_max3A_1688 = arith.constant true
      %reduce_max3A_1689 = vector.broadcast %reduce_max3A_1688 : i1 to vector<16xi1>
      %reduce_max3A_1690 = tpu.scan <max>, %scan3A_1686#0 masked %reduce_max3A_1689 : vector<16xf32>, vector<16xi1> -> vector<16xf32>
      %reduce_max3A_1691 = vector.extract %reduce_max3A_1690[15] : f32 from vector<16xf32>
      %eq3A_1692 = vector.broadcast %reduce_max3A_1691 : f32 to vector<16xf32>
      %eq3A_1693 = arith.cmpf oeq, %scan3A_1686#0, %eq3A_1692 : vector<16xf32>
      %broadcast_in_dim3A_1694 = vector.broadcast %cond3A_1094 : i32 to vector<16xi32>
      %select_n3A_1695 = arith.select %eq3A_1693, %scan3A_1686#1, %broadcast_in_dim3A_1694 : vector<16xi1>, vector<16xi32>
      %reduce_min3A_1696 = arith.constant true
      %reduce_min3A_1697 = vector.broadcast %reduce_min3A_1696 : i1 to vector<16xi1>
      %reduce_min3A_1698 = arith.constant -2147483648 : i32
      %reduce_min3A_1699 = vector.broadcast %reduce_min3A_1698 : i32 to vector<16xi32>
      %reduce_min3A_1700 = arith.xori %select_n3A_1695, %reduce_min3A_1699 : vector<16xi32>
      %reduce_min3A_1701 = tpu.scan <min>, %reduce_min3A_1700 masked %reduce_min3A_1697 : vector<16xi32>, vector<16xi1> -> vector<16xi32>
      %reduce_min3A_1702 = arith.xori %reduce_min3A_1701, %reduce_min3A_1699 : vector<16xi32>
      %reduce_min3A_1703 = vector.extract %reduce_min3A_1702[15] : i32 from vector<16xi32>
      %eq3A_1704 = arith.constant 7 : i32
      %eq3A_1705 = vector.broadcast %eq3A_1704 : i32 to vector<16xi32>
      %eq3A_1706 = arith.cmpi eq, %iota3A, %eq3A_1705 : vector<16xi32>
      %broadcast_in_dim3A_1707 = vector.broadcast %reduce_min3A_1703 : i32 to vector<16xi32>
      %select_n3A_1708 = arith.select %eq3A_1706, %broadcast_in_dim3A_1707, %select_n3A_1673 : vector<16xi1>, vector<16xi32>
      %scan3A_1709 = arith.constant 0 : i32
      %scan3A_1710 = arith.constant 0 : i32
      %scan3A_1711 = arith.constant 8 : i32
      %scan3A_1712 = arith.addi %scan3A_1710, %scan3A_1711 : i32
      %scan3A_1713 = arith.constant 1 : i32
      scf.for %scan3A_1743 = %scan3A_1710 to %scan3A_1712 step %scan3A_1713  : i32 {
        %mul3A_1744 = arith.constant 16 : i32
        %mul3A_1745 = arith.muli %scan3A_1743, %mul3A_1744 : i32
        %add3A_1746 = vector.broadcast %mul3A_1745 : i32 to vector<16xi32>
        %add3A_1747 = arith.addi %add3A_1746, %iota3A : vector<16xi32>
        %gather3A_1748 = tpu.vector_load_idx %arg12[%add3A_1747] : memref<128xf32, #tpu.memory_space<vmem>>[vector<16xi32>], vector<16xf32>,
        %gather3A_1749 = tpu.vector_load_idx %arg13[%add3A_1747] : memref<128xi32, #tpu.memory_space<vmem>>[vector<16xi32>], vector<16xi32>,
        %eq3A_1750 = vector.broadcast %reduce_max3A_1691 : f32 to vector<16xf32>
        %eq3A_1751 = arith.cmpf oeq, %gather3A_1748, %eq3A_1750 : vector<16xf32>
        %eq3A_1752 = vector.broadcast %reduce_min3A_1703 : i32 to vector<16xi32>
        %eq3A_1753 = arith.cmpi eq, %gather3A_1749, %eq3A_1752 : vector<16xi32>
        %and3A_1754 = arith.andi %eq3A_1751, %eq3A_1753 : vector<16xi1>
        %broadcast_in_dim3A_1755 = vector.broadcast %cond3A_1093 : f32 to vector<16xf32>
        tpu.vector_store_idx %arg12[%add3A_1747], %broadcast_in_dim3A_1755 masked %and3A_1754 : memref<128xf32, #tpu.memory_space<vmem>>[vector<16xi32>], vector<16xf32>, vector<16xi1>
      }
      %scan3A_1714 = arith.constant 8 : i32
      %swap3A_1715 = arith.constant 0 : index
      %swap3A_1716 = tpu.vector_load %arg11[%swap3A_1715] {strides = array<i32>} : memref<16xi32, #tpu.memory_space<vmem>>, vector<16xi32>,
      tpu.vector_store %arg11[%swap3A_1715], %select_n3A_1708 {strides = array<i32>} : memref<16xi32, #tpu.memory_space<vmem>>, vector<16xi32>,
      %jit3A_1717 = arith.constant 8 : i32
      %div3A_1718 = arith.divsi %arg1, %jit3A_1717 : i32
      %sign3A_1719 = arith.constant 0 : i32
      %sign3A_1720 = arith.cmpi sgt, %arg1, %sign3A_1719 : i32
      %sign3A_1721 = arith.extui %sign3A_1720 : i1 to i32
      %sign3A_1722 = arith.constant 0 : i32
      %sign3A_1723 = arith.cmpi slt, %arg1, %sign3A_1722 : i32
      %sign3A_1724 = arith.extui %sign3A_1723 : i1 to i32
      %sign3A_1725 = arith.subi %sign3A_1721, %sign3A_1724 : i32
      %sign3A_1726 = arith.constant 0 : i32
      %sign3A_1727 = arith.cmpi sgt, %jit3A_1717, %sign3A_1726 : i32
      %sign3A_1728 = arith.extui %sign3A_1727 : i1 to i32
      %sign3A_1729 = arith.constant 0 : i32
      %sign3A_1730 = arith.cmpi slt, %jit3A_1717, %sign3A_1729 : i32
      %sign3A_1731 = arith.extui %sign3A_1730 : i1 to i32
      %sign3A_1732 = arith.subi %sign3A_1728, %sign3A_1731 : i32
      %ne3A_1733 = arith.cmpi ne, %sign3A_1725, %sign3A_1732 : i32
      %rem3A_1734 = arith.remsi %arg1, %jit3A_1717 : i32
      %ne3A_1735 = arith.constant 0 : i32
      %ne3A_1736 = arith.cmpi ne, %rem3A_1734, %ne3A_1735 : i32
      %and3A_1737 = arith.andi %ne3A_1733, %ne3A_1736 : i1
      %sub3A_1738 = arith.constant 1 : i32
      %sub3A_1739 = arith.subi %div3A_1718, %sub3A_1738 : i32
      %select_n3A_1740 = arith.select %and3A_1737, %sub3A_1739, %div3A_1718 : i32
      %mul3A_1741 = arith.constant 16 : i32
      %mul3A_1742 = arith.muli %select_n3A_1740, %mul3A_1741 : i32
      "tpu.region"() ({
        %run_scoped3A = tpu.sem_alloc : memref<!tpu.dma_semaphore, #tpu.memory_space<semaphore_mem>>
        %dma_start3A = tpu.memref_slice %arg17[%mul3A_1742] : memref<32xi32, #tpu.memory_space<vmem_shared>> -> memref<16xi32, #tpu.memory_space<vmem_shared>>
        %dma_start3A_1743 = tpu.memref_slice %arg17[%mul3A_1742] : memref<32xi32, #tpu.memory_space<vmem_shared>> -> memref<16xi32, #tpu.memory_space<vmem_shared>>
        tpu.enqueue_dma source(%arg11 : memref<16xi32, #tpu.memory_space<vmem>>) target(%dma_start3A_1743 : memref<16xi32, #tpu.memory_space<vmem_shared>>) target_semaphore(%run_scoped3A : memref<!tpu.dma_semaphore, #tpu.memory_space<semaphore_mem>>)
        %dma_wait3A = tpu.memref_slice %arg17[%mul3A_1742] : memref<32xi32, #tpu.memory_space<vmem_shared>> -> memref<16xi32, #tpu.memory_space<vmem_shared>>
        %dma_wait3A_1744 = tpu.memref_slice %arg17[%mul3A_1742] : memref<32xi32, #tpu.memory_space<vmem_shared>> -> memref<16xi32, #tpu.memory_space<vmem_shared>>
        tpu.wait_dma2 semaphore(%run_scoped3A : memref<!tpu.dma_semaphore, #tpu.memory_space<semaphore_mem>>) src(%arg11 : memref<16xi32, #tpu.memory_space<vmem>>) dst(%dma_wait3A_1744 : memref<16xi32, #tpu.memory_space<vmem_shared>>)
        tpu.yield
      }) : () -> ()
    } else {
    }
    %barrier3A_1097 = arith.constant 0 : index
    tpu.barrier barrier_id(%barrier3A_1097)
    %jit3A_1098 = arith.constant 8 : i32
    %div3A_1099 = arith.divsi %arg1, %jit3A_1098 : i32
    %sign3A_1100 = arith.constant 0 : i32
    %sign3A_1101 = arith.cmpi sgt, %arg1, %sign3A_1100 : i32
    %sign3A_1102 = arith.extui %sign3A_1101 : i1 to i32
    %sign3A_1103 = arith.constant 0 : i32
    %sign3A_1104 = arith.cmpi slt, %arg1, %sign3A_1103 : i32
    %sign3A_1105 = arith.extui %sign3A_1104 : i1 to i32
    %sign3A_1106 = arith.subi %sign3A_1102, %sign3A_1105 : i32
    %sign3A_1107 = arith.constant 0 : i32
    %sign3A_1108 = arith.cmpi sgt, %jit3A_1098, %sign3A_1107 : i32
    %sign3A_1109 = arith.extui %sign3A_1108 : i1 to i32
    %sign3A_1110 = arith.constant 0 : i32
    %sign3A_1111 = arith.cmpi slt, %jit3A_1098, %sign3A_1110 : i32
    %sign3A_1112 = arith.extui %sign3A_1111 : i1 to i32
    %sign3A_1113 = arith.subi %sign3A_1109, %sign3A_1112 : i32
    %ne3A_1114 = arith.cmpi ne, %sign3A_1106, %sign3A_1113 : i32
    %rem3A_1115 = arith.remsi %arg1, %jit3A_1098 : i32
    %ne3A_1116 = arith.constant 0 : i32
    %ne3A_1117 = arith.cmpi ne, %rem3A_1115, %ne3A_1116 : i32
    %and3A_1118 = arith.andi %ne3A_1114, %ne3A_1117 : i1
    %sub3A_1119 = arith.constant 1 : i32
    %sub3A_1120 = arith.subi %div3A_1099, %sub3A_1119 : i32
    %select_n3A_1121 = arith.select %and3A_1118, %sub3A_1120, %div3A_1099 : i32
    %mul3A_1122 = arith.constant 16 : i32
    %mul3A_1123 = arith.muli %select_n3A_1121, %mul3A_1122 : i32
    "tpu.region"() ({
      %run_scoped3A = tpu.sem_alloc : memref<!tpu.dma_semaphore, #tpu.memory_space<semaphore_mem>>
      %dma_start3A = tpu.memref_slice %arg17[%mul3A_1123] : memref<32xi32, #tpu.memory_space<vmem_shared>> -> memref<16xi32, #tpu.memory_space<vmem_shared>>
      %dma_start3A_1377 = tpu.memref_slice %arg17[%mul3A_1123] : memref<32xi32, #tpu.memory_space<vmem_shared>> -> memref<16xi32, #tpu.memory_space<vmem_shared>>
      tpu.enqueue_dma source(%dma_start3A_1377 : memref<16xi32, #tpu.memory_space<vmem_shared>>) target(%arg11 : memref<16xi32, #tpu.memory_space<vmem>>) target_semaphore(%run_scoped3A : memref<!tpu.dma_semaphore, #tpu.memory_space<semaphore_mem>>)
      %dma_wait3A = tpu.memref_slice %arg17[%mul3A_1123] : memref<32xi32, #tpu.memory_space<vmem_shared>> -> memref<16xi32, #tpu.memory_space<vmem_shared>>
      %dma_wait3A_1378 = tpu.memref_slice %arg17[%mul3A_1123] : memref<32xi32, #tpu.memory_space<vmem_shared>> -> memref<16xi32, #tpu.memory_space<vmem_shared>>
      tpu.wait_dma2 semaphore(%run_scoped3A : memref<!tpu.dma_semaphore, #tpu.memory_space<semaphore_mem>>) src(%dma_wait3A_1378 : memref<16xi32, #tpu.memory_space<vmem_shared>>) dst(%arg11 : memref<16xi32, #tpu.memory_space<vmem>>)
      tpu.yield
    }) : () -> ()
    %get3A = arith.constant 0 : index
    %get3A_1124 = tpu.vector_load %arg11[%get3A] {strides = array<i32>} : memref<16xi32, #tpu.memory_space<vmem>>, vector<16xi32>,
    %eq3A_1125 = arith.constant 0 : i32
    %eq3A_1126 = vector.broadcast %eq3A_1125 : i32 to vector<16xi32>
    %eq3A_1127 = arith.cmpi eq, %iota3A, %eq3A_1126 : vector<16xi32>
    %jit3A_1128 = arith.constant -2147483647 : i32
    %broadcast_in_dim3A_1129 = vector.broadcast %jit3A_1128 : i32 to vector<16xi32>
    %select_n3A_1130 = arith.select %eq3A_1127, %get3A_1124, %broadcast_in_dim3A_1129 : vector<16xi1>, vector<16xi32>
    %reduce_max3A_1131 = arith.constant true
    %reduce_max3A_1132 = vector.broadcast %reduce_max3A_1131 : i1 to vector<16xi1>
    %reduce_max3A_1133 = arith.constant -2147483648 : i32
    %reduce_max3A_1134 = vector.broadcast %reduce_max3A_1133 : i32 to vector<16xi32>
    %reduce_max3A_1135 = arith.xori %select_n3A_1130, %reduce_max3A_1134 : vector<16xi32>
    %reduce_max3A_1136 = tpu.scan <max>, %reduce_max3A_1135 masked %reduce_max3A_1132 : vector<16xi32>, vector<16xi1> -> vector<16xi32>
    %reduce_max3A_1137 = arith.xori %reduce_max3A_1136, %reduce_max3A_1134 : vector<16xi32>
    %reduce_max3A_1138 = vector.extract %reduce_max3A_1137[15] : i32 from vector<16xi32>
    %sub3A_1139 = arith.constant 128 : i32
    %sub3A_1140 = arith.subi %reduce_max3A_1138, %sub3A_1139 : i32
    %max3A = arith.constant 0 : i32
    %max3A_1141 = arith.maxsi %sub3A_1140, %max3A : i32
    %add3A_1142 = arith.constant 127 : i32
    %add3A_1143 = arith.addi %reduce_max3A_1138, %add3A_1142 : i32
    %min3A = arith.constant 8191 : i32
    %min3A_1144 = arith.minsi %add3A_1143, %min3A : i32
    %sub3A_1145 = arith.subi %min3A_1144, %max3A_1141 : i32
    %add3A_1146 = arith.constant 1 : i32
    %add3A_1147 = arith.addi %sub3A_1145, %add3A_1146 : i32
    %eq3A_1148 = arith.constant 1 : i32
    %eq3A_1149 = vector.broadcast %eq3A_1148 : i32 to vector<16xi32>
    %eq3A_1150 = arith.cmpi eq, %iota3A, %eq3A_1149 : vector<16xi32>
    %jit3A_1151 = arith.constant -2147483647 : i32
    %broadcast_in_dim3A_1152 = vector.broadcast %jit3A_1151 : i32 to vector<16xi32>
    %select_n3A_1153 = arith.select %eq3A_1150, %get3A_1124, %broadcast_in_dim3A_1152 : vector<16xi1>, vector<16xi32>
    %reduce_max3A_1154 = arith.constant true
    %reduce_max3A_1155 = vector.broadcast %reduce_max3A_1154 : i1 to vector<16xi1>
    %reduce_max3A_1156 = arith.constant -2147483648 : i32
    %reduce_max3A_1157 = vector.broadcast %reduce_max3A_1156 : i32 to vector<16xi32>
    %reduce_max3A_1158 = arith.xori %select_n3A_1153, %reduce_max3A_1157 : vector<16xi32>
    %reduce_max3A_1159 = tpu.scan <max>, %reduce_max3A_1158 masked %reduce_max3A_1155 : vector<16xi32>, vector<16xi1> -> vector<16xi32>
    %reduce_max3A_1160 = arith.xori %reduce_max3A_1159, %reduce_max3A_1157 : vector<16xi32>
    %reduce_max3A_1161 = vector.extract %reduce_max3A_1160[15] : i32 from vector<16xi32>
    %sub3A_1162 = arith.constant 128 : i32
    %sub3A_1163 = arith.subi %reduce_max3A_1161, %sub3A_1162 : i32
    %max3A_1164 = arith.constant 0 : i32
    %max3A_1165 = arith.maxsi %sub3A_1163, %max3A_1164 : i32
    %add3A_1166 = arith.constant 127 : i32
    %add3A_1167 = arith.addi %reduce_max3A_1161, %add3A_1166 : i32
    %min3A_1168 = arith.constant 8191 : i32
    %min3A_1169 = arith.minsi %add3A_1167, %min3A_1168 : i32
    %sub3A_1170 = arith.subi %min3A_1169, %max3A_1165 : i32
    %add3A_1171 = arith.constant 1 : i32
    %add3A_1172 = arith.addi %sub3A_1170, %add3A_1171 : i32
    %eq3A_1173 = arith.constant 2 : i32
    %eq3A_1174 = vector.broadcast %eq3A_1173 : i32 to vector<16xi32>
    %eq3A_1175 = arith.cmpi eq, %iota3A, %eq3A_1174 : vector<16xi32>
    %jit3A_1176 = arith.constant -2147483647 : i32
    %broadcast_in_dim3A_1177 = vector.broadcast %jit3A_1176 : i32 to vector<16xi32>
    %select_n3A_1178 = arith.select %eq3A_1175, %get3A_1124, %broadcast_in_dim3A_1177 : vector<16xi1>, vector<16xi32>
    %reduce_max3A_1179 = arith.constant true
    %reduce_max3A_1180 = vector.broadcast %reduce_max3A_1179 : i1 to vector<16xi1>
    %reduce_max3A_1181 = arith.constant -2147483648 : i32
    %reduce_max3A_1182 = vector.broadcast %reduce_max3A_1181 : i32 to vector<16xi32>
    %reduce_max3A_1183 = arith.xori %select_n3A_1178, %reduce_max3A_1182 : vector<16xi32>
    %reduce_max3A_1184 = tpu.scan <max>, %reduce_max3A_1183 masked %reduce_max3A_1180 : vector<16xi32>, vector<16xi1> -> vector<16xi32>
    %reduce_max3A_1185 = arith.xori %reduce_max3A_1184, %reduce_max3A_1182 : vector<16xi32>
    %reduce_max3A_1186 = vector.extract %reduce_max3A_1185[15] : i32 from vector<16xi32>
    %sub3A_1187 = arith.constant 128 : i32
    %sub3A_1188 = arith.subi %reduce_max3A_1186, %sub3A_1187 : i32
    %max3A_1189 = arith.constant 0 : i32
    %max3A_1190 = arith.maxsi %sub3A_1188, %max3A_1189 : i32
    %add3A_1191 = arith.constant 127 : i32
    %add3A_1192 = arith.addi %reduce_max3A_1186, %add3A_1191 : i32
    %min3A_1193 = arith.constant 8191 : i32
    %min3A_1194 = arith.minsi %add3A_1192, %min3A_1193 : i32
    %sub3A_1195 = arith.subi %min3A_1194, %max3A_1190 : i32
    %add3A_1196 = arith.constant 1 : i32
    %add3A_1197 = arith.addi %sub3A_1195, %add3A_1196 : i32
    %eq3A_1198 = arith.constant 3 : i32
    %eq3A_1199 = vector.broadcast %eq3A_1198 : i32 to vector<16xi32>
    %eq3A_1200 = arith.cmpi eq, %iota3A, %eq3A_1199 : vector<16xi32>
    %jit3A_1201 = arith.constant -2147483647 : i32
    %broadcast_in_dim3A_1202 = vector.broadcast %jit3A_1201 : i32 to vector<16xi32>
    %select_n3A_1203 = arith.select %eq3A_1200, %get3A_1124, %broadcast_in_dim3A_1202 : vector<16xi1>, vector<16xi32>
    %reduce_max3A_1204 = arith.constant true
    %reduce_max3A_1205 = vector.broadcast %reduce_max3A_1204 : i1 to vector<16xi1>
    %reduce_max3A_1206 = arith.constant -2147483648 : i32
    %reduce_max3A_1207 = vector.broadcast %reduce_max3A_1206 : i32 to vector<16xi32>
    %reduce_max3A_1208 = arith.xori %select_n3A_1203, %reduce_max3A_1207 : vector<16xi32>
    %reduce_max3A_1209 = tpu.scan <max>, %reduce_max3A_1208 masked %reduce_max3A_1205 : vector<16xi32>, vector<16xi1> -> vector<16xi32>
    %reduce_max3A_1210 = arith.xori %reduce_max3A_1209, %reduce_max3A_1207 : vector<16xi32>
    %reduce_max3A_1211 = vector.extract %reduce_max3A_1210[15] : i32 from vector<16xi32>
    %sub3A_1212 = arith.constant 128 : i32
    %sub3A_1213 = arith.subi %reduce_max3A_1211, %sub3A_1212 : i32
    %max3A_1214 = arith.constant 0 : i32
    %max3A_1215 = arith.maxsi %sub3A_1213, %max3A_1214 : i32
    %add3A_1216 = arith.constant 127 : i32
    %add3A_1217 = arith.addi %reduce_max3A_1211, %add3A_1216 : i32
    %min3A_1218 = arith.constant 8191 : i32
    %min3A_1219 = arith.minsi %add3A_1217, %min3A_1218 : i32
    %sub3A_1220 = arith.subi %min3A_1219, %max3A_1215 : i32
    %add3A_1221 = arith.constant 1 : i32
    %add3A_1222 = arith.addi %sub3A_1220, %add3A_1221 : i32
    %eq3A_1223 = arith.constant 4 : i32
    %eq3A_1224 = vector.broadcast %eq3A_1223 : i32 to vector<16xi32>
    %eq3A_1225 = arith.cmpi eq, %iota3A, %eq3A_1224 : vector<16xi32>
    %jit3A_1226 = arith.constant -2147483647 : i32
    %broadcast_in_dim3A_1227 = vector.broadcast %jit3A_1226 : i32 to vector<16xi32>
    %select_n3A_1228 = arith.select %eq3A_1225, %get3A_1124, %broadcast_in_dim3A_1227 : vector<16xi1>, vector<16xi32>
    %reduce_max3A_1229 = arith.constant true
    %reduce_max3A_1230 = vector.broadcast %reduce_max3A_1229 : i1 to vector<16xi1>
    %reduce_max3A_1231 = arith.constant -2147483648 : i32
    %reduce_max3A_1232 = vector.broadcast %reduce_max3A_1231 : i32 to vector<16xi32>
    %reduce_max3A_1233 = arith.xori %select_n3A_1228, %reduce_max3A_1232 : vector<16xi32>
    %reduce_max3A_1234 = tpu.scan <max>, %reduce_max3A_1233 masked %reduce_max3A_1230 : vector<16xi32>, vector<16xi1> -> vector<16xi32>
    %reduce_max3A_1235 = arith.xori %reduce_max3A_1234, %reduce_max3A_1232 : vector<16xi32>
    %reduce_max3A_1236 = vector.extract %reduce_max3A_1235[15] : i32 from vector<16xi32>
    %sub3A_1237 = arith.constant 128 : i32
    %sub3A_1238 = arith.subi %reduce_max3A_1236, %sub3A_1237 : i32
    %max3A_1239 = arith.constant 0 : i32
    %max3A_1240 = arith.maxsi %sub3A_1238, %max3A_1239 : i32
    %add3A_1241 = arith.constant 127 : i32
    %add3A_1242 = arith.addi %reduce_max3A_1236, %add3A_1241 : i32
    %min3A_1243 = arith.constant 8191 : i32
    %min3A_1244 = arith.minsi %add3A_1242, %min3A_1243 : i32
    %sub3A_1245 = arith.subi %min3A_1244, %max3A_1240 : i32
    %add3A_1246 = arith.constant 1 : i32
    %add3A_1247 = arith.addi %sub3A_1245, %add3A_1246 : i32
    %eq3A_1248 = arith.constant 5 : i32
    %eq3A_1249 = vector.broadcast %eq3A_1248 : i32 to vector<16xi32>
    %eq3A_1250 = arith.cmpi eq, %iota3A, %eq3A_1249 : vector<16xi32>
    %jit3A_1251 = arith.constant -2147483647 : i32
    %broadcast_in_dim3A_1252 = vector.broadcast %jit3A_1251 : i32 to vector<16xi32>
    %select_n3A_1253 = arith.select %eq3A_1250, %get3A_1124, %broadcast_in_dim3A_1252 : vector<16xi1>, vector<16xi32>
    %reduce_max3A_1254 = arith.constant true
    %reduce_max3A_1255 = vector.broadcast %reduce_max3A_1254 : i1 to vector<16xi1>
    %reduce_max3A_1256 = arith.constant -2147483648 : i32
    %reduce_max3A_1257 = vector.broadcast %reduce_max3A_1256 : i32 to vector<16xi32>
    %reduce_max3A_1258 = arith.xori %select_n3A_1253, %reduce_max3A_1257 : vector<16xi32>
    %reduce_max3A_1259 = tpu.scan <max>, %reduce_max3A_1258 masked %reduce_max3A_1255 : vector<16xi32>, vector<16xi1> -> vector<16xi32>
    %reduce_max3A_1260 = arith.xori %reduce_max3A_1259, %reduce_max3A_1257 : vector<16xi32>
    %reduce_max3A_1261 = vector.extract %reduce_max3A_1260[15] : i32 from vector<16xi32>
    %sub3A_1262 = arith.constant 128 : i32
    %sub3A_1263 = arith.subi %reduce_max3A_1261, %sub3A_1262 : i32
    %max3A_1264 = arith.constant 0 : i32
    %max3A_1265 = arith.maxsi %sub3A_1263, %max3A_1264 : i32
    %add3A_1266 = arith.constant 127 : i32
    %add3A_1267 = arith.addi %reduce_max3A_1261, %add3A_1266 : i32
    %min3A_1268 = arith.constant 8191 : i32
    %min3A_1269 = arith.minsi %add3A_1267, %min3A_1268 : i32
    %sub3A_1270 = arith.subi %min3A_1269, %max3A_1265 : i32
    %add3A_1271 = arith.constant 1 : i32
    %add3A_1272 = arith.addi %sub3A_1270, %add3A_1271 : i32
    %eq3A_1273 = arith.constant 6 : i32
    %eq3A_1274 = vector.broadcast %eq3A_1273 : i32 to vector<16xi32>
    %eq3A_1275 = arith.cmpi eq, %iota3A, %eq3A_1274 : vector<16xi32>
    %jit3A_1276 = arith.constant -2147483647 : i32
    %broadcast_in_dim3A_1277 = vector.broadcast %jit3A_1276 : i32 to vector<16xi32>
    %select_n3A_1278 = arith.select %eq3A_1275, %get3A_1124, %broadcast_in_dim3A_1277 : vector<16xi1>, vector<16xi32>
    %reduce_max3A_1279 = arith.constant true
    %reduce_max3A_1280 = vector.broadcast %reduce_max3A_1279 : i1 to vector<16xi1>
    %reduce_max3A_1281 = arith.constant -2147483648 : i32
    %reduce_max3A_1282 = vector.broadcast %reduce_max3A_1281 : i32 to vector<16xi32>
    %reduce_max3A_1283 = arith.xori %select_n3A_1278, %reduce_max3A_1282 : vector<16xi32>
    %reduce_max3A_1284 = tpu.scan <max>, %reduce_max3A_1283 masked %reduce_max3A_1280 : vector<16xi32>, vector<16xi1> -> vector<16xi32>
    %reduce_max3A_1285 = arith.xori %reduce_max3A_1284, %reduce_max3A_1282 : vector<16xi32>
    %reduce_max3A_1286 = vector.extract %reduce_max3A_1285[15] : i32 from vector<16xi32>
    %sub3A_1287 = arith.constant 128 : i32
    %sub3A_1288 = arith.subi %reduce_max3A_1286, %sub3A_1287 : i32
    %max3A_1289 = arith.constant 0 : i32
    %max3A_1290 = arith.maxsi %sub3A_1288, %max3A_1289 : i32
    %add3A_1291 = arith.constant 127 : i32
    %add3A_1292 = arith.addi %reduce_max3A_1286, %add3A_1291 : i32
    %min3A_1293 = arith.constant 8191 : i32
    %min3A_1294 = arith.minsi %add3A_1292, %min3A_1293 : i32
    %sub3A_1295 = arith.subi %min3A_1294, %max3A_1290 : i32
    %add3A_1296 = arith.constant 1 : i32
    %add3A_1297 = arith.addi %sub3A_1295, %add3A_1296 : i32
    %eq3A_1298 = arith.constant 7 : i32
    %eq3A_1299 = vector.broadcast %eq3A_1298 : i32 to vector<16xi32>
    %eq3A_1300 = arith.cmpi eq, %iota3A, %eq3A_1299 : vector<16xi32>
    %jit3A_1301 = arith.constant -2147483647 : i32
    %broadcast_in_dim3A_1302 = vector.broadcast %jit3A_1301 : i32 to vector<16xi32>
    %select_n3A_1303 = arith.select %eq3A_1300, %get3A_1124, %broadcast_in_dim3A_1302 : vector<16xi1>, vector<16xi32>
    %reduce_max3A_1304 = arith.constant true
    %reduce_max3A_1305 = vector.broadcast %reduce_max3A_1304 : i1 to vector<16xi1>
    %reduce_max3A_1306 = arith.constant -2147483648 : i32
    %reduce_max3A_1307 = vector.broadcast %reduce_max3A_1306 : i32 to vector<16xi32>
    %reduce_max3A_1308 = arith.xori %select_n3A_1303, %reduce_max3A_1307 : vector<16xi32>
    %reduce_max3A_1309 = tpu.scan <max>, %reduce_max3A_1308 masked %reduce_max3A_1305 : vector<16xi32>, vector<16xi1> -> vector<16xi32>
    %reduce_max3A_1310 = arith.xori %reduce_max3A_1309, %reduce_max3A_1307 : vector<16xi32>
    %reduce_max3A_1311 = vector.extract %reduce_max3A_1310[15] : i32 from vector<16xi32>
    %sub3A_1312 = arith.constant 128 : i32
    %sub3A_1313 = arith.subi %reduce_max3A_1311, %sub3A_1312 : i32
    %max3A_1314 = arith.constant 0 : i32
    %max3A_1315 = arith.maxsi %sub3A_1313, %max3A_1314 : i32
    %add3A_1316 = arith.constant 127 : i32
    %add3A_1317 = arith.addi %reduce_max3A_1311, %add3A_1316 : i32
    %min3A_1318 = arith.constant 8191 : i32
    %min3A_1319 = arith.minsi %add3A_1317, %min3A_1318 : i32
    %sub3A_1320 = arith.subi %min3A_1319, %max3A_1315 : i32
    %add3A_1321 = arith.constant 1 : i32
    %add3A_1322 = arith.addi %sub3A_1320, %add3A_1321 : i32
    %eq3A_1323 = vector.broadcast %select_n3A_30 : i32 to vector<16xi32>
    %eq3A_1324 = arith.cmpi eq, %iota3A, %eq3A_1323 : vector<16xi32>
    %jit3A_1325 = arith.constant -2147483647 : i32
    %broadcast_in_dim3A_1326 = vector.broadcast %jit3A_1325 : i32 to vector<16xi32>
    %select_n3A_1327 = arith.select %eq3A_1324, %get3A_1124, %broadcast_in_dim3A_1326 : vector<16xi1>, vector<16xi32>
    %reduce_max3A_1328 = arith.constant true
    %reduce_max3A_1329 = vector.broadcast %reduce_max3A_1328 : i1 to vector<16xi1>
    %reduce_max3A_1330 = arith.constant -2147483648 : i32
    %reduce_max3A_1331 = vector.broadcast %reduce_max3A_1330 : i32 to vector<16xi32>
    %reduce_max3A_1332 = arith.xori %select_n3A_1327, %reduce_max3A_1331 : vector<16xi32>
    %reduce_max3A_1333 = tpu.scan <max>, %reduce_max3A_1332 masked %reduce_max3A_1329 : vector<16xi32>, vector<16xi1> -> vector<16xi32>
    %reduce_max3A_1334 = arith.xori %reduce_max3A_1333, %reduce_max3A_1331 : vector<16xi32>
    %reduce_max3A_1335 = vector.extract %reduce_max3A_1334[15] : i32 from vector<16xi32>
    %sub3A_1336 = arith.constant 128 : i32
    %sub3A_1337 = arith.subi %reduce_max3A_1335, %sub3A_1336 : i32
    %max3A_1338 = arith.constant 0 : i32
    %max3A_1339 = arith.maxsi %sub3A_1337, %max3A_1338 : i32
    %and3A_1340 = arith.constant -8 : i32
    %and3A_1341 = arith.andi %max3A_1339, %and3A_1340 : i32
    %min3A_1342 = arith.constant 7920 : i32
    %min3A_1343 = arith.minsi %and3A_1341, %min3A_1342 : i32
    %mul3A_1344 = arith.constant 8192 : i32
    %mul3A_1345 = arith.muli %add3A, %mul3A_1344 : i32
    %add3A_1346 = arith.addi %mul3A_1345, %min3A_1343 : i32
    %multiple_of3A = tpu.assume_multiple %add3A_1346, 8 : i32
    "tpu.region"() ({
      %run_scoped3A = tpu.sem_alloc : memref<!tpu.dma_semaphore, #tpu.memory_space<semaphore_mem>>
      %dma_start3A = tpu.memref_slice %arg2[%multiple_of3A] : memref<32768xf32, #tpu.memory_space<hbm>> -> memref<272xf32, #tpu.memory_space<hbm>>
      %dma_start3A_1377 = tpu.memref_slice %arg2[%multiple_of3A] : memref<32768xf32, #tpu.memory_space<hbm>> -> memref<272xf32, #tpu.memory_space<hbm>>
      tpu.enqueue_dma source(%dma_start3A_1377 : memref<272xf32, #tpu.memory_space<hbm>>) target(%arg8 : memref<272xf32, #tpu.memory_space<vmem>>) target_semaphore(%run_scoped3A : memref<!tpu.dma_semaphore, #tpu.memory_space<semaphore_mem>>)
      %dma_wait3A = tpu.memref_slice %arg2[%multiple_of3A] : memref<32768xf32, #tpu.memory_space<hbm>> -> memref<272xf32, #tpu.memory_space<hbm>>
      %dma_wait3A_1378 = tpu.memref_slice %arg2[%multiple_of3A] : memref<32768xf32, #tpu.memory_space<hbm>> -> memref<272xf32, #tpu.memory_space<hbm>>
      tpu.wait_dma2 semaphore(%run_scoped3A : memref<!tpu.dma_semaphore, #tpu.memory_space<semaphore_mem>>) src(%dma_wait3A_1378 : memref<272xf32, #tpu.memory_space<hbm>>) dst(%arg8 : memref<272xf32, #tpu.memory_space<vmem>>)
      tpu.yield
    }) : () -> ()
    "tpu.region"() ({
      %run_scoped3A = tpu.sem_alloc : memref<!tpu.dma_semaphore, #tpu.memory_space<semaphore_mem>>
      %dma_start3A = tpu.memref_slice %arg3[%multiple_of3A] : memref<32768xf32, #tpu.memory_space<hbm>> -> memref<272xf32, #tpu.memory_space<hbm>>
      %dma_start3A_1377 = tpu.memref_slice %arg3[%multiple_of3A] : memref<32768xf32, #tpu.memory_space<hbm>> -> memref<272xf32, #tpu.memory_space<hbm>>
      tpu.enqueue_dma source(%dma_start3A_1377 : memref<272xf32, #tpu.memory_space<hbm>>) target(%arg9 : memref<272xf32, #tpu.memory_space<vmem>>) target_semaphore(%run_scoped3A : memref<!tpu.dma_semaphore, #tpu.memory_space<semaphore_mem>>)
      %dma_wait3A = tpu.memref_slice %arg3[%multiple_of3A] : memref<32768xf32, #tpu.memory_space<hbm>> -> memref<272xf32, #tpu.memory_space<hbm>>
      %dma_wait3A_1378 = tpu.memref_slice %arg3[%multiple_of3A] : memref<32768xf32, #tpu.memory_space<hbm>> -> memref<272xf32, #tpu.memory_space<hbm>>
      tpu.wait_dma2 semaphore(%run_scoped3A : memref<!tpu.dma_semaphore, #tpu.memory_space<semaphore_mem>>) src(%dma_wait3A_1378 : memref<272xf32, #tpu.memory_space<hbm>>) dst(%arg9 : memref<272xf32, #tpu.memory_space<vmem>>)
      tpu.yield
    }) : () -> ()
    %broadcast_in_dim3A_1347 = arith.constant 0.000000e+00 : f32
    %broadcast_in_dim3A_1348 = vector.broadcast %broadcast_in_dim3A_1347 : f32 to vector<16xf32>
    %broadcast_in_dim3A_1349 = arith.constant 0.000000e+00 : f32
    %broadcast_in_dim3A_1350 = vector.broadcast %broadcast_in_dim3A_1349 : f32 to vector<16xf32>
    %scan3A_1351 = arith.constant 0 : i32
    %scan3A_1352 = arith.constant 16 : i32
    %scan3A_1353 = arith.addi %scan3A_1351, %scan3A_1352 : i32
    %scan3A_1354 = arith.constant 1 : i32
    %scan3A_1355:2 = scf.for %scan3A_1377 = %scan3A_1351 to %scan3A_1353 step %scan3A_1354 iter_args(%scan3A_1378 = %broadcast_in_dim3A_1348, %scan3A_1379 = %broadcast_in_dim3A_1350) -> (vector<16xf32>, vector<16xf32>)  : i32 {
      %sub3A_1380 = arith.constant 128 : i32
      %sub3A_1381 = arith.subi %reduce_max3A_1335, %sub3A_1380 : i32
      %mul3A_1382 = arith.constant 16 : i32
      %mul3A_1383 = arith.muli %scan3A_1377, %mul3A_1382 : i32
      %add3A_1384 = arith.addi %sub3A_1381, %mul3A_1383 : i32
      %add3A_1385 = vector.broadcast %add3A_1384 : i32 to vector<16xi32>
      %add3A_1386 = arith.addi %add3A_1385, %iota3A : vector<16xi32>
      %jit3A_1387 = arith.constant 0 : i32
      %jit3A_1388 = arith.constant 8191 : i32
      %max3A_1389 = vector.broadcast %jit3A_1387 : i32 to vector<16xi32>
      %max3A_1390 = arith.maxsi %max3A_1389, %add3A_1386 : vector<16xi32>
      %min3A_1391 = vector.broadcast %jit3A_1388 : i32 to vector<16xi32>
      %min3A_1392 = arith.minsi %min3A_1391, %max3A_1390 : vector<16xi32>
      %sub3A_1393 = vector.broadcast %min3A_1343 : i32 to vector<16xi32>
      %sub3A_1394 = arith.subi %min3A_1392, %sub3A_1393 : vector<16xi32>
      %gather3A_1395 = tpu.vector_load_idx %arg8[%sub3A_1394] : memref<272xf32, #tpu.memory_space<vmem>>[vector<16xi32>], vector<16xf32>,
      %add3A_1396 = arith.addf %scan3A_1378, %gather3A_1395 : vector<16xf32>
      %gather3A_1397 = tpu.vector_load_idx %arg9[%sub3A_1394] : memref<272xf32, #tpu.memory_space<vmem>>[vector<16xi32>], vector<16xf32>,
      %add3A_1398 = arith.addf %scan3A_1379, %gather3A_1397 : vector<16xf32>
      scf.yield %add3A_1396, %add3A_1398 : vector<16xf32>, vector<16xf32>
    }
    %scan3A_1356 = arith.constant 16 : i32
    %swap3A_1357 = arith.constant 0 : index
    %swap3A_1358 = tpu.vector_load %arg10[%swap3A_1357] {strides = array<i32>} : memref<16xf32, #tpu.memory_space<vmem>>, vector<16xf32>,
    tpu.vector_store %arg10[%swap3A_1357], %scan3A_1355#0 {strides = array<i32>} : memref<16xf32, #tpu.memory_space<vmem>>, vector<16xf32>,
    %mul3A_1359 = arith.constant 16 : i32
    %mul3A_1360 = arith.muli %arg1, %mul3A_1359 : i32
    "tpu.region"() ({
      %run_scoped3A = tpu.sem_alloc : memref<!tpu.dma_semaphore, #tpu.memory_space<semaphore_mem>>
      %dma_start3A = tpu.memref_slice %arg18[%mul3A_1360] : memref<256xf32, #tpu.memory_space<vmem_shared>> -> memref<16xf32, #tpu.memory_space<vmem_shared>>
      %dma_start3A_1377 = tpu.memref_slice %arg18[%mul3A_1360] : memref<256xf32, #tpu.memory_space<vmem_shared>> -> memref<16xf32, #tpu.memory_space<vmem_shared>>
      tpu.enqueue_dma source(%arg10 : memref<16xf32, #tpu.memory_space<vmem>>) target(%dma_start3A_1377 : memref<16xf32, #tpu.memory_space<vmem_shared>>) target_semaphore(%run_scoped3A : memref<!tpu.dma_semaphore, #tpu.memory_space<semaphore_mem>>)
      %dma_wait3A = tpu.memref_slice %arg18[%mul3A_1360] : memref<256xf32, #tpu.memory_space<vmem_shared>> -> memref<16xf32, #tpu.memory_space<vmem_shared>>
      %dma_wait3A_1378 = tpu.memref_slice %arg18[%mul3A_1360] : memref<256xf32, #tpu.memory_space<vmem_shared>> -> memref<16xf32, #tpu.memory_space<vmem_shared>>
      tpu.wait_dma2 semaphore(%run_scoped3A : memref<!tpu.dma_semaphore, #tpu.memory_space<semaphore_mem>>) src(%arg10 : memref<16xf32, #tpu.memory_space<vmem>>) dst(%dma_wait3A_1378 : memref<16xf32, #tpu.memory_space<vmem_shared>>)
      tpu.yield
    }) : () -> ()
    %swap3A_1361 = arith.constant 0 : index
    %swap3A_1362 = tpu.vector_load %arg10[%swap3A_1361] {strides = array<i32>} : memref<16xf32, #tpu.memory_space<vmem>>, vector<16xf32>,
    tpu.vector_store %arg10[%swap3A_1361], %scan3A_1355#1 {strides = array<i32>} : memref<16xf32, #tpu.memory_space<vmem>>, vector<16xf32>,
    %mul3A_1363 = arith.constant 16 : i32
    %mul3A_1364 = arith.muli %arg1, %mul3A_1363 : i32
    "tpu.region"() ({
      %run_scoped3A = tpu.sem_alloc : memref<!tpu.dma_semaphore, #tpu.memory_space<semaphore_mem>>
      %dma_start3A = tpu.memref_slice %arg19[%mul3A_1364] : memref<256xf32, #tpu.memory_space<vmem_shared>> -> memref<16xf32, #tpu.memory_space<vmem_shared>>
      %dma_start3A_1377 = tpu.memref_slice %arg19[%mul3A_1364] : memref<256xf32, #tpu.memory_space<vmem_shared>> -> memref<16xf32, #tpu.memory_space<vmem_shared>>
      tpu.enqueue_dma source(%arg10 : memref<16xf32, #tpu.memory_space<vmem>>) target(%dma_start3A_1377 : memref<16xf32, #tpu.memory_space<vmem_shared>>) target_semaphore(%run_scoped3A : memref<!tpu.dma_semaphore, #tpu.memory_space<semaphore_mem>>)
      %dma_wait3A = tpu.memref_slice %arg19[%mul3A_1364] : memref<256xf32, #tpu.memory_space<vmem_shared>> -> memref<16xf32, #tpu.memory_space<vmem_shared>>
      %dma_wait3A_1378 = tpu.memref_slice %arg19[%mul3A_1364] : memref<256xf32, #tpu.memory_space<vmem_shared>> -> memref<16xf32, #tpu.memory_space<vmem_shared>>
      tpu.wait_dma2 semaphore(%run_scoped3A : memref<!tpu.dma_semaphore, #tpu.memory_space<semaphore_mem>>) src(%arg10 : memref<16xf32, #tpu.memory_space<vmem>>) dst(%dma_wait3A_1378 : memref<16xf32, #tpu.memory_space<vmem_shared>>)
      tpu.yield
    }) : () -> ()
    %barrier3A_1365 = arith.constant 0 : index
    tpu.barrier barrier_id(%barrier3A_1365)
    %eq3A_1366 = arith.constant 0 : i32
    %eq3A_1367 = arith.cmpi eq, %select_n3A_30, %eq3A_1366 : i32
    %convert_element_type3A_1368 = arith.extui %eq3A_1367 : i1 to i32
    %cond3A_1369 = arith.constant 0 : i32
    %cond3A_1370 = arith.cmpi ne, %convert_element_type3A_1368, %cond3A_1369 : i32
    scf.if %cond3A_1370 {
      %jit3A_1377 = arith.constant 8 : i32
      %div3A_1378 = arith.divsi %arg1, %jit3A_1377 : i32
      %sign3A_1379 = arith.constant 0 : i32
      %sign3A_1380 = arith.cmpi sgt, %arg1, %sign3A_1379 : i32
      %sign3A_1381 = arith.extui %sign3A_1380 : i1 to i32
      %sign3A_1382 = arith.constant 0 : i32
      %sign3A_1383 = arith.cmpi slt, %arg1, %sign3A_1382 : i32
      %sign3A_1384 = arith.extui %sign3A_1383 : i1 to i32
      %sign3A_1385 = arith.subi %sign3A_1381, %sign3A_1384 : i32
      %sign3A_1386 = arith.constant 0 : i32
      %sign3A_1387 = arith.cmpi sgt, %jit3A_1377, %sign3A_1386 : i32
      %sign3A_1388 = arith.extui %sign3A_1387 : i1 to i32
      %sign3A_1389 = arith.constant 0 : i32
      %sign3A_1390 = arith.cmpi slt, %jit3A_1377, %sign3A_1389 : i32
      %sign3A_1391 = arith.extui %sign3A_1390 : i1 to i32
      %sign3A_1392 = arith.subi %sign3A_1388, %sign3A_1391 : i32
      %ne3A_1393 = arith.cmpi ne, %sign3A_1385, %sign3A_1392 : i32
      %rem3A_1394 = arith.remsi %arg1, %jit3A_1377 : i32
      %ne3A_1395 = arith.constant 0 : i32
      %ne3A_1396 = arith.cmpi ne, %rem3A_1394, %ne3A_1395 : i32
      %and3A_1397 = arith.andi %ne3A_1393, %ne3A_1396 : i1
      %sub3A_1398 = arith.constant 1 : i32
      %sub3A_1399 = arith.subi %div3A_1378, %sub3A_1398 : i32
      %select_n3A_1400 = arith.select %and3A_1397, %sub3A_1399, %div3A_1378 : i32
      %mul3A_1401 = arith.constant 8 : i32
      %mul3A_1402 = arith.muli %select_n3A_1400, %mul3A_1401 : i32
      %mul3A_1403 = arith.constant 16 : i32
      %mul3A_1404 = arith.muli %mul3A_1402, %mul3A_1403 : i32
      "tpu.region"() ({
        %run_scoped3A = tpu.sem_alloc : memref<!tpu.dma_semaphore, #tpu.memory_space<semaphore_mem>>
        %dma_start3A = tpu.memref_slice %arg18[%mul3A_1404] : memref<256xf32, #tpu.memory_space<vmem_shared>> -> memref<128xf32, #tpu.memory_space<vmem_shared>>
        %dma_start3A_1436 = tpu.memref_slice %arg18[%mul3A_1404] : memref<256xf32, #tpu.memory_space<vmem_shared>> -> memref<128xf32, #tpu.memory_space<vmem_shared>>
        tpu.enqueue_dma source(%dma_start3A_1436 : memref<128xf32, #tpu.memory_space<vmem_shared>>) target(%arg12 : memref<128xf32, #tpu.memory_space<vmem>>) target_semaphore(%run_scoped3A : memref<!tpu.dma_semaphore, #tpu.memory_space<semaphore_mem>>)
        %dma_wait3A = tpu.memref_slice %arg18[%mul3A_1404] : memref<256xf32, #tpu.memory_space<vmem_shared>> -> memref<128xf32, #tpu.memory_space<vmem_shared>>
        %dma_wait3A_1437 = tpu.memref_slice %arg18[%mul3A_1404] : memref<256xf32, #tpu.memory_space<vmem_shared>> -> memref<128xf32, #tpu.memory_space<vmem_shared>>
        tpu.wait_dma2 semaphore(%run_scoped3A : memref<!tpu.dma_semaphore, #tpu.memory_space<semaphore_mem>>) src(%dma_wait3A_1437 : memref<128xf32, #tpu.memory_space<vmem_shared>>) dst(%arg12 : memref<128xf32, #tpu.memory_space<vmem>>)
        tpu.yield
      }) : () -> ()
      "tpu.region"() ({
        %run_scoped3A = tpu.sem_alloc : memref<!tpu.dma_semaphore, #tpu.memory_space<semaphore_mem>>
        %dma_start3A = tpu.memref_slice %arg19[%mul3A_1404] : memref<256xf32, #tpu.memory_space<vmem_shared>> -> memref<128xf32, #tpu.memory_space<vmem_shared>>
        %dma_start3A_1436 = tpu.memref_slice %arg19[%mul3A_1404] : memref<256xf32, #tpu.memory_space<vmem_shared>> -> memref<128xf32, #tpu.memory_space<vmem_shared>>
        tpu.enqueue_dma source(%dma_start3A_1436 : memref<128xf32, #tpu.memory_space<vmem_shared>>) target(%arg14 : memref<128xf32, #tpu.memory_space<vmem>>) target_semaphore(%run_scoped3A : memref<!tpu.dma_semaphore, #tpu.memory_space<semaphore_mem>>)
        %dma_wait3A = tpu.memref_slice %arg19[%mul3A_1404] : memref<256xf32, #tpu.memory_space<vmem_shared>> -> memref<128xf32, #tpu.memory_space<vmem_shared>>
        %dma_wait3A_1437 = tpu.memref_slice %arg19[%mul3A_1404] : memref<256xf32, #tpu.memory_space<vmem_shared>> -> memref<128xf32, #tpu.memory_space<vmem_shared>>
        tpu.wait_dma2 semaphore(%run_scoped3A : memref<!tpu.dma_semaphore, #tpu.memory_space<semaphore_mem>>) src(%dma_wait3A_1437 : memref<128xf32, #tpu.memory_space<vmem_shared>>) dst(%arg14 : memref<128xf32, #tpu.memory_space<vmem>>)
        tpu.yield
      }) : () -> ()
      %broadcast_in_dim3A_1405 = arith.constant 0.000000e+00 : f32
      %broadcast_in_dim3A_1406 = vector.broadcast %broadcast_in_dim3A_1405 : f32 to vector<16xf32>
      %broadcast_in_dim3A_1407 = arith.constant 0.000000e+00 : f32
      %broadcast_in_dim3A_1408 = vector.broadcast %broadcast_in_dim3A_1407 : f32 to vector<16xf32>
      %scan3A_1409 = arith.constant 0 : i32
      %scan3A_1410 = arith.constant 8 : i32
      %scan3A_1411 = arith.addi %scan3A_1409, %scan3A_1410 : i32
      %scan3A_1412 = arith.constant 1 : i32
      %scan3A_1413:2 = scf.for %scan3A_1436 = %scan3A_1409 to %scan3A_1411 step %scan3A_1412 iter_args(%scan3A_1437 = %broadcast_in_dim3A_1406, %scan3A_1438 = %broadcast_in_dim3A_1408) -> (vector<16xf32>, vector<16xf32>)  : i32 {
        %mul3A_1439 = arith.constant 16 : i32
        %mul3A_1440 = arith.muli %scan3A_1436, %mul3A_1439 : i32
        %add3A_1441 = vector.broadcast %mul3A_1440 : i32 to vector<16xi32>
        %add3A_1442 = arith.addi %add3A_1441, %iota3A : vector<16xi32>
        %gather3A_1443 = tpu.vector_load_idx %arg12[%add3A_1442] : memref<128xf32, #tpu.memory_space<vmem>>[vector<16xi32>], vector<16xf32>,
        %add3A_1444 = arith.addf %scan3A_1437, %gather3A_1443 : vector<16xf32>
        %gather3A_1445 = tpu.vector_load_idx %arg14[%add3A_1442] : memref<128xf32, #tpu.memory_space<vmem>>[vector<16xi32>], vector<16xf32>,
        %add3A_1446 = arith.addf %scan3A_1438, %gather3A_1445 : vector<16xf32>
        scf.yield %add3A_1444, %add3A_1446 : vector<16xf32>, vector<16xf32>
      }
      %scan3A_1414 = arith.constant 8 : i32
      %reduce_sum3A = arith.constant true
      %reduce_sum3A_1415 = vector.broadcast %reduce_sum3A : i1 to vector<16xi1>
      %reduce_sum3A_1416 = tpu.scan <sum>, %scan3A_1413#0 masked %reduce_sum3A_1415 : vector<16xf32>, vector<16xi1> -> vector<16xf32>
      %reduce_sum3A_1417 = vector.extract %reduce_sum3A_1416[15] : f32 from vector<16xf32>
      %reduce_sum3A_1418 = arith.constant true
      %reduce_sum3A_1419 = vector.broadcast %reduce_sum3A_1418 : i1 to vector<16xi1>
      %reduce_sum3A_1420 = tpu.scan <sum>, %scan3A_1413#1 masked %reduce_sum3A_1419 : vector<16xf32>, vector<16xi1> -> vector<16xf32>
      %reduce_sum3A_1421 = vector.extract %reduce_sum3A_1420[15] : f32 from vector<16xf32>
      %eq3A_1422 = arith.constant 0 : i32
      %eq3A_1423 = vector.broadcast %eq3A_1422 : i32 to vector<16xi32>
      %eq3A_1424 = arith.cmpi eq, %iota3A, %eq3A_1423 : vector<16xi32>
      %eq3A_1425 = arith.constant 1 : i32
      %eq3A_1426 = vector.broadcast %eq3A_1425 : i32 to vector<16xi32>
      %eq3A_1427 = arith.cmpi eq, %iota3A, %eq3A_1426 : vector<16xi32>
      %jit3A_1428 = arith.constant 0.000000e+00 : f32
      %broadcast_in_dim3A_1429 = vector.broadcast %reduce_sum3A_1421 : f32 to vector<16xf32>
      %broadcast_in_dim3A_1430 = vector.broadcast %jit3A_1428 : f32 to vector<16xf32>
      %select_n3A_1431 = arith.select %eq3A_1427, %broadcast_in_dim3A_1429, %broadcast_in_dim3A_1430 : vector<16xi1>, vector<16xf32>
      %broadcast_in_dim3A_1432 = vector.broadcast %reduce_sum3A_1417 : f32 to vector<16xf32>
      %select_n3A_1433 = arith.select %eq3A_1424, %broadcast_in_dim3A_1432, %select_n3A_1431 : vector<16xi1>, vector<16xf32>
      %swap3A_1434 = arith.constant 0 : index
      %swap3A_1435 = tpu.vector_load %arg10[%swap3A_1434] {strides = array<i32>} : memref<16xf32, #tpu.memory_space<vmem>>, vector<16xf32>,
      tpu.vector_store %arg10[%swap3A_1434], %select_n3A_1433 {strides = array<i32>} : memref<16xf32, #tpu.memory_space<vmem>>, vector<16xf32>,
      "tpu.region"() ({
        %run_scoped3A = tpu.sem_alloc : memref<!tpu.dma_semaphore, #tpu.memory_space<semaphore_mem>>
        %dma_start3A = arith.constant 0 : i32
        %dma_start3A_1436 = tpu.memref_slice %arg4[%add3A, %dma_start3A] : memref<4x16xf32, #tpu.memory_space<hbm>> -> memref<1x16xf32, #tpu.memory_space<hbm>>
        %dma_start3A_1437 = tpu.memref_squeeze %dma_start3A_1436 : memref<1x16xf32, #tpu.memory_space<hbm>> -> memref<16xf32, #tpu.memory_space<hbm>>
        %dma_start3A_1438 = arith.constant 0 : i32
        %dma_start3A_1439 = tpu.memref_slice %arg4[%add3A, %dma_start3A_1438] : memref<4x16xf32, #tpu.memory_space<hbm>> -> memref<1x16xf32, #tpu.memory_space<hbm>>
        %dma_start3A_1440 = tpu.memref_squeeze %dma_start3A_1439 : memref<1x16xf32, #tpu.memory_space<hbm>> -> memref<16xf32, #tpu.memory_space<hbm>>
        tpu.enqueue_dma source(%arg10 : memref<16xf32, #tpu.memory_space<vmem>>) target(%dma_start3A_1440 : memref<16xf32, #tpu.memory_space<hbm>>) target_semaphore(%run_scoped3A : memref<!tpu.dma_semaphore, #tpu.memory_space<semaphore_mem>>)
        %dma_wait3A = arith.constant 0 : i32
        %dma_wait3A_1441 = tpu.memref_slice %arg4[%add3A, %dma_wait3A] : memref<4x16xf32, #tpu.memory_space<hbm>> -> memref<1x16xf32, #tpu.memory_space<hbm>>
        %dma_wait3A_1442 = tpu.memref_squeeze %dma_wait3A_1441 : memref<1x16xf32, #tpu.memory_space<hbm>> -> memref<16xf32, #tpu.memory_space<hbm>>
        %dma_wait3A_1443 = arith.constant 0 : i32
        %dma_wait3A_1444 = tpu.memref_slice %arg4[%add3A, %dma_wait3A_1443] : memref<4x16xf32, #tpu.memory_space<hbm>> -> memref<1x16xf32, #tpu.memory_space<hbm>>
        %dma_wait3A_1445 = tpu.memref_squeeze %dma_wait3A_1444 : memref<1x16xf32, #tpu.memory_space<hbm>> -> memref<16xf32, #tpu.memory_space<hbm>>
        tpu.wait_dma2 semaphore(%run_scoped3A : memref<!tpu.dma_semaphore, #tpu.memory_space<semaphore_mem>>) src(%arg10 : memref<16xf32, #tpu.memory_space<vmem>>) dst(%dma_wait3A_1445 : memref<16xf32, #tpu.memory_space<hbm>>)
        tpu.yield
      }) : () -> ()
    } else {
    }
    %scan3A_1371 = arith.constant 0 : i32
    %scan3A_1372 = arith.constant 0 : i32
    %scan3A_1373 = arith.constant 64 : i32
    %scan3A_1374 = arith.addi %scan3A_1372, %scan3A_1373 : i32
    %scan3A_1375 = arith.constant 1 : i32
    scf.for %scan3A_1377 = %scan3A_1372 to %scan3A_1374 step %scan3A_1375  : i32 {
      %mul3A_1378 = arith.constant 16 : i32
      %mul3A_1379 = arith.muli %scan3A_1377, %mul3A_1378 : i32
      %add3A_1380 = vector.broadcast %mul3A_1379 : i32 to vector<16xi32>
      %add3A_1381 = arith.addi %add3A_1380, %iota3A : vector<16xi32>
      %add3A_1382 = vector.broadcast %mul3A_32 : i32 to vector<16xi32>
      %add3A_1383 = arith.addi %add3A_1382, %add3A_1381 : vector<16xi32>
      %sub3A_1384 = vector.broadcast %max3A_1141 : i32 to vector<16xi32>
      %sub3A_1385 = arith.subi %add3A_1383, %sub3A_1384 : vector<16xi32>
      %lt3A_1386 = vector.broadcast %add3A_1147 : i32 to vector<16xi32>
      %lt3A_1387 = arith.cmpi ult, %sub3A_1385, %lt3A_1386 : vector<16xi32>
      %sub3A_1388 = vector.broadcast %max3A_1165 : i32 to vector<16xi32>
      %sub3A_1389 = arith.subi %add3A_1383, %sub3A_1388 : vector<16xi32>
      %lt3A_1390 = vector.broadcast %add3A_1172 : i32 to vector<16xi32>
      %lt3A_1391 = arith.cmpi ult, %sub3A_1389, %lt3A_1390 : vector<16xi32>
      %or3A_1392 = arith.ori %lt3A_1387, %lt3A_1391 : vector<16xi1>
      %sub3A_1393 = vector.broadcast %max3A_1190 : i32 to vector<16xi32>
      %sub3A_1394 = arith.subi %add3A_1383, %sub3A_1393 : vector<16xi32>
      %lt3A_1395 = vector.broadcast %add3A_1197 : i32 to vector<16xi32>
      %lt3A_1396 = arith.cmpi ult, %sub3A_1394, %lt3A_1395 : vector<16xi32>
      %or3A_1397 = arith.ori %or3A_1392, %lt3A_1396 : vector<16xi1>
      %sub3A_1398 = vector.broadcast %max3A_1215 : i32 to vector<16xi32>
      %sub3A_1399 = arith.subi %add3A_1383, %sub3A_1398 : vector<16xi32>
      %lt3A_1400 = vector.broadcast %add3A_1222 : i32 to vector<16xi32>
      %lt3A_1401 = arith.cmpi ult, %sub3A_1399, %lt3A_1400 : vector<16xi32>
      %or3A_1402 = arith.ori %or3A_1397, %lt3A_1401 : vector<16xi1>
      %sub3A_1403 = vector.broadcast %max3A_1240 : i32 to vector<16xi32>
      %sub3A_1404 = arith.subi %add3A_1383, %sub3A_1403 : vector<16xi32>
      %lt3A_1405 = vector.broadcast %add3A_1247 : i32 to vector<16xi32>
      %lt3A_1406 = arith.cmpi ult, %sub3A_1404, %lt3A_1405 : vector<16xi32>
      %or3A_1407 = arith.ori %or3A_1402, %lt3A_1406 : vector<16xi1>
      %sub3A_1408 = vector.broadcast %max3A_1265 : i32 to vector<16xi32>
      %sub3A_1409 = arith.subi %add3A_1383, %sub3A_1408 : vector<16xi32>
      %lt3A_1410 = vector.broadcast %add3A_1272 : i32 to vector<16xi32>
      %lt3A_1411 = arith.cmpi ult, %sub3A_1409, %lt3A_1410 : vector<16xi32>
      %or3A_1412 = arith.ori %or3A_1407, %lt3A_1411 : vector<16xi1>
      %sub3A_1413 = vector.broadcast %max3A_1290 : i32 to vector<16xi32>
      %sub3A_1414 = arith.subi %add3A_1383, %sub3A_1413 : vector<16xi32>
      %lt3A_1415 = vector.broadcast %add3A_1297 : i32 to vector<16xi32>
      %lt3A_1416 = arith.cmpi ult, %sub3A_1414, %lt3A_1415 : vector<16xi32>
      %or3A_1417 = arith.ori %or3A_1412, %lt3A_1416 : vector<16xi1>
      %sub3A_1418 = vector.broadcast %max3A_1315 : i32 to vector<16xi32>
      %sub3A_1419 = arith.subi %add3A_1383, %sub3A_1418 : vector<16xi32>
      %lt3A_1420 = vector.broadcast %add3A_1322 : i32 to vector<16xi32>
      %lt3A_1421 = arith.cmpi ult, %sub3A_1419, %lt3A_1420 : vector<16xi32>
      %or3A_1422 = arith.ori %or3A_1417, %lt3A_1421 : vector<16xi1>
      %jit3A_1423 = arith.constant 1.000000e+00 : f32
      %jit3A_1424 = arith.constant 0.000000e+00 : f32
      %broadcast_in_dim3A_1425 = vector.broadcast %jit3A_1423 : f32 to vector<16xf32>
      %broadcast_in_dim3A_1426 = vector.broadcast %jit3A_1424 : f32 to vector<16xf32>
      %select_n3A_1427 = arith.select %or3A_1422, %broadcast_in_dim3A_1425, %broadcast_in_dim3A_1426 : vector<16xi1>, vector<16xf32>
      tpu.vector_store_idx %arg7[%add3A_1381], %select_n3A_1427 : memref<1024xf32, #tpu.memory_space<vmem>>[vector<16xi32>], vector<16xf32>,
    }
    %scan3A_1376 = arith.constant 64 : i32
    "tpu.region"() ({
      %run_scoped3A = tpu.sem_alloc : memref<!tpu.dma_semaphore, #tpu.memory_space<semaphore_mem>>
      %dma_start3A = tpu.memref_slice %arg5[%add3A_35] : memref<32768xf32, #tpu.memory_space<hbm>> -> memref<1024xf32, #tpu.memory_space<hbm>>
      %dma_start3A_1377 = tpu.memref_slice %arg5[%add3A_35] : memref<32768xf32, #tpu.memory_space<hbm>> -> memref<1024xf32, #tpu.memory_space<hbm>>
      tpu.enqueue_dma source(%arg7 : memref<1024xf32, #tpu.memory_space<vmem>>) target(%dma_start3A_1377 : memref<1024xf32, #tpu.memory_space<hbm>>) target_semaphore(%run_scoped3A : memref<!tpu.dma_semaphore, #tpu.memory_space<semaphore_mem>>)
      %dma_wait3A = tpu.memref_slice %arg5[%add3A_35] : memref<32768xf32, #tpu.memory_space<hbm>> -> memref<1024xf32, #tpu.memory_space<hbm>>
      %dma_wait3A_1378 = tpu.memref_slice %arg5[%add3A_35] : memref<32768xf32, #tpu.memory_space<hbm>> -> memref<1024xf32, #tpu.memory_space<hbm>>
      tpu.wait_dma2 semaphore(%run_scoped3A : memref<!tpu.dma_semaphore, #tpu.memory_space<semaphore_mem>>) src(%arg7 : memref<1024xf32, #tpu.memory_space<vmem>>) dst(%dma_wait3A_1378 : memref<1024xf32, #tpu.memory_space<hbm>>)
      tpu.yield
    }) : () -> ()
    return
  }
}

module attributes {stable_mosaic.version = 14 : i64} {
  func.func @body(%arg0: i32, %arg1: i32, %arg2: memref<1x4096x1024xf32, #tpu.memory_space<vmem>>, %arg3: memref<4096xf32, #tpu.memory_space<vmem>>, %arg4: memref<4096xf32, #tpu.memory_space<vmem>>) attributes {dimension_semantics = [#tpu.dimension_semantics<parallel>, #tpu.dimension_semantics<parallel>], iteration_bounds = array<i64: 4, 2>, scalar_prefetch = 0 : i64, scratch_operands = 0 : i64, tpu.core_type = #tpu.core_type<tc>, window_params = [{transform_indices = @transform_0, window_bounds = array<i64: 1, 4096, 1024>}, {transform_indices = @transform_1, window_bounds = array<i64: 4096>}, {transform_indices = @transform_2, window_bounds = array<i64: 4096>}]} {
    %get3A = arith.constant 0 : index
    %get3A_0 = arith.constant 0 : index
    %get3A_1 = arith.constant 0 : index
    %get3A_2 = vector.load %arg2[%get3A, %get3A_0, %get3A_1] : memref<1x4096x1024xf32, #tpu.memory_space<vmem>>, vector<1x4096x1024xf32>
    %get3A_3 = vector.shape_cast %get3A_2 : vector<1x4096x1024xf32> to vector<4096x1024xf32>
    %reduce_sum3A = arith.constant dense<0.000000e+00> : vector<4096xf32>
    %reduce_sum3A_4 = vector.multi_reduction <add>, %get3A_3, %reduce_sum3A [1] : vector<4096x1024xf32> to vector<4096xf32>
    %swap3A = arith.constant 0 : index
    %swap3A_5 = vector.load %arg3[%swap3A] : memref<4096xf32, #tpu.memory_space<vmem>>, vector<4096xf32>
    tpu.vector_store %arg3[%swap3A], %reduce_sum3A_4 {strides = array<i32>} : memref<4096xf32, #tpu.memory_space<vmem>>, vector<4096xf32>,
    %mul3A = arith.mulf %get3A_3, %get3A_3 : vector<4096x1024xf32>
    %reduce_sum3A_6 = arith.constant dense<0.000000e+00> : vector<4096xf32>
    %reduce_sum3A_7 = vector.multi_reduction <add>, %mul3A, %reduce_sum3A_6 [1] : vector<4096x1024xf32> to vector<4096xf32>
    %swap3A_8 = arith.constant 0 : index
    %swap3A_9 = vector.load %arg4[%swap3A_8] : memref<4096xf32, #tpu.memory_space<vmem>>, vector<4096xf32>
    tpu.vector_store %arg4[%swap3A_8], %reduce_sum3A_7 {strides = array<i32>} : memref<4096xf32, #tpu.memory_space<vmem>>, vector<4096xf32>,
    return
  }
  func.func @transform_0(%arg0: i32, %arg1: i32) -> (i32, i32, i32) {
    %c0_i32 = arith.constant 0 : i32
    %c0_i32_0 = arith.constant 0 : i32
    return %arg0, %arg1, %c0_i32 : i32, i32, i32
  }
  func.func @transform_1(%arg0: i32, %arg1: i32) -> i32 {
    %mul3A = arith.constant 2 : i32
    %mul3A_0 = arith.muli %arg0, %mul3A : i32
    %add3A = arith.addi %mul3A_0, %arg1 : i32
    %c0_i32 = arith.constant 0 : i32
    return %add3A : i32
  }
  func.func @transform_2(%arg0: i32, %arg1: i32) -> i32 {
    %mul3A = arith.constant 2 : i32
    %mul3A_0 = arith.muli %arg0, %mul3A : i32
    %add3A = arith.addi %mul3A_0, %arg1 : i32
    %c0_i32 = arith.constant 0 : i32
    return %add3A : i32
  }
}

module attributes {stable_mosaic.version = 14 : i64} {
  func.func @body(%arg0: i32, %arg1: i32, %arg2: memref<4x16xf32, #tpu.memory_space<smem>>, %arg3: memref<1x2048x1024xf32, #tpu.memory_space<vmem>>, %arg4: memref<2048xf32, #tpu.memory_space<vmem>>, %arg5: memref<1x1024xf32, #tpu.memory_space<vmem>>, %arg6: memref<1x1024xf32, #tpu.memory_space<vmem>>, %arg7: memref<1x2048x1024xf32, #tpu.memory_space<vmem>>) attributes {dimension_semantics = [#tpu.dimension_semantics<parallel>, #tpu.dimension_semantics<parallel>], iteration_bounds = array<i64: 4, 4>, scalar_prefetch = 0 : i64, scratch_operands = 0 : i64, tpu.core_type = #tpu.core_type<tc>, window_params = [{transform_indices = @transform_0, window_bounds = array<i64: 4, 16>}, {transform_indices = @transform_1, window_bounds = array<i64: 1, 2048, 1024>}, {transform_indices = @transform_2, window_bounds = array<i64: 2048>}, {pipeline_mode = #tpu.pipeline_mode<synchronous>, transform_indices = @transform_3, window_bounds = array<i64: 1, 1024>}, {pipeline_mode = #tpu.pipeline_mode<synchronous>, transform_indices = @transform_4, window_bounds = array<i64: 1, 1024>}, {transform_indices = @transform_5, window_bounds = array<i64: 1, 2048, 1024>}]} {
    %get3A = arith.index_cast %arg0 : i32 to index
    %get3A_0 = arith.constant 0 : index
    %get3A_1 = memref.load %arg2[%get3A, %get3A_0] : memref<4x16xf32, #tpu.memory_space<smem>>
    %get3A_2 = arith.index_cast %arg0 : i32 to index
    %get3A_3 = arith.constant 1 : index
    %get3A_4 = memref.load %arg2[%get3A_2, %get3A_3] : memref<4x16xf32, #tpu.memory_space<smem>>
    %div3A = arith.constant 0x4A000000 : f32
    %div3A_5 = arith.divf %get3A_1, %div3A : f32
    %mul3A = arith.mulf %get3A_1, %get3A_1 : f32
    %div3A_6 = arith.constant 0x4A000000 : f32
    %div3A_7 = arith.divf %mul3A, %div3A_6 : f32
    %sub3A = arith.subf %get3A_4, %div3A_7 : f32
    %div3A_8 = arith.constant 0x49FFFFF8 : f32
    %div3A_9 = arith.divf %sub3A, %div3A_8 : f32
    %sqrt3A = math.sqrt %div3A_9 : f32
    %add3A = arith.constant 9.99999993E-9 : f32
    %add3A_10 = arith.addf %sqrt3A, %add3A : f32
    %div3A_11 = arith.constant 1.000000e+00 : f32
    %div3A_12 = arith.divf %div3A_11, %add3A_10 : f32
    %get3A_13 = arith.constant 0 : index
    %get3A_14 = arith.constant 0 : index
    %get3A_15 = vector.load %arg5[%get3A_13, %get3A_14] : memref<1x1024xf32, #tpu.memory_space<vmem>>, vector<1x1024xf32>
    %mul3A_16 = vector.broadcast %div3A_12 : f32 to vector<1x1024xf32>
    %mul3A_17 = arith.mulf %get3A_15, %mul3A_16 : vector<1x1024xf32>
    %get3A_18 = arith.constant 0 : index
    %get3A_19 = arith.constant 0 : index
    %get3A_20 = vector.load %arg6[%get3A_18, %get3A_19] : memref<1x1024xf32, #tpu.memory_space<vmem>>, vector<1x1024xf32>
    %mul3A_21 = vector.broadcast %div3A_5 : f32 to vector<1x1024xf32>
    %mul3A_22 = arith.mulf %mul3A_21, %mul3A_17 : vector<1x1024xf32>
    %sub3A_23 = arith.subf %get3A_20, %mul3A_22 : vector<1x1024xf32>
    %logistic3A = arith.constant 2.000000e+00 : f32
    %logistic3A_24 = arith.negf %logistic3A : f32
    %logistic3A_25 = math.exp %logistic3A_24 : f32
    %logistic3A_26 = arith.constant 1.000000e+00 : f32
    %logistic3A_27 = arith.addf %logistic3A_26, %logistic3A_25 : f32
    %logistic3A_28 = arith.divf %logistic3A_26, %logistic3A_27 : f32
    %logistic3A_29 = arith.constant -3.000000e+00 : f32
    %logistic3A_30 = arith.negf %logistic3A_29 : f32
    %logistic3A_31 = math.exp %logistic3A_30 : f32
    %logistic3A_32 = arith.constant 1.000000e+00 : f32
    %logistic3A_33 = arith.addf %logistic3A_32, %logistic3A_31 : f32
    %logistic3A_34 = arith.divf %logistic3A_32, %logistic3A_33 : f32
    %get3A_35 = arith.constant 0 : index
    %get3A_36 = vector.load %arg4[%get3A_35] : memref<2048xf32, #tpu.memory_space<vmem>>, vector<2048xf32>
    %reshape3A = vector.shape_cast %get3A_36 : vector<2048xf32> to vector<2048x1xf32>
    %sub3A_37 = arith.subf %logistic3A_28, %logistic3A_34 : f32
    %mul3A_38 = vector.broadcast %sub3A_37 : f32 to vector<2048x1xf32>
    %mul3A_39 = arith.mulf %reshape3A, %mul3A_38 : vector<2048x1xf32>
    %add3A_40 = vector.broadcast %logistic3A_34 : f32 to vector<2048x1xf32>
    %add3A_41 = arith.addf %add3A_40, %mul3A_39 : vector<2048x1xf32>
    %get3A_42 = arith.constant 0 : index
    %get3A_43 = arith.constant 0 : index
    %get3A_44 = arith.constant 0 : index
    %get3A_45 = vector.load %arg3[%get3A_42, %get3A_43, %get3A_44] : memref<1x2048x1024xf32, #tpu.memory_space<vmem>>, vector<1x2048x1024xf32>
    %get3A_46 = vector.shape_cast %get3A_45 : vector<1x2048x1024xf32> to vector<2048x1024xf32>
    %mul3A_47 = vector.broadcast %mul3A_17 : vector<1x1024xf32> to vector<2048x1024xf32>
    %mul3A_48 = arith.mulf %get3A_46, %mul3A_47 : vector<2048x1024xf32>
    %add3A_49 = vector.broadcast %sub3A_23 : vector<1x1024xf32> to vector<2048x1024xf32>
    %add3A_50 = arith.addf %mul3A_48, %add3A_49 : vector<2048x1024xf32>
    %mul3A_51 = vector.broadcast %add3A_41 : vector<2048x1xf32> to vector<2048x1024xf32>
    %mul3A_52 = arith.mulf %add3A_50, %mul3A_51 : vector<2048x1024xf32>
    %swap3A = arith.constant 0 : index
    %swap3A_53 = arith.constant 0 : index
    %swap3A_54 = arith.constant 0 : index
    %swap3A_55 = vector.load %arg7[%swap3A, %swap3A_53, %swap3A_54] : memref<1x2048x1024xf32, #tpu.memory_space<vmem>>, vector<1x2048x1024xf32>
    %swap3A_56 = vector.shape_cast %swap3A_55 : vector<1x2048x1024xf32> to vector<2048x1024xf32>
    %swap3A_57 = vector.shape_cast %mul3A_52 : vector<2048x1024xf32> to vector<1x2048x1024xf32>
    tpu.vector_store %arg7[%swap3A, %swap3A_53, %swap3A_54], %swap3A_57 {strides = array<i32>} : memref<1x2048x1024xf32, #tpu.memory_space<vmem>>, vector<1x2048x1024xf32>,
    return
  }
  func.func @transform_0(%arg0: i32, %arg1: i32) -> (i32, i32) {
    %c0_i32 = arith.constant 0 : i32
    %c0_i32_0 = arith.constant 0 : i32
    %c0_i32_1 = arith.constant 0 : i32
    return %c0_i32, %c0_i32_0 : i32, i32
  }
  func.func @transform_1(%arg0: i32, %arg1: i32) -> (i32, i32, i32) {
    %c0_i32 = arith.constant 0 : i32
    %c0_i32_0 = arith.constant 0 : i32
    return %arg0, %arg1, %c0_i32 : i32, i32, i32
  }
  func.func @transform_2(%arg0: i32, %arg1: i32) -> i32 {
    %mul3A = arith.constant 4 : i32
    %mul3A_0 = arith.muli %arg0, %mul3A : i32
    %add3A = arith.addi %mul3A_0, %arg1 : i32
    %c0_i32 = arith.constant 0 : i32
    return %add3A : i32
  }
  func.func @transform_3(%arg0: i32, %arg1: i32) -> (i32, i32) {
    %c0_i32 = arith.constant 0 : i32
    %c0_i32_0 = arith.constant 0 : i32
    %c0_i32_1 = arith.constant 0 : i32
    return %c0_i32, %c0_i32_0 : i32, i32
  }
  func.func @transform_4(%arg0: i32, %arg1: i32) -> (i32, i32) {
    %c0_i32 = arith.constant 0 : i32
    %c0_i32_0 = arith.constant 0 : i32
    %c0_i32_1 = arith.constant 0 : i32
    return %c0_i32, %c0_i32_0 : i32, i32
  }
  func.func @transform_5(%arg0: i32, %arg1: i32) -> (i32, i32, i32) {
    %c0_i32 = arith.constant 0 : i32
    %c0_i32_0 = arith.constant 0 : i32
    return %arg0, %arg1, %c0_i32 : i32, i32, i32
  }
}

</mosaic_0001>

<sc_bundles>
// kernel: kernel.5.cloned.1.call-start
scs
__scs_entry_jumppad:
0x0: {  	(pc) =	sbr.rel $0x88, $3  }
0x1: {  	(tag) =	ssettag $0x0;
	lr =	simm.s32 $0x1  }
0x2: {  	[smem:$0x3F9E] =	sst lr;
	_ =	strace $0xD0000000  }
0x3: {  	_ = 	snop  }
0x4: {  	_ = 	snop  }
0x5: {  	_ = 	snop  }
0x6: {  	_ = 	snop  }
0x7: {  	_ = 	snop  }
__scs_overlays_trampoline_lowered:
0x8: {  	[smem:$0x3FAD] =	sst s0  }
0x9: {  	[smem:$0x3FAE] =	sst s1  }
0xa: {  	[smem:$0x3FAF] =	sst s2  }
0xb: {  	[smem:$0x3FB0] =	sst s3  }
0xc: {  	[smem:$0x3FB1] =	sst s4  }
0xd: {  	[smem:$0x3FB2] =	sst s5  }
0xe: {  	[smem:$0x3FB3] =	sst s6  }
0xf: {  	[smem:$0x3FB4] =	sst s7  }
0x10: {  	[smem:$0x3FB5] =	sst s8  }
0x11: {  	[smem:$0x3FB6] =	sst s9;
	s0 =	simm.s32 @!p0 $0x0  }
0x12: {  	s1 =	sld [smem:$0x3F9C];
	s0 =	simm.s32 @p0 $0x1  }
0x13: {  	[smem:$0x3FB7] =	sst s0;
	s0 =	simm.s32 @!p1 $0x0  }
0x14: {  	s2 =	sld [smem:$0x3F9B];
	s0 =	simm.s32 @p1 $0x1  }
0x15: {  	[smem:$0x3FB8] =	sst s0;
	s0 =	simm.s32 @!p2 $0x0  }
0x16: {  	s3 =	sld [smem:$0x3FDB];
	s0 =	simm.s32 @p2 $0x1  }
0x17: {  	s4 =	simm.s32 $0x1BF5;
	[smem:$0x3FBA] =	sst s0  }
0x18: {  	s0 =	sld [smem:$0x3F9D];
	_ =	swait.ge [sflag:s4], $0x0  }
0x19: {  	s7 =	sld [smem:$0x3F9E]  }
0x1a: {  	s8 =	sadd.s32 $0xFFFFE003, lr  }
0x1b: {  	s9 =	sadd.s32 $0xFFFFFEF7, lr;
	s5 =	simm.s32 $0xFFFFFFFF;
	p2 =	slt.u32 s8, $0xFFFFF086  }
0x1c: {  	p1 =	slt.u32 s9, $0xF7A;
	s5 =	simm.s32 @!p2 $0x0  }
0x1d: {  	s5 =	simm.s32 @p1 $0x1;
	p0 =	seq.s32 s7, s2  }
0x1e: {  	s7 =	smul.u32 @!p0 $0xF7A, s2;
	p2 =	seq.s32 @!p0 s5, $0x0  }
0x1f: {  	s9 =	smul.u32 $0xF7A, s1;
	s8 =	simm.s32 @!p0 $0x1BF5;
	p2 =	por !p2, p0  }
0x20: {  	[sflag:s8] =	ssyncset.s32 @!p0 $0xFFFFF086;
	s6 =	sadd.s32 @!p0 s3, s7;
	s7 =	simm.s32 @!p0 $0x108  }
0x21: {  	s3 =	sadd.s32 s3, s9;
	s6 =	sadd.s32 @!p0 $0x88, s6;
	s7 =	simm.s32 @p2 $0x1082  }
0x22: {  	[simem:s7], [sflag:s8] =	dma.local @!p0 [hbm:s6], $0xF7A  }
0x23: {  	s9 =	sor.u32 $0xD0000000, s2;
	s6 =	simm.s32 $0x108;
	_ =	swait.ge @!p0 [sflag:s8], $0x0  }
0x24: {  	s3 =	sadd.s32 $0x88, s3;
	s6 =	simm.s32 @!p1 $0x1082;
	[sflag:s4] =	ssyncset.s32 $0xFFFFF086  }
0x25: {  	[simem:s6], [sflag:s4] =	dma.local [hbm:s3], $0xF7A  }
0x26: {  	[smem:$0x3F9E] =	sst s1;
	(tag) =	ssettag s2;
	_ =	strace s9  }
0x27: {  	s1 =	sld [smem:$0x3FAE]  }
0x28: {  	s2 =	sld [smem:$0x3FAF]  }
0x29: {  	s4 =	sld [smem:$0x3FB1]  }
0x2a: {  	p0 =	seq.s32 s5, $0x0;
	s5 =	sld [smem:$0x3FB2]  }
0x2b: {  	s6 =	sld [smem:$0x3FB3]  }
0x2c: {  	s7 =	sld [smem:$0x3FB4]  }
0x2d: {  	s3 =	simm.s32 $0x108;
	s8 =	sld [smem:$0x3FB5]  }
0x2e: {  	s3 =	simm.s32 @!p0 $0x1082;
	s9 =	sld [smem:$0x3FB6]  }
0x2f: {  	lr =	sadd.s32 s0, s3;
	s0 =	sld [smem:$0x3FAD]  }
0x30: {  	s3 =	sld [smem:$0x3FB0]  }
0x31: {  	[smem:$0x3FB9] =	sst s10  }
0x32: {  	s10 =	sld [smem:$0x3FB7];
	_ =	sdelay $0x3  }
0x33: {  	p0 =	seq.s32 s10, $0x1;
	s10 =	sld [smem:$0x3FB9];
	_ =	sdelay $0x3  }
0x34: {  	[smem:$0x3FB9] =	sst s10  }
0x35: {  	s10 =	sld [smem:$0x3FB8];
	_ =	sdelay $0x3  }
0x36: {  	p1 =	seq.s32 s10, $0x1;
	s10 =	sld [smem:$0x3FB9];
	_ =	sdelay $0x3  }
0x37: {  	[smem:$0x3FB9] =	sst s10  }
0x38: {  	s10 =	sld [smem:$0x3FBA]  }
0x39: {  	_ = 	snop;
	(pc) =	sbr.ind lr, $3  }
0x3a: {  	_ = 	snop  }
0x3b: {  	_ = 	snop  }
0x3c: {  	p2 =	seq.s32 s10, $0x1;
	s10 =	sld [smem:$0x3FB9]  }
0x3d: {  	_ =	shalt  }
0x3e: {  	_ =	shalt  }
0x3f: {  	_ =	shalt  }
0x40: {  	_ =	shalt  }
0x41: {  	_ =	shalt  }
0x42: {  	_ =	shalt  }
0x43: {  	_ =	shalt  }
0x44: {  	_ =	shalt  }
0x45: {  	_ =	shalt  }
0x46: {  	_ =	shalt  }
0x47: {  	_ =	shalt  }
0x48: {  	_ =	shalt  }
0x49: {  	_ =	shalt  }
0x4a: {  	_ =	shalt  }
0x4b: {  	_ =	shalt  }
0x4c: {  	_ =	shalt  }
0x4d: {  	_ =	shalt  }
0x4e: {  	_ =	shalt  }
0x4f: {  	_ =	shalt  }
0x50: {  	_ =	shalt  }
0x51: {  	_ =	shalt  }
0x52: {  	_ =	shalt  }
0x53: {  	_ =	shalt  }
0x54: {  	_ =	shalt  }
0x55: {  	_ =	shalt  }
0x56: {  	_ =	shalt  }
0x57: {  	_ =	shalt  }
0x58: {  	_ =	shalt  }
0x59: {  	_ =	shalt  }
0x5a: {  	_ =	shalt  }
0x5b: {  	_ =	shalt  }
0x5c: {  	_ =	shalt  }
0x5d: {  	_ =	shalt  }
0x5e: {  	_ =	shalt  }
0x5f: {  	_ =	shalt  }
0x60: {  	_ =	shalt  }
0x61: {  	_ =	shalt  }
0x62: {  	_ =	shalt  }
0x63: {  	_ =	shalt  }
0x64: {  	_ =	shalt  }
0x65: {  	_ =	shalt  }
0x66: {  	_ =	shalt  }
0x67: {  	_ =	shalt  }
0x68: {  	_ =	shalt  }
0x69: {  	_ =	shalt  }
0x6a: {  	_ =	shalt  }
0x6b: {  	_ =	shalt  }
0x6c: {  	_ =	shalt  }
0x6d: {  	_ =	shalt  }
0x6e: {  	_ =	shalt  }
0x6f: {  	_ =	shalt  }
0x70: {  	_ =	shalt  }
0x71: {  	_ =	shalt  }
0x72: {  	_ =	shalt  }
0x73: {  	_ =	shalt  }
0x74: {  	_ =	shalt  }
0x75: {  	_ =	shalt  }
0x76: {  	_ =	shalt  }
0x77: {  	_ =	shalt  }
0x78: {  	_ =	shalt  }
0x79: {  	_ =	shalt  }
0x7a: {  	_ =	shalt  }
0x7b: {  	_ =	shalt  }
0x7c: {  	_ =	shalt  }
0x7d: {  	_ =	shalt  }
0x7e: {  	_ =	shalt  }
0x7f: {  	_ =	shalt  }
0x80: {  	_ =	shalt  }
0x81: {  	_ =	shalt  }
0x82: {  	_ =	shalt  }
0x83: {  	_ =	shalt  }
0x84: {  	_ =	shalt  }
0x85: {  	_ =	shalt  }
0x86: {  	_ =	shalt  }
0x87: {  	_ =	shalt  }
.Lfunc_end0:
.L_simem_size_0:
called_computation_lowered:
.L_overlay_start_0:
0x88: {  	s2 =	sld [smem:$0x3FD9]  }
0x89: {  	s3 =	sld [smem:$0x3FFE];
	_ =	sdelay $0x1  }
0x8a: {  	s1 =	srdreg.scid  }
0x8b: {  	s0 =	sand.u32 $0x1, s1  }
0x8c: {  	s17 =	sshll.u32 s0, $0xA;
	s2 =	sadd.s32 s3, s2  }
0x8d: {  	s2 =	sadd.s32 s2, s17  }
0x8e: {  	[smem:$0x3FC5] =	sst s2  }
0x8f: {  	_ = 	snop  }
0x90: {  	s2 =	sld [smem:$0x3FD0];
	(tm) =	ssettm $0x1  }
0x91: {  	s18 =	sld [smem:$0x3FFB];
	_ =	sdelay $0x3  }
0x92: {  	_ =	strace s18  }
0x93: {  	s3 =	sld [smem:$0x3FFC];
	_ =	sdelay $0x3  }
0x94: {  	_ =	strace s3  }
0x95: {  	s3 =	sld [smem:$0x3FFD];
	_ =	sdelay $0x3  }
0x96: {  	_ =	strace s3  }
0x97: {  	_ =	strace $0x8FFFFFFF  }
0x98: {  	s19 =	sld [smem:$0x3FDB];
	_ =	sdelay $0x1  }
0x99: {  	s4 =	simm.s32 $_scs_section_size  }
0x9a: {  	s5 =	simm.s32 $_size__tile_overlayer_lowered;
	s6 =	simm.s32 $_tile_overlayer_lowered  }
0x9b: {  	s22 =	simm.s32 $0x1BFF;
	s21 =	sshll.u32 s6, $0x1;
	s3 =	sadd.s32 s4, s19  }
0x9c: {  	s7 =	simm.s32 $0x0;
	s20 =	sshll.u32 s5, $0x1;
	s5 =	sadd.s32 s21, s3  }
0x9d: {  	[timem:s7], [sflag:s22] =	dma.local [hbm:s5], s20  }
0x9e: {  	_ =	swait.ge [sflag:s22], s20  }
0x9f: {  	s4 =	ssub.s32 $0x0, s20;
	[sflag:s22] =	ssyncset.done $0x0  }
0xa0: {  	[sflag:s22] =	ssyncadd.s32 s4;
	_ =	sdelay $0x1  }
0xa1: {  	s23 =	simm.s32 $0x1B8B  }
0xa2: {  	_ =	swait.ge [sflag:s23], $0x1  }
0xa3: {  	[sflag:s23] =	ssyncset.done $0x0  }
0xa4: {  	s25 =	simm.s32 $0x1B8E;
	s24 =	sld [smem:$0x3FFE];
	[sflag:s23] =	ssyncadd.s32 $0xFFFFFFFF  }
0xa5: {  	s26 =	simm.s32 $execute0_lowered;
	[smem:$0x3FD2] =	sst s25  }
0xa6: {  	s5 =	sshll.u32 s26, $0x1;
	_ =	strace $0x80000046;
	[dreg:$0x1] =	wrdreg $0xFFFFFFFF  }
0xa7: {  	s28 =	simm.s32 $_size_execute0_lowered;
	s3 =	sadd.s32 s3, s5;
	[dreg:$0x0] =	wrdreg $0x0  }
0xa8: {  	s5 =	sshll.u32 s28, $0x1;
	[dreg:$0x2] =	wrdreg s3  }
0xa9: {  	[dreg:$0x3] =	wrdreg s5  }
0xaa: {  	[dreg:$0x4] =	wrdreg $0xC0  }
0xab: {  	_ =	task [dreg:s7], $0x5FFFF  }
0xac: {  	[dreg:$0x1] =	wrdreg $0xFFFFFFFF  }
0xad: {  	[dreg:$0x0] =	wrdreg $0x60  }
0xae: {  	[dreg:$0x2] =	wrdreg s2  }
0xaf: {  	[dreg:$0x3] =	wrdreg s24  }
0xb0: {  	[dreg:$0x4] =	wrdreg $0xE000  }
0xb1: {  	[dreg:$0x5] =	wrdreg $0xE100  }
0xb2: {  	[dreg:$0x6] =	wrdreg $0xE200  }
0xb3: {  	[dreg:$0x7] =	wrdreg $0xE280  }
0xb4: {  	[dreg:$0x8] =	wrdreg $0xE380  }
0xb5: {  	[dreg:$0x9] =	wrdreg $0x9  }
0xb6: {  	_ =	task.clear_ibuf [dreg:s7], $0xAFFFF;
	_ =	strace $0x90000046  }
0xb7: {  	s29 =	simm.s32 $0x9;
	_ =	strace $0x80000048  }
0xb8: {  	_ =	swait.ge [sflag:s29], $0x1  }
0xb9: {  	[sflag:s29] =	ssyncadd.s32 $0xFFFFFFFF  }
0xba: {  	_ =	strace $0x90000048  }
0xbb: {  	_ =	sfence  }
0xbc: {  	s30 =	sld [smem:$0x0];
	_ =	sdelay $0x2  }
0xbd: {  	s31 =	sshll.u32 s1, $0xD;
	s1 =	sshrl.u32 s1, $0x2  }
0xbe: {  	s3 =	sand.u32 $0x4000, s31;
	s1 =	sadd.s32 s1, s30  }
0xbf: {  	s0 =	sor.u32 s3, s0;
	s1 =	sshll.u32 s1, $0x11  }
0xc0: {  	s0 =	sor.u32 s1, s0  }
0xc1: {  	s0 =	sadd.s32 $0x8F2B, s0  }
0xc2: {  	[sflag:s0] =	ssyncadd.remote.s32 $0x1  }
0xc3: {  	_ =	sfence.sel $0xFFFF  }
0xc4: {  	[dreg:$0x0] =	wrdreg $0xFFFFFFFF;
	(pc) =	sbr.abs _section_cstart, $3  }
0xc5: {  	[dreg:$0x1] =	wrdreg $0xFFFFFFFF  }
0xc6: {  	_ =	task.clear_ibuf [dreg:s7], $0x2FFFF;
	_ =	strace $0x9FFFFFFF  }
0xc7: {  	(tm) =	ssettm $0x7FFFFFFF  }
tec
execute0_lowered:
.L_overlay_start_1:
0x0: {  	(tag) =	ssettag $0x1  }
0x1: {  	s5 =	rddreg [dreg:$0x0]  }
0x2: {  	s6 =	rddreg [dreg:$0x1]  }
0x3: {  	s9 =	rddreg [dreg:$0x2]  }
0x4: {  	s12 =	rddreg [dreg:$0x3]  }
0x5: {  	s13 =	rddreg [dreg:$0x4]  }
0x6: {  	s1 =	rddreg [dreg:$0x5]  }
0x7: {  	s2 =	rddreg [dreg:$0x6]  }
0x8: {  	s0 =	srdreg.scid;
	s15 =	stileid.u32;
	s3 =	simm.s32 $0x0  }
0x9: {  	s28 =	simm.s32 $0xC80;
	s29 =	simm.s32 $0xD00;
	s30 =	simm.s32 $0x880  }
0xa: {  	s31 =	simm.s32 $0xA00;
	s7 =	sand.u32 $0x1, s0;
	s14 =	sshrl.u32 s15, $0x3  }
0xb: {  	[smem:$0x7FF] =	sst s3;
	s11 =	sadd.s32 $0x1200, s6;
	s16 =	sshll.u32 s15, $0x4  }
0xc: {  	s0 =	sshll.u32 s7, $0x1;
	_ =	strace $0x80000047;
	[dreg:$0x9] =	wrdreg s11  }
0xd: {  	s7 =	ssub.s32 $0x2, s7;
	s11 =	sadd.s32 s16, s12;
	s19 =	sshll.u32 s14, $0x7  }
0xe: {  	s21 =	sshll.u32 s14, $0x4;
	s22 =	sadd.s32 s16, s1;
	s23 =	sadd.s32 s16, s2  }
0xf: {  	s8 =	sor.u32 s14, s0;
	s0 =	sand.u32 $0x7, s15;
	[dreg:$0xd] =	wrdreg s11  }
0x10: {  	s25 =	sshrl.u32 s7, $0x1;
	s15 =	sadd.s32 s19, s9;
	[dreg:$0x10] =	wrdreg s22  }
0x11: {  	s20 =	sadd.s32 s19, s12;
	s14 =	sadd.s32 s21, s13;
	[dreg:$0x11] =	wrdreg s23  }
0x12: {  	s1 =	sadd.s32 s19, s1;
	s23 =	simm.s32 $0x1;
	[dreg:$0xe] =	wrdreg s15  }
0x13: {  	v0 =	vlaneseq.u32;
	v11 =	vimm.f32 $-Inf;
	s4 =	sshll.u32 s0, $0xA;
	s10 =	sshll.u32 s8, $0xD;
	[dreg:$0xf] =	wrdreg s20  }
0x14: {  	vm0 =	vmmov $0xffff;
	vm1 =	vmmov $0x1;
	vm2 =	vcmask $0x320;
	s8 =	sshll.u32 s8, $0x4;
	s18 =	ssub.s32 s7, s25;
	[dreg:$0x12] =	wrdreg s1  }
0x15: {  	vm3 =	vcmask $0x720;
	vm4 =	vcmask $0xB20;
	vm5 =	vcmask $0xF20;
	p0 =	seq.s32 s0, $0x0;
	p2 =	sne.s32 s0, $0x0;
	s1 =	simm.s32 $0xD80  }
0x16: {  	vm6 =	vcmask $0x1320;
	vm7 =	vcmask $0x1720;
	vm8 =	vcmask $0x1B20;
	[dreg:$0x8] =	wrdreg s10;
	s10 =	sor.u32 s4, s10;
	s17 =	sadd.s32 s8, s6  }
0x17: {  	vm9 =	vcmask $0x300;
	vm10 =	vcmask $0x704;
	v19 =	vimm.f32 $0.0e+00;
	s21 =	smax.u32 s18, $0x1;
	p1 =	seq.s32 @!p0 s0, $0x7;
	s24 =	sshrl.u32 s10, $0x3  }
0x18: {  	vm11 =	vcmask $0x1318;
	vm12 =	vcmask $0x171C;
	v1 =	vmul.u32 $0x10, v0;
	s10 =	sadd.s32 $0xFFFFFFF0, s10;
	s25 =	sadd.s32 $0x3200, s17;
	s6 =	sadd.s32 s24, s6  }
0x19: {  	v14 =	vshrl.u32 v0, $0x3;
	v12 =	vor.u32 $0x10, v0;
	v13 =	vadd.s32 $0xF, v0;
	s26 =	sshrl.u32 s10, $0x3;
	s10 =	sadd.s32 s16, s9;
	[dreg:$0x14] =	wrdreg s25  }
0x1a: {  	v18 =	vmul.u32 $0x80, v14;
	v14 =	vadd.s32 $0x11, v0;
	v3 =	vor.u32 $0x100, v1;
	s7 =	sadd.s32 s5, s24;
	s24 =	sadd.s32 s19, s2;
	[dreg:$0xc] =	wrdreg s10  }
0x1b: {  	v5 =	vor.u32 $0x200, v1;
	v6 =	vor.u32 $0x300, v1;
	v9 =	vmov s0;
	p1 =	por p0, !p1;
	s5 =	sadd.s32 s5, s26;
	[dreg:$0x13] =	wrdreg s24  }
0x1c: {  	v15 =	vor.u32 $0x7F, v18;
	v16 =	vor.u32 $0x17F, v18;
	v17 =	vor.u32 $0x27F, v18;
	s25 =	simm.s32 $0xB80;
	s8 =	sadd.s32 $0x80, s7;
	[dreg:$0xa] =	wrdreg s5  }
0x1d: {  	v18 =	vor.u32 $0x37F, v18;
	v2 =	vor.u32 s4, v1;
	v4 =	vor.u32 s4, v3;
	s2 =	simm.s32 $0x0;
	s26 =	sadd.s32 $0x2200, s6;
	[dreg:$0xb] =	wrdreg s8  }
0x1e: {  	v7 =	vor.u32 s4, v5;
	v8 =	vor.u32 s4, v6;
	v10 =	vor.u32 s4, v0;
	s24 =	simm.s32 $0x480;
	[dreg:$0x15] =	wrdreg s26;
	s26 =	simm.s32 $0xC00  }
.LBB2_1:
0x1f: {  	[tilespmem:$0x0] =	vst v11  }
0x20: {  	[tilespmem:$0x410] =	vst v11;
	s0 =	simm.s32 $0x10  }
0x21: {  	[tilespmem:s0], [sflag:$0x1] =	stream.linear.gather [hbm4b:s7+s3], $0x400, $0x38;
	[tilespmem:$0xE48] =	vst v63  }
0x22: {  	_ =	swait.ge [sflag:s23], $0x400  }
0x23: {  	[sflag:s23] =	ssyncset.done $0x0  }
0x24: {  	s0 =	simm.s32 @!p0 $0x0;
	s5 =	rddreg [dreg:$0xa];
	[sflag:s23] =	ssyncadd.s32 $0xFFFFFC00  }
0x25: {  	[tilespmem:s0], [sflag:$0x1] =	stream.linear.gather @!p0 [hbm4b:s5+s0], $0x10, $0x38;
	[tilespmem:$0xE48] =	vst v63  }
0x26: {  	s0 =	simm.s32 @!p0 $0x1  }
0x27: {  	_ =	swait.ge @!p0 [sflag:s0], $0x10  }
0x28: {  	[sflag:s0] =	ssyncset.done @!p0 $0x0  }
0x29: {  	s5 =	simm.s32 @p1 $0x410;
	[sflag:s0] =	ssyncadd.s32 @!p0 $0xFFFFFFF0;
	s0 =	rddreg @p1 [dreg:$0xb]  }
0x2a: {  	[tilespmem:s5], [sflag:$0x1] =	stream.linear.gather @p1 [hbm4b:s0+s3], $0x10, $0x38;
	[tilespmem:$0xE48] =	vst v63  }
0x2b: {  	s0 =	simm.s32 $0x0  }
0x2c: {  	v20 =	vadd.s32 s0, v13  }
0x2d: {  	v21 =	vadd.s32 s0, v14  }
0x2e: {  	_ =	swait.ge @p1 [sflag:s23], $0x10;
	v22 =	vadd.s32 s0, v12  }
0x2f: {  	[sflag:s23] =	ssyncset.done @p1 $0x0  }
0x30: {  	[sflag:s23] =	ssyncadd.s32 @p1 $0xFFFFFFF0  }
0x31: {  	v23 =	vld.idx.msk [tilespmem:v20+s3+$0x0], $0xffff  }
0x32: {  	v24 =	vld.idx.msk [tilespmem:v21+s3+$0x0], $0xffff  }
0x33: {  	v22 =	vld.idx.msk [tilespmem:v22+s3+$0x0], $0xffff;
	_ =	sdelay $0x2  }
0x34: {  	s9 =	simm.s32 $0x10;
	s12 =	simm.s32 $0x20;
	v25 =	vor.u32 s0, v0;
	v21 =	vimm.f32 $-Inf;
	v20 =	vimm.s32 $0x40000000  }
.LBB2_2:
0x35: {  	p3 =	sne.s32 s12, $0x3F0;
	v26 =	vadd.s32 s9, v13  }
0x36: {  	v27 =	vadd.s32 s9, v14;
	vm13 =	vge.f32 v22, v23;
	vm14 =	vge.f32 v22, v24;
	s6 =	sor.u32 s4, s0;
	s0 =	smov.u32 s9;
	s9 =	smov.u32 s12  }
0x37: {  	v28 =	vadd.s32 s0, v12;
	vm13 =	vmand vm13, vm14;
	v29 =	vor.u32 s6, v0  }
0x38: {  	v30 =	vnsel vm13, $0x0, v22;
	vm13 =	vlt.s32 v29, v20  }
0x39: {  	vm14 =	vgt.f32 v30, v21;
	vm15 =	veq.f32 v30, v21;
	[tilespmem:v25+s24+$0x0] =	vst.idx.msk $0xffff, v30  }
0x3a: {  	vm13 =	vmand vm13, vm15;
	v23 =	vld.idx.msk [tilespmem:v26+s3+$0x0], $0xffff  }
0x3b: {  	vm13 =	vmor vm14, vm13;
	v24 =	vld.idx.msk [tilespmem:v27+s3+$0x0], $0xffff  }
.Ltmp0:
0x3c: {  	v21 =	vsel vm13, v30, v21;
	v20 =	vsel vm13, v29, v20;
	v22 =	vld.idx.msk [tilespmem:v28+s3+$0x0], $0xffff;
	(pc) =	sbr.rel @p3 .LBB2_2-.Ltmp0, $2  }
0x3d: {  	_ =	sdelay $0x2  }
0x3e: {  	s12 =	sadd.s32 $0x10, s12;
	v25 =	vor.u32 s0, v0  }
0x3f: {  	v26 =	vadd.s32 s9, v13  }
0x40: {  	v27 =	vadd.s32 s9, v14;
	vm13 =	vge.f32 v22, v23;
	vm14 =	vge.f32 v22, v24  }
0x41: {  	v47 =	vadd.s32 s9, v12;
	vm13 =	vmand vm13, vm14  }
0x42: {  	v48 =	vnsel vm13, $0x0, v22  }
0x43: {  	[tilespmem:v25+s24+$0x0] =	vst.idx.msk $0xffff, v48  }
0x44: {  	v49 =	vld.idx.msk [tilespmem:v26+s3+$0x0], $0xffff  }
0x45: {  	v25 =	vld.idx.msk [tilespmem:v27+s3+$0x0], $0xffff  }
0x46: {  	v23 =	vld.idx.msk [tilespmem:v47+s3+$0x0], $0xffff  }
0x47: {  	s0 =	sor.u32 s4, s0  }
0x48: {  	v50 =	vor.u32 s0, v0  }
0x49: {  	vm13 =	vlt.s32 v50, v20;
	vm14 =	veq.f32 v48, v21  }
0x4a: {  	vm15 =	vgt.f32 v48, v21;
	vm13 =	vmand vm13, vm14  }
0x4b: {  	s13 =	sor.u32 s4, s9;
	vm13 =	vmor vm15, vm13;
	vm14 =	vge.f32 v23, v49;
	vm15 =	vge.f32 v23, v25  }
0x4c: {  	v53 =	vor.u32 s13, v0;
	vm14 =	vmand vm14, vm15  }
0x4d: {  	v51 =	vsel vm13, v48, v21;
	v52 =	vsel vm13, v50, v20;
	v23 =	vnsel vm14, $0x0, v23  }
0x4e: {  	vm13 =	vlt.s32 v53, v52;
	vm14 =	veq.f32 v23, v51  }
0x4f: {  	vm13 =	vmand vm13, vm14;
	vm14 =	vgt.f32 v23, v51  }
0x50: {  	vm13 =	vmor vm14, vm13  }
0x51: {  	v21 =	vsel vm13, v23, v51  }
0x52: {  	(xrf0) =	vmax.scan.msk.f32 $0xffff, v21;
	_ =	sdelay $0x5  }
0x53: {  	v20, _, _ =	vpop (xrf0)  }
0x54: {  	v20 =	vbroadcast v20, $0xF  }
0x55: {  	v22 =	vsel vm13, v53, v52  }
0x56: {  	v24 =	vxor.u32 $0x80000000, v22;
	vm13 =	veq.f32 v21, v20  }
0x57: {  	v24 =	vnsel vm13, $0xC0000000, v24  }
0x58: {  	(xrf0) =	vmin.scan.msk.u32 $0xffff, v24;
	_ =	sdelay $0x5  }
0x59: {  	v24, _, _ =	vpop (xrf0)  }
0x5a: {  	(v2sf) =	vpush v24, $0xF;
	_ =	sdelay $0xe  }
0x5b: {  	s15 =	spop (v2sf)  }
0x5c: {  	s12 =	sxor.u32 $0x80000000, s15  }
0x5d: {  	v54 =	vor.u32 s9, v0;
	s0 =	sand.u32 $0xF, s15;
	s6 =	ssub.s32 s12, s4  }
0x5e: {  	v56 =	vor.u32 s0, v1;
	v55 =	vmov s6  }
0x5f: {  	v26 =	vand.u32 v15, v56;
	_ =	sdelay $0x1  }
0x60: {  	v57 =	vor.u32 s0, v3  }
0x61: {  	[tilespmem:v54+s24+$0x0] =	vst.idx.msk $0xffff, v23;
	v58 =	vand.u32 v16, v57  }
0x62: {  	[tilespmem:v55+s24+$0x0] =	vst.idx.msk $0x1, v11  }
0x63: {  	v24 =	vld.idx.msk [tilespmem:v26+s24+$0x0], $0xffff  }
0x64: {  	v59 =	vor.u32 s0, v5  }
0x65: {  	v25 =	vand.u32 v17, v59  }
0x66: {  	v23 =	vld.idx.msk [tilespmem:v58+s24+$0x0], $0xffff;
	_ =	sdelay $0x1  }
0x67: {  	v60 =	vor.u32 s0, v6;
	vm13 =	veq.f32 v24, v24  }
0x68: {  	v61 =	vor.u32 s0, v2;
	v26 =	vand.u32 v18, v60;
	vm13 =	vmand vm13, vm0  }
0x69: {  	v28 =	vor.u32 s0, v4;
	v25 =	vld.idx.msk [tilespmem:v25+s24+$0x0], $0xffff;
	v24 =	vnsel vm13, $0xFF800000, v24;
	v27 =	vnsel vm13, $0x40000000, v61  }
0x6a: {  	vm13 =	veq.f32 v23, v24;
	vm14 =	vlt.u32 v28, v27  }
0x6b: {  	vm13 =	vmand vm13, vm14;
	vm14 =	vgt.f32 v23, v24  }
0x6c: {  	vm13 =	vmor vm14, vm13  }
0x6d: {  	v63 =	vor.u32 s0, v7;
	v26 =	vld.idx.msk [tilespmem:v26+s24+$0x0], $0xffff;
	v23 =	vsel vm13, v23, v24;
	v62 =	vsel vm13, v28, v27  }
0x6e: {  	vm13 =	veq.f32 v25, v23;
	vm14 =	vlt.u32 v63, v62  }
0x6f: {  	vm13 =	vmand vm13, vm14;
	vm14 =	vgt.f32 v25, v23  }
0x70: {  	vm13 =	vmor vm14, vm13  }
0x71: {  	v28 =	vor.u32 s0, v8;
	v23 =	vsel vm13, v25, v23;
	v24 =	vsel vm13, v63, v62  }
0x72: {  	vm13 =	veq.f32 v26, v23;
	vm14 =	vlt.s32 v28, v24  }
0x73: {  	vm13 =	vmand vm13, vm14;
	vm14 =	vgt.f32 v26, v23  }
0x74: {  	vm13 =	vmor vm14, vm13  }
0x75: {  	v23 =	vsel vm13, v26, v23  }
0x76: {  	(xrf0) =	vmax.scan.msk.f32 $0xffff, v23;
	_ =	sdelay $0x5  }
0x77: {  	v29, _, _ =	vpop (xrf0)  }
0x78: {  	v26 =	vbroadcast v29, $0xF  }
0x79: {  	v24 =	vsel vm13, v28, v24  }
0x7a: {  	v30 =	vxor.u32 $0x80000000, v24;
	vm13 =	veq.f32 v23, v26  }
0x7b: {  	v23 =	vnsel vm13, $0xC0000000, v30  }
0x7c: {  	(xrf0) =	vmin.scan.msk.u32 $0xffff, v23;
	_ =	sdelay $0x5  }
0x7d: {  	v23, _, _ =	vpop (xrf0)  }
0x7e: {  	(v2sf) =	vpush v23, $0xF;
	_ =	sdelay $0x5  }
0x7f: {  	v31 =	vmov s0  }
0x80: {  	vm13 =	veq.s32 v31, v0  }
0x81: {  	v23 =	vsel vm13, v26, v21  }
0x82: {  	(xrf0) =	vmax.scan.msk.f32 $0xffff, v23;
	_ =	sdelay $0x5  }
0x83: {  	v32, _, _ =	vpop (xrf0);
	s16 =	spop (v2sf)  }
0x84: {  	v21 =	vbroadcast v32, $0xF;
	s0 =	sxor.u32 $0x80000000, s16  }
0x85: {  	v33 =	vsel vm13, s0, v22  }
0x86: {  	vm13 =	veq.f32 v23, v21;
	v22 =	vxor.u32 $0x80000000, v33  }
0x87: {  	v22 =	vnsel vm13, $0xC0000000, v22  }
0x88: {  	(xrf0) =	vmin.scan.msk.u32 $0xffff, v22;
	_ =	sdelay $0x5  }
0x89: {  	v22, _, _ =	vpop (xrf0)  }
0x8a: {  	(v2sf) =	vpush v22, $0xF;
	_ =	sdelay $0xe  }
0x8b: {  	s17 =	spop (v2sf)  }
0x8c: {  	s13 =	sxor.u32 $0x80000000, s17  }
0x8d: {  	s0 =	sand.u32 $0xF, s17;
	s18 =	ssub.s32 s13, s4  }
0x8e: {  	v35 =	vor.u32 s0, v1;
	v34 =	vmov s18  }
0x8f: {  	v25 =	vand.u32 v15, v35;
	_ =	sdelay $0x1  }
0x90: {  	v36 =	vor.u32 s0, v3  }
0x91: {  	v26 =	vand.u32 v16, v36  }
0x92: {  	[tilespmem:v34+s24+$0x0] =	vst.idx.msk $0x1, v11  }
0x93: {  	v22 =	vld.idx.msk [tilespmem:v25+s24+$0x0], $0xffff  }
0x94: {  	v37 =	vor.u32 s0, v5  }
0x95: {  	v25 =	vand.u32 v17, v37  }
0x96: {  	v26 =	vld.idx.msk [tilespmem:v26+s24+$0x0], $0xffff;
	_ =	sdelay $0x1  }
0x97: {  	v38 =	vor.u32 s0, v6;
	vm13 =	veq.f32 v22, v22  }
0x98: {  	v39 =	vor.u32 s0, v2;
	v27 =	vand.u32 v18, v38;
	vm13 =	vmand vm13, vm0  }
0x99: {  	v29 =	vor.u32 s0, v4;
	v25 =	vld.idx.msk [tilespmem:v25+s24+$0x0], $0xffff;
	v22 =	vnsel vm13, $0xFF800000, v22;
	v28 =	vnsel vm13, $0x40000000, v39  }
0x9a: {  	vm13 =	veq.f32 v26, v22;
	vm14 =	vlt.u32 v29, v28  }
0x9b: {  	vm13 =	vmand vm13, vm14;
	vm14 =	vgt.f32 v26, v22  }
0x9c: {  	vm13 =	vmor vm14, vm13  }
0x9d: {  	v41 =	vor.u32 s0, v7;
	v27 =	vld.idx.msk [tilespmem:v27+s24+$0x0], $0xffff;
	v22 =	vsel vm13, v26, v22;
	v40 =	vsel vm13, v29, v28  }
0x9e: {  	vm13 =	veq.f32 v25, v22;
	vm14 =	vlt.u32 v41, v40  }
0x9f: {  	vm13 =	vmand vm13, vm14;
	vm14 =	vgt.f32 v25, v22  }
0xa0: {  	vm13 =	vmor vm14, vm13  }
0xa1: {  	v43 =	vor.u32 s0, v8;
	v22 =	vsel vm13, v25, v22;
	v42 =	vsel vm13, v41, v40  }
0xa2: {  	vm13 =	veq.f32 v27, v22;
	vm14 =	vlt.s32 v43, v42  }
0xa3: {  	vm13 =	vmand vm13, vm14;
	vm14 =	vgt.f32 v27, v22  }
0xa4: {  	vm13 =	vmor vm14, vm13  }
0xa5: {  	v22 =	vsel vm13, v27, v22  }
0xa6: {  	(xrf0) =	vmax.scan.msk.f32 $0xffff, v22;
	_ =	sdelay $0x5  }
0xa7: {  	v44, _, _ =	vpop (xrf0)  }
0xa8: {  	v27 =	vbroadcast v44, $0xF  }
0xa9: {  	v25 =	vsel vm13, v43, v42  }
0xaa: {  	v45 =	vxor.u32 $0x80000000, v25;
	vm13 =	veq.f32 v22, v27  }
0xab: {  	v22 =	vnsel vm13, $0xC0000000, v45  }
0xac: {  	(xrf0) =	vmin.scan.msk.u32 $0xffff, v22;
	_ =	sdelay $0x5  }
0xad: {  	v22, _, _ =	vpop (xrf0)  }
0xae: {  	(v2sf) =	vpush v22, $0xF;
	_ =	sdelay $0x5  }
0xaf: {  	v46 =	vmov s0  }
0xb0: {  	vm13 =	veq.s32 v46, v0  }
0xb1: {  	v23 =	vsel vm13, v27, v23  }
0xb2: {  	(xrf0) =	vmax.scan.msk.f32 $0xffff, v23;
	_ =	sdelay $0x5  }
0xb3: {  	v47, _, _ =	vpop (xrf0);
	s19 =	spop (v2sf)  }
0xb4: {  	v22 =	vbroadcast v47, $0xF;
	s0 =	sxor.u32 $0x80000000, s19  }
0xb5: {  	v24 =	vsel vm13, s0, v33  }
0xb6: {  	vm13 =	veq.f32 v23, v22;
	v48 =	vxor.u32 $0x80000000, v24  }
0xb7: {  	v25 =	vnsel vm13, $0xC0000000, v48  }
0xb8: {  	(xrf0) =	vmin.scan.msk.u32 $0xffff, v25;
	_ =	sdelay $0x5  }
0xb9: {  	v25, _, _ =	vpop (xrf0)  }
0xba: {  	(v2sf) =	vpush v25, $0xF;
	_ =	sdelay $0xe  }
0xbb: {  	s20 =	spop (v2sf)  }
0xbc: {  	s17 =	sxor.u32 $0x80000000, s20  }
0xbd: {  	s0 =	sand.u32 $0xF, s20;
	s22 =	ssub.s32 s17, s4  }
0xbe: {  	v50 =	vor.u32 s0, v1;
	v49 =	vmov s22  }
0xbf: {  	v26 =	vand.u32 v15, v50;
	_ =	sdelay $0x1  }
0xc0: {  	v51 =	vor.u32 s0, v3  }
0xc1: {  	v27 =	vand.u32 v16, v51  }
0xc2: {  	[tilespmem:v49+s24+$0x0] =	vst.idx.msk $0x1, v11  }
0xc3: {  	v25 =	vld.idx.msk [tilespmem:v26+s24+$0x0], $0xffff  }
0xc4: {  	v52 =	vor.u32 s0, v5  }
0xc5: {  	v26 =	vand.u32 v17, v52  }
0xc6: {  	v27 =	vld.idx.msk [tilespmem:v27+s24+$0x0], $0xffff;
	_ =	sdelay $0x1  }
0xc7: {  	v53 =	vor.u32 s0, v6;
	vm13 =	veq.f32 v25, v25  }
0xc8: {  	v54 =	vor.u32 s0, v2;
	v28 =	vand.u32 v18, v53;
	vm13 =	vmand vm13, vm0  }
0xc9: {  	v30 =	vor.u32 s0, v4;
	v26 =	vld.idx.msk [tilespmem:v26+s24+$0x0], $0xffff;
	v25 =	vnsel vm13, $0xFF800000, v25;
	v29 =	vnsel vm13, $0x40000000, v54  }
0xca: {  	vm13 =	veq.f32 v27, v25;
	vm14 =	vlt.u32 v30, v29  }
0xcb: {  	vm13 =	vmand vm13, vm14;
	vm14 =	vgt.f32 v27, v25  }
0xcc: {  	vm13 =	vmor vm14, vm13  }
0xcd: {  	v56 =	vor.u32 s0, v7;
	v28 =	vld.idx.msk [tilespmem:v28+s24+$0x0], $0xffff;
	v25 =	vsel vm13, v27, v25;
	v55 =	vsel vm13, v30, v29  }
0xce: {  	vm13 =	veq.f32 v26, v25;
	vm14 =	vlt.u32 v56, v55  }
0xcf: {  	vm13 =	vmand vm13, vm14;
	vm14 =	vgt.f32 v26, v25  }
0xd0: {  	vm13 =	vmor vm14, vm13  }
0xd1: {  	v58 =	vor.u32 s0, v8;
	v25 =	vsel vm13, v26, v25;
	v57 =	vsel vm13, v56, v55  }
0xd2: {  	vm13 =	veq.f32 v28, v25;
	vm14 =	vlt.s32 v58, v57  }
0xd3: {  	vm13 =	vmand vm13, vm14;
	vm14 =	vgt.f32 v28, v25  }
0xd4: {  	vm13 =	vmor vm14, vm13  }
0xd5: {  	v25 =	vsel vm13, v28, v25  }
0xd6: {  	(xrf0) =	vmax.scan.msk.f32 $0xffff, v25;
	_ =	sdelay $0x5  }
0xd7: {  	v59, _, _ =	vpop (xrf0)  }
0xd8: {  	v28 =	vbroadcast v59, $0xF  }
0xd9: {  	v26 =	vsel vm13, v58, v57  }
0xda: {  	v60 =	vxor.u32 $0x80000000, v26;
	vm13 =	veq.f32 v25, v28  }
0xdb: {  	v25 =	vnsel vm13, $0xC0000000, v60  }
0xdc: {  	(xrf0) =	vmin.scan.msk.u32 $0xffff, v25;
	_ =	sdelay $0x5  }
0xdd: {  	v25, _, _ =	vpop (xrf0)  }
0xde: {  	(v2sf) =	vpush v25, $0xF;
	_ =	sdelay $0x5  }
0xdf: {  	v61 =	vmov s0  }
0xe0: {  	vm13 =	veq.s32 v61, v0  }
0xe1: {  	v25 =	vsel vm13, v28, v23  }
0xe2: {  	(xrf0) =	vmax.scan.msk.f32 $0xffff, v25;
	_ =	sdelay $0x5  }
0xe3: {  	v62, _, _ =	vpop (xrf0);
	s5 =	spop (v2sf)  }
0xe4: {  	v23 =	vbroadcast v62, $0xF;
	s0 =	sxor.u32 $0x80000000, s5  }
0xe5: {  	v63 =	vsel vm13, s0, v24  }
0xe6: {  	vm13 =	veq.f32 v25, v23;
	v24 =	vxor.u32 $0x80000000, v63  }
0xe7: {  	v24 =	vnsel vm13, $0xC0000000, v24  }
0xe8: {  	(xrf0) =	vmin.scan.msk.u32 $0xffff, v24;
	_ =	sdelay $0x5  }
0xe9: {  	v24, _, _ =	vpop (xrf0)  }
0xea: {  	(v2sf) =	vpush v24, $0xF;
	_ =	sdelay $0xe  }
0xeb: {  	s6 =	spop (v2sf)  }
0xec: {  	s18 =	sxor.u32 $0x80000000, s6  }
0xed: {  	s0 =	sand.u32 $0xF, s6;
	s8 =	ssub.s32 s18, s4  }
0xee: {  	v34 =	vor.u32 s0, v1;
	v33 =	vmov s8  }
0xef: {  	v27 =	vand.u32 v15, v34;
	_ =	sdelay $0x1  }
0xf0: {  	v35 =	vor.u32 s0, v3  }
0xf1: {  	v28 =	vand.u32 v16, v35  }
0xf2: {  	[tilespmem:v33+s24+$0x0] =	vst.idx.msk $0x1, v11  }
0xf3: {  	v24 =	vld.idx.msk [tilespmem:v27+s24+$0x0], $0xffff  }
0xf4: {  	v36 =	vor.u32 s0, v5  }
0xf5: {  	v27 =	vand.u32 v17, v36  }
0xf6: {  	v28 =	vld.idx.msk [tilespmem:v28+s24+$0x0], $0xffff;
	_ =	sdelay $0x1  }
0xf7: {  	v37 =	vor.u32 s0, v6;
	vm13 =	veq.f32 v24, v24  }
0xf8: {  	v38 =	vor.u32 s0, v2;
	v29 =	vand.u32 v18, v37;
	vm13 =	vmand vm13, vm0  }
0xf9: {  	v31 =	vor.u32 s0, v4;
	v27 =	vld.idx.msk [tilespmem:v27+s24+$0x0], $0xffff;
	v24 =	vnsel vm13, $0xFF800000, v24;
	v30 =	vnsel vm13, $0x40000000, v38  }
0xfa: {  	vm13 =	veq.f32 v28, v24;
	vm14 =	vlt.u32 v31, v30  }
0xfb: {  	vm13 =	vmand vm13, vm14;
	vm14 =	vgt.f32 v28, v24  }
0xfc: {  	vm13 =	vmor vm14, vm13  }
0xfd: {  	v40 =	vor.u32 s0, v7;
	v29 =	vld.idx.msk [tilespmem:v29+s24+$0x0], $0xffff;
	v24 =	vsel vm13, v28, v24;
	v39 =	vsel vm13, v31, v30  }
0xfe: {  	vm13 =	veq.f32 v27, v24;
	vm14 =	vlt.u32 v40, v39  }
0xff: {  	vm13 =	vmand vm13, vm14;
	vm14 =	vgt.f32 v27, v24  }
0x100: {  	vm13 =	vmor vm14, vm13  }
0x101: {  	v42 =	vor.u32 s0, v8;
	v24 =	vsel vm13, v27, v24;
	v41 =	vsel vm13, v40, v39  }
0x102: {  	vm13 =	veq.f32 v29, v24;
	vm14 =	vlt.s32 v42, v41  }
0x103: {  	vm13 =	vmand vm13, vm14;
	vm14 =	vgt.f32 v29, v24  }
0x104: {  	vm13 =	vmor vm14, vm13  }
0x105: {  	v24 =	vsel vm13, v29, v24  }
0x106: {  	(xrf0) =	vmax.scan.msk.f32 $0xffff, v24;
	_ =	sdelay $0x5  }
0x107: {  	v43, _, _ =	vpop (xrf0)  }
0x108: {  	v29 =	vbroadcast v43, $0xF  }
0x109: {  	v27 =	vsel vm13, v42, v41  }
0x10a: {  	v44 =	vxor.u32 $0x80000000, v27;
	vm13 =	veq.f32 v24, v29  }
0x10b: {  	v24 =	vnsel vm13, $0xC0000000, v44  }
0x10c: {  	(xrf0) =	vmin.scan.msk.u32 $0xffff, v24;
	_ =	sdelay $0x5  }
0x10d: {  	v24, _, _ =	vpop (xrf0)  }
0x10e: {  	(v2sf) =	vpush v24, $0xF;
	_ =	sdelay $0x5  }
0x10f: {  	v45 =	vmov s0  }
0x110: {  	vm13 =	veq.s32 v45, v0  }
0x111: {  	v25 =	vsel vm13, v29, v25  }
0x112: {  	(xrf0) =	vmax.scan.msk.f32 $0xffff, v25;
	_ =	sdelay $0x5  }
0x113: {  	v46, _, _ =	vpop (xrf0);
	s9 =	spop (v2sf)  }
0x114: {  	v24 =	vbroadcast v46, $0xF;
	s0 =	sxor.u32 $0x80000000, s9  }
0x115: {  	v26 =	vsel vm13, s0, v63  }
0x116: {  	vm13 =	veq.f32 v25, v24;
	v47 =	vxor.u32 $0x80000000, v26  }
0x117: {  	v27 =	vnsel vm13, $0xC0000000, v47  }
0x118: {  	(xrf0) =	vmin.scan.msk.u32 $0xffff, v27;
	_ =	sdelay $0x5  }
0x119: {  	v27, _, _ =	vpop (xrf0)  }
0x11a: {  	(v2sf) =	vpush v27, $0xF;
	_ =	sdelay $0xe  }
0x11b: {  	s10 =	spop (v2sf)  }
0x11c: {  	s19 =	sxor.u32 $0x80000000, s10  }
0x11d: {  	s0 =	sand.u32 $0xF, s10;
	s11 =	ssub.s32 s19, s4  }
0x11e: {  	v49 =	vor.u32 s0, v1;
	v48 =	vmov s11  }
0x11f: {  	v28 =	vand.u32 v15, v49;
	_ =	sdelay $0x1  }
0x120: {  	v50 =	vor.u32 s0, v3  }
0x121: {  	v29 =	vand.u32 v16, v50  }
0x122: {  	[tilespmem:v48+s24+$0x0] =	vst.idx.msk $0x1, v11  }
0x123: {  	v27 =	vld.idx.msk [tilespmem:v28+s24+$0x0], $0xffff  }
0x124: {  	v51 =	vor.u32 s0, v5  }
0x125: {  	v28 =	vand.u32 v17, v51  }
0x126: {  	v29 =	vld.idx.msk [tilespmem:v29+s24+$0x0], $0xffff;
	_ =	sdelay $0x1  }
0x127: {  	v52 =	vor.u32 s0, v6;
	vm13 =	veq.f32 v27, v27  }
0x128: {  	v53 =	vor.u32 s0, v2;
	v30 =	vand.u32 v18, v52;
	vm13 =	vmand vm13, vm0  }
0x129: {  	v32 =	vor.u32 s0, v4;
	v28 =	vld.idx.msk [tilespmem:v28+s24+$0x0], $0xffff;
	v27 =	vnsel vm13, $0xFF800000, v27;
	v31 =	vnsel vm13, $0x40000000, v53  }
0x12a: {  	vm13 =	veq.f32 v29, v27;
	vm14 =	vlt.u32 v32, v31  }
0x12b: {  	vm13 =	vmand vm13, vm14;
	vm14 =	vgt.f32 v29, v27  }
0x12c: {  	vm13 =	vmor vm14, vm13  }
0x12d: {  	v55 =	vor.u32 s0, v7;
	v30 =	vld.idx.msk [tilespmem:v30+s24+$0x0], $0xffff;
	v27 =	vsel vm13, v29, v27;
	v54 =	vsel vm13, v32, v31  }
0x12e: {  	vm13 =	veq.f32 v28, v27;
	vm14 =	vlt.u32 v55, v54  }
0x12f: {  	vm13 =	vmand vm13, vm14;
	vm14 =	vgt.f32 v28, v27  }
0x130: {  	vm13 =	vmor vm14, vm13  }
0x131: {  	v57 =	vor.u32 s0, v8;
	v27 =	vsel vm13, v28, v27;
	v56 =	vsel vm13, v55, v54  }
0x132: {  	vm13 =	veq.f32 v30, v27;
	vm14 =	vlt.s32 v57, v56  }
0x133: {  	vm13 =	vmand vm13, vm14;
	vm14 =	vgt.f32 v30, v27  }
0x134: {  	vm13 =	vmor vm14, vm13  }
0x135: {  	v27 =	vsel vm13, v30, v27  }
0x136: {  	(xrf0) =	vmax.scan.msk.f32 $0xffff, v27;
	_ =	sdelay $0x5  }
0x137: {  	v58, _, _ =	vpop (xrf0)  }
0x138: {  	v30 =	vbroadcast v58, $0xF  }
0x139: {  	v28 =	vsel vm13, v57, v56  }
0x13a: {  	v59 =	vxor.u32 $0x80000000, v28;
	vm13 =	veq.f32 v27, v30  }
0x13b: {  	v27 =	vnsel vm13, $0xC0000000, v59  }
0x13c: {  	(xrf0) =	vmin.scan.msk.u32 $0xffff, v27;
	_ =	sdelay $0x5  }
0x13d: {  	v27, _, _ =	vpop (xrf0)  }
0x13e: {  	(v2sf) =	vpush v27, $0xF;
	_ =	sdelay $0x5  }
0x13f: {  	v60 =	vmov s0  }
0x140: {  	vm13 =	veq.s32 v60, v0  }
0x141: {  	v27 =	vsel vm13, v30, v25  }
0x142: {  	(xrf0) =	vmax.scan.msk.f32 $0xffff, v27;
	_ =	sdelay $0x5  }
0x143: {  	v61, _, _ =	vpop (xrf0);
	s15 =	spop (v2sf)  }
0x144: {  	v25 =	vbroadcast v61, $0xF;
	s0 =	sxor.u32 $0x80000000, s15  }
0x145: {  	v26 =	vsel vm13, s0, v26  }
0x146: {  	vm13 =	veq.f32 v27, v25;
	v62 =	vxor.u32 $0x80000000, v26  }
0x147: {  	v28 =	vnsel vm13, $0xC0000000, v62  }
0x148: {  	(xrf0) =	vmin.scan.msk.u32 $0xffff, v28;
	_ =	sdelay $0x5  }
0x149: {  	v28, _, _ =	vpop (xrf0)  }
0x14a: {  	(v2sf) =	vpush v28, $0xF;
	_ =	sdelay $0xe  }
0x14b: {  	s16 =	spop (v2sf)  }
0x14c: {  	s22 =	sxor.u32 $0x80000000, s16  }
0x14d: {  	s0 =	sand.u32 $0xF, s16;
	s20 =	ssub.s32 s22, s4  }
0x14e: {  	v33 =	vor.u32 s0, v1;
	v63 =	vmov s20  }
0x14f: {  	v29 =	vand.u32 v15, v33;
	_ =	sdelay $0x1  }
0x150: {  	v34 =	vor.u32 s0, v3  }
0x151: {  	v30 =	vand.u32 v16, v34  }
0x152: {  	[tilespmem:v63+s24+$0x0] =	vst.idx.msk $0x1, v11  }
0x153: {  	v28 =	vld.idx.msk [tilespmem:v29+s24+$0x0], $0xffff  }
0x154: {  	v35 =	vor.u32 s0, v5  }
0x155: {  	v29 =	vand.u32 v17, v35  }
0x156: {  	v30 =	vld.idx.msk [tilespmem:v30+s24+$0x0], $0xffff;
	_ =	sdelay $0x1  }
0x157: {  	v36 =	vor.u32 s0, v6;
	vm13 =	veq.f32 v28, v28  }
0x158: {  	v37 =	vor.u32 s0, v2;
	v31 =	vand.u32 v18, v36;
	vm13 =	vmand vm13, vm0  }
0x159: {  	v33 =	vor.u32 s0, v4;
	v29 =	vld.idx.msk [tilespmem:v29+s24+$0x0], $0xffff;
	v28 =	vnsel vm13, $0xFF800000, v28;
	v32 =	vnsel vm13, $0x40000000, v37  }
0x15a: {  	vm13 =	veq.f32 v30, v28;
	vm14 =	vlt.u32 v33, v32  }
0x15b: {  	vm13 =	vmand vm13, vm14;
	vm14 =	vgt.f32 v30, v28  }
0x15c: {  	vm13 =	vmor vm14, vm13  }
0x15d: {  	v39 =	vor.u32 s0, v7;
	v31 =	vld.idx.msk [tilespmem:v31+s24+$0x0], $0xffff;
	v28 =	vsel vm13, v30, v28;
	v38 =	vsel vm13, v33, v32  }
0x15e: {  	vm13 =	veq.f32 v29, v28;
	vm14 =	vlt.u32 v39, v38  }
0x15f: {  	vm13 =	vmand vm13, vm14;
	vm14 =	vgt.f32 v29, v28  }
0x160: {  	vm13 =	vmor vm14, vm13  }
0x161: {  	v41 =	vor.u32 s0, v8;
	v28 =	vsel vm13, v29, v28;
	v40 =	vsel vm13, v39, v38  }
0x162: {  	vm13 =	veq.f32 v31, v28;
	vm14 =	vlt.s32 v41, v40  }
0x163: {  	vm13 =	vmand vm13, vm14;
	vm14 =	vgt.f32 v31, v28  }
0x164: {  	vm13 =	vmor vm14, vm13  }
0x165: {  	v28 =	vsel vm13, v31, v28  }
0x166: {  	(xrf0) =	vmax.scan.msk.f32 $0xffff, v28;
	_ =	sdelay $0x5  }
0x167: {  	v42, _, _ =	vpop (xrf0)  }
0x168: {  	v31 =	vbroadcast v42, $0xF  }
0x169: {  	v29 =	vsel vm13, v41, v40  }
0x16a: {  	v43 =	vxor.u32 $0x80000000, v29;
	vm13 =	veq.f32 v28, v31  }
0x16b: {  	v28 =	vnsel vm13, $0xC0000000, v43  }
0x16c: {  	(xrf0) =	vmin.scan.msk.u32 $0xffff, v28;
	_ =	sdelay $0x5  }
0x16d: {  	v28, _, _ =	vpop (xrf0)  }
0x16e: {  	(v2sf) =	vpush v28, $0xF;
	_ =	sdelay $0x5  }
0x16f: {  	v44 =	vmov s0  }
0x170: {  	vm13 =	veq.s32 v44, v0  }
0x171: {  	v27 =	vsel vm13, v31, v27  }
0x172: {  	(xrf0) =	vmax.scan.msk.f32 $0xffff, v27;
	_ =	sdelay $0x5  }
0x173: {  	v45, _, _ =	vpop (xrf0);
	s5 =	spop (v2sf)  }
0x174: {  	v28 =	vbroadcast v45, $0xF;
	s0 =	sxor.u32 $0x80000000, s5  }
0x175: {  	v26 =	vsel vm13, s0, v26  }
0x176: {  	vm13 =	veq.f32 v27, v28;
	v46 =	vxor.u32 $0x80000000, v26  }
0x177: {  	v29 =	vnsel vm13, $0xC0000000, v46  }
0x178: {  	(xrf0) =	vmin.scan.msk.u32 $0xffff, v29;
	_ =	sdelay $0x5  }
0x179: {  	v29, _, _ =	vpop (xrf0)  }
0x17a: {  	(v2sf) =	vpush v29, $0xF;
	_ =	sdelay $0xe  }
0x17b: {  	s6 =	spop (v2sf)  }
0x17c: {  	s8 =	sxor.u32 $0x80000000, s6  }
0x17d: {  	s0 =	sand.u32 $0xF, s6;
	s10 =	ssub.s32 s8, s4  }
0x17e: {  	v48 =	vor.u32 s0, v1;
	v47 =	vmov s10  }
0x17f: {  	v30 =	vand.u32 v15, v48;
	_ =	sdelay $0x1  }
0x180: {  	v49 =	vor.u32 s0, v3  }
0x181: {  	v31 =	vand.u32 v16, v49  }
0x182: {  	[tilespmem:v47+s24+$0x0] =	vst.idx.msk $0x1, v11  }
0x183: {  	v29 =	vld.idx.msk [tilespmem:v30+s24+$0x0], $0xffff  }
0x184: {  	v50 =	vor.u32 s0, v5  }
0x185: {  	v30 =	vand.u32 v17, v50  }
0x186: {  	v31 =	vld.idx.msk [tilespmem:v31+s24+$0x0], $0xffff;
	_ =	sdelay $0x1  }
0x187: {  	v51 =	vor.u32 s0, v6;
	vm13 =	veq.f32 v29, v29  }
0x188: {  	v52 =	vor.u32 s0, v2;
	v32 =	vand.u32 v18, v51;
	vm13 =	vmand vm13, vm0  }
0x189: {  	v34 =	vor.u32 s0, v4;
	v30 =	vld.idx.msk [tilespmem:v30+s24+$0x0], $0xffff;
	v29 =	vnsel vm13, $0xFF800000, v29;
	v33 =	vnsel vm13, $0x40000000, v52  }
0x18a: {  	vm13 =	veq.f32 v31, v29;
	vm14 =	vlt.u32 v34, v33  }
0x18b: {  	vm13 =	vmand vm13, vm14;
	vm14 =	vgt.f32 v31, v29  }
0x18c: {  	vm13 =	vmor vm14, vm13  }
0x18d: {  	v54 =	vor.u32 s0, v7;
	v32 =	vld.idx.msk [tilespmem:v32+s24+$0x0], $0xffff;
	v29 =	vsel vm13, v31, v29;
	v53 =	vsel vm13, v34, v33  }
0x18e: {  	vm13 =	veq.f32 v30, v29;
	vm14 =	vlt.u32 v54, v53  }
0x18f: {  	vm13 =	vmand vm13, vm14;
	vm14 =	vgt.f32 v30, v29  }
0x190: {  	vm13 =	vmor vm14, vm13  }
0x191: {  	v56 =	vor.u32 s0, v8;
	v29 =	vsel vm13, v30, v29;
	v55 =	vsel vm13, v54, v53  }
0x192: {  	vm13 =	veq.f32 v32, v29;
	vm14 =	vlt.s32 v56, v55  }
0x193: {  	vm13 =	vmand vm13, vm14;
	vm14 =	vgt.f32 v32, v29  }
0x194: {  	vm13 =	vmor vm14, vm13  }
0x195: {  	v29 =	vsel vm13, v32, v29  }
0x196: {  	(xrf0) =	vmax.scan.msk.f32 $0xffff, v29;
	_ =	sdelay $0x5  }
0x197: {  	v57, _, _ =	vpop (xrf0)  }
0x198: {  	v32 =	vbroadcast v57, $0xF  }
0x199: {  	v30 =	vsel vm13, v56, v55  }
0x19a: {  	v58 =	vxor.u32 $0x80000000, v30;
	vm13 =	veq.f32 v29, v32  }
0x19b: {  	v29 =	vnsel vm13, $0xC0000000, v58  }
0x19c: {  	(xrf0) =	vmin.scan.msk.u32 $0xffff, v29;
	_ =	sdelay $0x5  }
0x19d: {  	v29, _, _ =	vpop (xrf0)  }
0x19e: {  	(v2sf) =	vpush v29, $0xF;
	_ =	sdelay $0x5  }
0x19f: {  	v59 =	vmov s0  }
0x1a0: {  	vm13 =	veq.s32 v59, v0  }
0x1a1: {  	v27 =	vsel vm13, v32, v27  }
0x1a2: {  	(xrf0) =	vmax.scan.msk.f32 $0xffff, v27;
	_ =	sdelay $0x5  }
0x1a3: {  	v60, _, _ =	vpop (xrf0);
	s11 =	spop (v2sf)  }
0x1a4: {  	v29 =	vbroadcast v60, $0xF;
	s0 =	sxor.u32 $0x80000000, s11  }
0x1a5: {  	v26 =	vsel vm13, s0, v26  }
0x1a6: {  	vm13 =	veq.f32 v27, v29;
	v26 =	vxor.u32 $0x80000000, v26  }
0x1a7: {  	v26 =	vnsel vm13, $0xC0000000, v26  }
0x1a8: {  	(xrf0) =	vmin.scan.msk.u32 $0xffff, v26;
	_ =	sdelay $0x5  }
0x1a9: {  	v26, _, _ =	vpop (xrf0)  }
0x1aa: {  	(v2sf) =	vpush v26, $0xF;
	_ =	sdelay $0xe  }
0x1ab: {  	v20 =	vnsel vm1, $0xFF800000, v20;
	s15 =	spop (v2sf)  }
0x1ac: {  	v20 =	vsel vm2, v20, v21;
	v61 =	vmov s12;
	s0 =	sxor.u32 $0x80000000, s15  }
0x1ad: {  	v20 =	vsel vm3, v20, v22;
	v62 =	vnsel vm9, $0x0, v61;
	s16 =	ssub.s32 s0, s4  }
0x1ae: {  	v21 =	vsel vm10, s13, v62;
	vm13 =	vcmask $0xB08;
	v63 =	vmov s16  }
0x1af: {  	v20 =	vsel vm4, v20, v23;
	v21 =	vsel vm13, s17, v21;
	vm13 =	vcmask $0xF0C  }
0x1b0: {  	v20 =	vsel vm5, v20, v24;
	v21 =	vsel vm13, s18, v21;
	vm13 =	vcmask $0x1310  }
0x1b1: {  	v20 =	vsel vm6, v20, v25;
	v21 =	vsel vm13, s19, v21;
	vm13 =	vcmask $0x1714  }
0x1b2: {  	v20 =	vsel vm7, v20, v28;
	v21 =	vsel vm13, s22, v21;
	vm13 =	vcmask $0x1B18  }
0x1b3: {  	v20 =	vsel vm8, v20, v29;
	v21 =	vsel vm13, s8, v21;
	vm13 =	vcmask $0x1F1C;
	[tilespmem:v63+s24+$0x0] =	vst.idx.msk $0x1, v11  }
0x1b4: {  	v21 =	vsel vm13, s0, v21;
	[tilespmem:$0xB80] =	vst v20  }
0x1b5: {  	s20 =	rddreg [dreg:$0xc];
	[tilespmem:$0xC00] =	vst v21  }
0x1b6: {  	[spmem:s20] =	stream.linear.scatter [tilespmem:s25], [sflag:$0x1], $0x10, $0x38;
	[tilespmem:$0xE48] =	vst v63  }
0x1b7: {  	_ =	swait.ge [sflag:s23], $0x10  }
0x1b8: {  	[sflag:s23] =	ssyncset.done $0x0  }
0x1b9: {  	s22 =	rddreg [dreg:$0xd];
	[sflag:s23] =	ssyncadd.s32 $0xFFFFFFF0  }
0x1ba: {  	[spmem:s22] =	stream.linear.scatter [tilespmem:s26], [sflag:$0x1], $0x10, $0x38;
	[tilespmem:$0xE48] =	vst v63  }
.Ltmp1:
0x1bb: {  	_ =	swait.ge [sflag:s23], $0x10;
	(pc) =	sbr.rel @p2 .LBB2_37-.Ltmp1, $3  }
0x1bc: {  	[sflag:s23] =	ssyncset.done $0x0  }
0x1bd: {  	[sflag:s23] =	ssyncadd.s32 $0xFFFFFFF0  }
0x1be: {  	[bflag:$0x0] =	sbarrier.arrive $0xFFFF;
	_ =	sdelay $0x1  }
0x1bf: {  	s0 =	rddreg [dreg:$0xe]  }
0x1c0: {  	[tilespmem:s28], [sflag:$0x1] =	stream.linear.gather [spmem:s0], $0x80, $0x38;
	[tilespmem:$0xE48] =	vst v63  }
0x1c1: {  	_ =	swait.ge [sflag:s23], $0x80  }
0x1c2: {  	s20 =	simm.s32 $0x0;
	[sflag:s23] =	ssyncset.done $0x0  }
0x1c3: {  	v20 =	vor.u32 s20, v0;
	s5 =	rddreg [dreg:$0xf];
	[sflag:s23] =	ssyncadd.s32 $0xFFFFFF80  }
0x1c4: {  	[tilespmem:s29], [sflag:$0x1] =	stream.linear.gather [spmem:s5], $0x80, $0x38;
	[tilespmem:$0xE48] =	vst v63  }
0x1c5: {  	_ =	swait.ge [sflag:s23], $0x80  }
0x1c6: {  	[sflag:s23] =	ssyncset.done $0x0  }
0x1c7: {  	s22 =	simm.s32 $0x10;
	[sflag:s23] =	ssyncadd.s32 $0xFFFFFF80  }
0x1c8: {  	v25 =	vor.u32 s22, v0;
	v24 =	vld.idx.msk [tilespmem:v20+s28+$0x0], $0xffff  }
0x1c9: {  	v21 =	vld.idx.msk [tilespmem:v20+s29+$0x0], $0xffff;
	_ =	sdelay $0x3  }
0x1ca: {  	v22 =	vimm.f32 $-Inf;
	v23 =	vimm.s32 $0x40000000;
	s0 =	simm.s32 $0x20;
	v20 =	vld.idx.msk [tilespmem:v25+s28+$0x0], $0xffff  }
.LBB2_5:
0x1cb: {  	vm13 =	veq.f32 v24, v22;
	vm14 =	vlt.s32 v21, v23;
	v26 =	vmovc v21;
	v21 =	vld.idx.msk [tilespmem:v25+s29+$0x0], $0xffff;
	v25 =	vor.u32 s0, v0;
	p3 =	sne.s32 s0, $0x70  }
.Ltmp2:
0x1cc: {  	s0 =	sadd.s32 $0x10, s0;
	vm15 =	vgt.f32 v24, v22;
	vm13 =	vmand vm13, vm14;
	(pc) =	sbr.rel @p3 .LBB2_5-.Ltmp2, $3  }
0x1cd: {  	vm13 =	vmor vm15, vm13  }
0x1ce: {  	v22 =	vsel vm13, v24, v22;
	v23 =	vsel vm13, v26, v23;
	_ =	sdelay $0x1  }
0x1cf: {  	v24 =	vmov v20;
	v20 =	vld.idx.msk [tilespmem:v25+s28+$0x0], $0xffff  }
0x1d0: {  	_ =	sdelay $0x3  }
0x1d1: {  	v25 =	vld.idx.msk [tilespmem:v25+s29+$0x0], $0xffff  }
0x1d2: {  	vm13 =	veq.f32 v24, v22;
	vm14 =	vlt.s32 v21, v23  }
0x1d3: {  	vm15 =	vgt.f32 v24, v22;
	vm13 =	vmand vm13, vm14  }
0x1d4: {  	vm13 =	vmor vm15, vm13  }
0x1d5: {  	v22 =	vsel vm13, v24, v22;
	v21 =	vsel vm13, v21, v23  }
0x1d6: {  	vm13 =	veq.f32 v20, v22;
	vm14 =	vlt.s32 v25, v21  }
0x1d7: {  	vm15 =	vgt.f32 v20, v22;
	vm13 =	vmand vm13, vm14  }
0x1d8: {  	vm13 =	vmor vm15, vm13  }
0x1d9: {  	v20 =	vsel vm13, v20, v22  }
0x1da: {  	(xrf0) =	vmax.scan.msk.f32 $0xffff, v20;
	_ =	sdelay $0x5  }
0x1db: {  	v22, _, _ =	vpop (xrf0)  }
0x1dc: {  	v22 =	vbroadcast v22, $0xF  }
0x1dd: {  	v21 =	vsel vm13, v25, v21  }
0x1de: {  	vm13 =	veq.f32 v20, v22;
	v20 =	vxor.u32 $0x80000000, v21  }
0x1df: {  	v20 =	vnsel vm13, $0xC0000000, v20  }
0x1e0: {  	(xrf0) =	vmin.scan.msk.u32 $0xffff, v20;
	_ =	sdelay $0x5  }
0x1e1: {  	v20, _, _ =	vpop (xrf0)  }
0x1e2: {  	(v2sf) =	vpush v20, $0xF;
	_ =	sdelay $0xe  }
0x1e3: {  	s0 =	spop (v2sf)  }
0x1e4: {  	s0 =	sxor.u32 $0x80000000, s0  }
0x1e5: {  	s6 =	simm.s32 $0x0;
	v20 =	vmov s0;
	s0 =	simm.s32 $0x0  }
.LBB2_7:
0x1e6: {  	v23 =	vor.u32 s6, v0;
	_ =	sdelay $0x4  }
0x1e7: {  	v21 =	vld.idx.msk [tilespmem:v23+s28+$0x0], $0xffff  }
0x1e8: {  	v24 =	vld.idx.msk [tilespmem:v23+s29+$0x0], $0xffff;
	_ =	sdelay $0x4  }
0x1e9: {  	vm13 =	veq.f32 v21, v22;
	vm14 =	veq.s32 v24, v20  }
0x1ea: {  	vm13 =	vmand vm13, vm14  }
0x1eb: {  	p3 =	sne.s32 s6, $0x70  }
.Ltmp3:
0x1ec: {  	_ = 	snop;
	(pc) =	sbr.rel @p3 .LBB2_7-.Ltmp3, $3  }
0x1ed: {  	_ =	sdelay $0x1  }
0x1ee: {  	v21 =	vimm.f32 $-Inf  }
0x1ef: {  	s6 =	sadd.s32 $0x10, s6;
	[tilespmem:v23+s28+$0x0] =	vst.idx.msk vm13, v21  }
0x1f0: {  	v22 =	vor.u32 s0, v0;
	_ =	sdelay $0x3  }
0x1f1: {  	s22 =	simm.s32 $0x10  }
0x1f2: {  	v26 =	vor.u32 s22, v0;
	v25 =	vld.idx.msk [tilespmem:v22+s28+$0x0], $0xffff  }
0x1f3: {  	v23 =	vld.idx.msk [tilespmem:v22+s29+$0x0], $0xffff;
	_ =	sdelay $0x3  }
0x1f4: {  	v24 =	vimm.s32 $0x40000000;
	s0 =	simm.s32 $0x20;
	v22 =	vld.idx.msk [tilespmem:v26+s28+$0x0], $0xffff  }
.LBB2_9:
0x1f5: {  	vm13 =	veq.f32 v25, v21;
	vm14 =	vlt.s32 v23, v24;
	v27 =	vmovc v23;
	v23 =	vld.idx.msk [tilespmem:v26+s29+$0x0], $0xffff;
	v26 =	vor.u32 s0, v0;
	p3 =	sne.s32 s0, $0x70  }
.Ltmp4:
0x1f6: {  	s0 =	sadd.s32 $0x10, s0;
	vm15 =	vgt.f32 v25, v21;
	vm13 =	vmand vm13, vm14;
	(pc) =	sbr.rel @p3 .LBB2_9-.Ltmp4, $3  }
0x1f7: {  	vm13 =	vmor vm15, vm13  }
0x1f8: {  	v21 =	vsel vm13, v25, v21;
	v24 =	vsel vm13, v27, v24;
	_ =	sdelay $0x1  }
0x1f9: {  	v25 =	vmov v22;
	v22 =	vld.idx.msk [tilespmem:v26+s28+$0x0], $0xffff  }
0x1fa: {  	_ =	sdelay $0x3  }
0x1fb: {  	v26 =	vld.idx.msk [tilespmem:v26+s29+$0x0], $0xffff  }
0x1fc: {  	vm13 =	veq.f32 v25, v21;
	vm14 =	vlt.s32 v23, v24  }
0x1fd: {  	vm15 =	vgt.f32 v25, v21;
	vm13 =	vmand vm13, vm14  }
0x1fe: {  	vm13 =	vmor vm15, vm13  }
0x1ff: {  	v21 =	vsel vm13, v25, v21;
	v63 =	vsel vm13, v23, v24  }
0x200: {  	vm13 =	veq.f32 v22, v21;
	vm14 =	vlt.s32 v26, v63  }
0x201: {  	vm15 =	vgt.f32 v22, v21;
	vm13 =	vmand vm13, vm14  }
0x202: {  	vm13 =	vmor vm15, vm13  }
0x203: {  	v21 =	vsel vm13, v22, v21  }
0x204: {  	(xrf0) =	vmax.scan.msk.f32 $0xffff, v21;
	_ =	sdelay $0x5  }
0x205: {  	v22, _, _ =	vpop (xrf0)  }
0x206: {  	v23 =	vbroadcast v22, $0xF  }
0x207: {  	v22 =	vsel vm13, v26, v63  }
0x208: {  	vm13 =	veq.f32 v21, v23;
	v21 =	vxor.u32 $0x80000000, v22  }
0x209: {  	v21 =	vnsel vm13, $0xC0000000, v21  }
0x20a: {  	(xrf0) =	vmin.scan.msk.u32 $0xffff, v21;
	_ =	sdelay $0x5  }
0x20b: {  	v21, _, _ =	vpop (xrf0)  }
0x20c: {  	(v2sf) =	vpush v21, $0xF;
	_ =	sdelay $0xe  }
0x20d: {  	s0 =	spop (v2sf)  }
0x20e: {  	s0 =	sxor.u32 $0x80000000, s0  }
0x20f: {  	s6 =	simm.s32 $0x0;
	v21 =	vmov s0;
	s0 =	simm.s32 $0x0  }
.LBB2_11:
0x210: {  	v24 =	vor.u32 s6, v0;
	_ =	sdelay $0x4  }
0x211: {  	v22 =	vld.idx.msk [tilespmem:v24+s28+$0x0], $0xffff  }
0x212: {  	v25 =	vld.idx.msk [tilespmem:v24+s29+$0x0], $0xffff;
	_ =	sdelay $0x4  }
0x213: {  	vm13 =	veq.f32 v22, v23;
	vm14 =	veq.s32 v25, v21  }
0x214: {  	vm13 =	vmand vm13, vm14  }
0x215: {  	p3 =	sne.s32 s6, $0x70  }
.Ltmp5:
0x216: {  	_ = 	snop;
	(pc) =	sbr.rel @p3 .LBB2_11-.Ltmp5, $3  }
0x217: {  	_ =	sdelay $0x1  }
0x218: {  	v22 =	vimm.f32 $-Inf  }
0x219: {  	s6 =	sadd.s32 $0x10, s6;
	[tilespmem:v24+s28+$0x0] =	vst.idx.msk vm13, v22  }
0x21a: {  	v23 =	vor.u32 s0, v0;
	_ =	sdelay $0x3  }
0x21b: {  	s22 =	simm.s32 $0x10  }
0x21c: {  	v27 =	vor.u32 s22, v0;
	v26 =	vld.idx.msk [tilespmem:v23+s28+$0x0], $0xffff  }
0x21d: {  	v24 =	vld.idx.msk [tilespmem:v23+s29+$0x0], $0xffff;
	_ =	sdelay $0x3  }
0x21e: {  	v25 =	vimm.s32 $0x40000000;
	s0 =	simm.s32 $0x20;
	v23 =	vld.idx.msk [tilespmem:v27+s28+$0x0], $0xffff  }
.LBB2_13:
0x21f: {  	vm13 =	veq.f32 v26, v22;
	vm14 =	vlt.s32 v24, v25;
	v28 =	vmovc v24;
	v24 =	vld.idx.msk [tilespmem:v27+s29+$0x0], $0xffff;
	v27 =	vor.u32 s0, v0;
	p3 =	sne.s32 s0, $0x70  }
.Ltmp6:
0x220: {  	s0 =	sadd.s32 $0x10, s0;
	vm15 =	vgt.f32 v26, v22;
	vm13 =	vmand vm13, vm14;
	(pc) =	sbr.rel @p3 .LBB2_13-.Ltmp6, $3  }
0x221: {  	vm13 =	vmor vm15, vm13  }
0x222: {  	v22 =	vsel vm13, v26, v22;
	v25 =	vsel vm13, v28, v25;
	_ =	sdelay $0x1  }
0x223: {  	v26 =	vmov v23;
	v23 =	vld.idx.msk [tilespmem:v27+s28+$0x0], $0xffff  }
0x224: {  	_ =	sdelay $0x3  }
0x225: {  	v27 =	vld.idx.msk [tilespmem:v27+s29+$0x0], $0xffff  }
0x226: {  	vm13 =	veq.f32 v26, v22;
	vm14 =	vlt.s32 v24, v25  }
0x227: {  	vm15 =	vgt.f32 v26, v22;
	vm13 =	vmand vm13, vm14  }
0x228: {  	vm13 =	vmor vm15, vm13  }
0x229: {  	v22 =	vsel vm13, v26, v22;
	v25 =	vsel vm13, v24, v25  }
0x22a: {  	vm13 =	veq.f32 v23, v22;
	vm14 =	vlt.s32 v27, v25  }
0x22b: {  	vm15 =	vgt.f32 v23, v22;
	vm13 =	vmand vm13, vm14  }
0x22c: {  	vm13 =	vmor vm15, vm13  }
0x22d: {  	v22 =	vsel vm13, v23, v22  }
0x22e: {  	(xrf0) =	vmax.scan.msk.f32 $0xffff, v22;
	_ =	sdelay $0x5  }
0x22f: {  	v23, _, _ =	vpop (xrf0)  }
0x230: {  	v24 =	vbroadcast v23, $0xF  }
0x231: {  	v23 =	vsel vm13, v27, v25  }
0x232: {  	vm13 =	veq.f32 v22, v24;
	v22 =	vxor.u32 $0x80000000, v23  }
0x233: {  	v22 =	vnsel vm13, $0xC0000000, v22  }
0x234: {  	(xrf0) =	vmin.scan.msk.u32 $0xffff, v22;
	_ =	sdelay $0x5  }
0x235: {  	v22, _, _ =	vpop (xrf0)  }
0x236: {  	(v2sf) =	vpush v22, $0xF;
	_ =	sdelay $0xe  }
0x237: {  	s0 =	spop (v2sf)  }
0x238: {  	s0 =	sxor.u32 $0x80000000, s0  }
0x239: {  	s6 =	simm.s32 $0x0;
	v22 =	vmov s0;
	s0 =	simm.s32 $0x0  }
.LBB2_15:
0x23a: {  	v25 =	vor.u32 s6, v0;
	_ =	sdelay $0x4  }
0x23b: {  	v23 =	vld.idx.msk [tilespmem:v25+s28+$0x0], $0xffff  }
0x23c: {  	v26 =	vld.idx.msk [tilespmem:v25+s29+$0x0], $0xffff;
	_ =	sdelay $0x4  }
0x23d: {  	vm13 =	veq.f32 v23, v24;
	vm14 =	veq.s32 v26, v22  }
0x23e: {  	vm13 =	vmand vm13, vm14  }
0x23f: {  	p3 =	sne.s32 s6, $0x70  }
.Ltmp7:
0x240: {  	_ = 	snop;
	(pc) =	sbr.rel @p3 .LBB2_15-.Ltmp7, $3  }
0x241: {  	_ =	sdelay $0x1  }
0x242: {  	v23 =	vimm.f32 $-Inf  }
0x243: {  	s6 =	sadd.s32 $0x10, s6;
	[tilespmem:v25+s28+$0x0] =	vst.idx.msk vm13, v23  }
0x244: {  	v24 =	vor.u32 s0, v0;
	_ =	sdelay $0x3  }
0x245: {  	s22 =	simm.s32 $0x10  }
0x246: {  	v28 =	vor.u32 s22, v0;
	v27 =	vld.idx.msk [tilespmem:v24+s28+$0x0], $0xffff  }
0x247: {  	v25 =	vld.idx.msk [tilespmem:v24+s29+$0x0], $0xffff;
	_ =	sdelay $0x3  }
0x248: {  	v26 =	vimm.s32 $0x40000000;
	s0 =	simm.s32 $0x20;
	v24 =	vld.idx.msk [tilespmem:v28+s28+$0x0], $0xffff  }
.LBB2_17:
0x249: {  	vm13 =	veq.f32 v27, v23;
	vm14 =	vlt.s32 v25, v26;
	v29 =	vmovc v25;
	v25 =	vld.idx.msk [tilespmem:v28+s29+$0x0], $0xffff;
	v28 =	vor.u32 s0, v0;
	p3 =	sne.s32 s0, $0x70  }
.Ltmp8:
0x24a: {  	s0 =	sadd.s32 $0x10, s0;
	vm15 =	vgt.f32 v27, v23;
	vm13 =	vmand vm13, vm14;
	(pc) =	sbr.rel @p3 .LBB2_17-.Ltmp8, $3  }
0x24b: {  	vm13 =	vmor vm15, vm13  }
0x24c: {  	v23 =	vsel vm13, v27, v23;
	v26 =	vsel vm13, v29, v26;
	_ =	sdelay $0x1  }
0x24d: {  	v27 =	vmov v24;
	v24 =	vld.idx.msk [tilespmem:v28+s28+$0x0], $0xffff  }
0x24e: {  	_ =	sdelay $0x3  }
0x24f: {  	v28 =	vld.idx.msk [tilespmem:v28+s29+$0x0], $0xffff  }
0x250: {  	vm13 =	veq.f32 v27, v23;
	vm14 =	vlt.s32 v25, v26  }
0x251: {  	vm15 =	vgt.f32 v27, v23;
	vm13 =	vmand vm13, vm14  }
0x252: {  	vm13 =	vmor vm15, vm13  }
0x253: {  	v23 =	vsel vm13, v27, v23;
	v26 =	vsel vm13, v25, v26  }
0x254: {  	vm13 =	veq.f32 v24, v23;
	vm14 =	vlt.s32 v28, v26  }
0x255: {  	vm15 =	vgt.f32 v24, v23;
	vm13 =	vmand vm13, vm14  }
0x256: {  	vm13 =	vmor vm15, vm13  }
0x257: {  	v23 =	vsel vm13, v24, v23  }
0x258: {  	(xrf0) =	vmax.scan.msk.f32 $0xffff, v23;
	_ =	sdelay $0x5  }
0x259: {  	v24, _, _ =	vpop (xrf0)  }
0x25a: {  	v25 =	vbroadcast v24, $0xF  }
0x25b: {  	v24 =	vsel vm13, v28, v26  }
0x25c: {  	vm13 =	veq.f32 v23, v25;
	v23 =	vxor.u32 $0x80000000, v24  }
0x25d: {  	v23 =	vnsel vm13, $0xC0000000, v23  }
0x25e: {  	(xrf0) =	vmin.scan.msk.u32 $0xffff, v23;
	_ =	sdelay $0x5  }
0x25f: {  	v23, _, _ =	vpop (xrf0)  }
0x260: {  	(v2sf) =	vpush v23, $0xF;
	_ =	sdelay $0xe  }
0x261: {  	s0 =	spop (v2sf)  }
0x262: {  	s0 =	sxor.u32 $0x80000000, s0  }
0x263: {  	s6 =	simm.s32 $0x0;
	v23 =	vmov s0;
	s0 =	simm.s32 $0x0  }
.LBB2_19:
0x264: {  	v26 =	vor.u32 s6, v0;
	_ =	sdelay $0x4  }
0x265: {  	v24 =	vld.idx.msk [tilespmem:v26+s28+$0x0], $0xffff  }
0x266: {  	v27 =	vld.idx.msk [tilespmem:v26+s29+$0x0], $0xffff;
	_ =	sdelay $0x4  }
0x267: {  	vm13 =	veq.f32 v24, v25;
	vm14 =	veq.s32 v27, v23  }
0x268: {  	vm13 =	vmand vm13, vm14  }
0x269: {  	p3 =	sne.s32 s6, $0x70  }
.Ltmp9:
0x26a: {  	_ = 	snop;
	(pc) =	sbr.rel @p3 .LBB2_19-.Ltmp9, $3  }
0x26b: {  	_ =	sdelay $0x1  }
0x26c: {  	v24 =	vimm.f32 $-Inf  }
0x26d: {  	s6 =	sadd.s32 $0x10, s6;
	[tilespmem:v26+s28+$0x0] =	vst.idx.msk vm13, v24  }
0x26e: {  	v25 =	vor.u32 s0, v0;
	_ =	sdelay $0x3  }
0x26f: {  	s22 =	simm.s32 $0x10  }
0x270: {  	v29 =	vor.u32 s22, v0;
	v28 =	vld.idx.msk [tilespmem:v25+s28+$0x0], $0xffff  }
0x271: {  	v26 =	vld.idx.msk [tilespmem:v25+s29+$0x0], $0xffff;
	_ =	sdelay $0x3  }
0x272: {  	v27 =	vimm.s32 $0x40000000;
	s0 =	simm.s32 $0x20;
	v25 =	vld.idx.msk [tilespmem:v29+s28+$0x0], $0xffff  }
.LBB2_21:
0x273: {  	vm13 =	veq.f32 v28, v24;
	vm14 =	vlt.s32 v26, v27;
	v30 =	vmovc v26;
	v26 =	vld.idx.msk [tilespmem:v29+s29+$0x0], $0xffff;
	v29 =	vor.u32 s0, v0;
	p3 =	sne.s32 s0, $0x70  }
.Ltmp10:
0x274: {  	s0 =	sadd.s32 $0x10, s0;
	vm15 =	vgt.f32 v28, v24;
	vm13 =	vmand vm13, vm14;
	(pc) =	sbr.rel @p3 .LBB2_21-.Ltmp10, $3  }
0x275: {  	vm13 =	vmor vm15, vm13  }
0x276: {  	v24 =	vsel vm13, v28, v24;
	v27 =	vsel vm13, v30, v27;
	_ =	sdelay $0x1  }
0x277: {  	v28 =	vmov v25;
	v25 =	vld.idx.msk [tilespmem:v29+s28+$0x0], $0xffff  }
0x278: {  	_ =	sdelay $0x3  }
0x279: {  	v29 =	vld.idx.msk [tilespmem:v29+s29+$0x0], $0xffff  }
0x27a: {  	vm13 =	veq.f32 v28, v24;
	vm14 =	vlt.s32 v26, v27  }
0x27b: {  	vm15 =	vgt.f32 v28, v24;
	vm13 =	vmand vm13, vm14  }
0x27c: {  	vm13 =	vmor vm15, vm13  }
0x27d: {  	v24 =	vsel vm13, v28, v24;
	v27 =	vsel vm13, v26, v27  }
0x27e: {  	vm13 =	veq.f32 v25, v24;
	vm14 =	vlt.s32 v29, v27  }
0x27f: {  	vm15 =	vgt.f32 v25, v24;
	vm13 =	vmand vm13, vm14  }
0x280: {  	vm13 =	vmor vm15, vm13  }
0x281: {  	v24 =	vsel vm13, v25, v24  }
0x282: {  	(xrf0) =	vmax.scan.msk.f32 $0xffff, v24;
	_ =	sdelay $0x5  }
0x283: {  	v25, _, _ =	vpop (xrf0)  }
0x284: {  	v26 =	vbroadcast v25, $0xF  }
0x285: {  	v25 =	vsel vm13, v29, v27  }
0x286: {  	vm13 =	veq.f32 v24, v26;
	v24 =	vxor.u32 $0x80000000, v25  }
0x287: {  	v24 =	vnsel vm13, $0xC0000000, v24  }
0x288: {  	(xrf0) =	vmin.scan.msk.u32 $0xffff, v24;
	_ =	sdelay $0x5  }
0x289: {  	v24, _, _ =	vpop (xrf0)  }
0x28a: {  	(v2sf) =	vpush v24, $0xF;
	_ =	sdelay $0xe  }
0x28b: {  	s0 =	spop (v2sf)  }
0x28c: {  	s0 =	sxor.u32 $0x80000000, s0  }
0x28d: {  	s6 =	simm.s32 $0x0;
	v24 =	vmov s0;
	s0 =	simm.s32 $0x0  }
.LBB2_23:
0x28e: {  	v27 =	vor.u32 s6, v0;
	_ =	sdelay $0x4  }
0x28f: {  	v25 =	vld.idx.msk [tilespmem:v27+s28+$0x0], $0xffff  }
0x290: {  	v28 =	vld.idx.msk [tilespmem:v27+s29+$0x0], $0xffff;
	_ =	sdelay $0x4  }
0x291: {  	vm13 =	veq.f32 v25, v26;
	vm14 =	veq.s32 v28, v24  }
0x292: {  	vm13 =	vmand vm13, vm14  }
0x293: {  	p3 =	sne.s32 s6, $0x70  }
.Ltmp11:
0x294: {  	_ = 	snop;
	(pc) =	sbr.rel @p3 .LBB2_23-.Ltmp11, $3  }
0x295: {  	_ =	sdelay $0x1  }
0x296: {  	v25 =	vimm.f32 $-Inf  }
0x297: {  	s6 =	sadd.s32 $0x10, s6;
	[tilespmem:v27+s28+$0x0] =	vst.idx.msk vm13, v25  }
0x298: {  	v26 =	vor.u32 s0, v0;
	_ =	sdelay $0x3  }
0x299: {  	s22 =	simm.s32 $0x10  }
0x29a: {  	v30 =	vor.u32 s22, v0;
	v29 =	vld.idx.msk [tilespmem:v26+s28+$0x0], $0xffff  }
0x29b: {  	v27 =	vld.idx.msk [tilespmem:v26+s29+$0x0], $0xffff;
	_ =	sdelay $0x3  }
0x29c: {  	v28 =	vimm.s32 $0x40000000;
	s0 =	simm.s32 $0x20;
	v26 =	vld.idx.msk [tilespmem:v30+s28+$0x0], $0xffff  }
.LBB2_25:
0x29d: {  	vm13 =	veq.f32 v29, v25;
	vm14 =	vlt.s32 v27, v28;
	v31 =	vmovc v27;
	v27 =	vld.idx.msk [tilespmem:v30+s29+$0x0], $0xffff;
	v30 =	vor.u32 s0, v0;
	p3 =	sne.s32 s0, $0x70  }
.Ltmp12:
0x29e: {  	s0 =	sadd.s32 $0x10, s0;
	vm15 =	vgt.f32 v29, v25;
	vm13 =	vmand vm13, vm14;
	(pc) =	sbr.rel @p3 .LBB2_25-.Ltmp12, $3  }
0x29f: {  	vm13 =	vmor vm15, vm13  }
0x2a0: {  	v25 =	vsel vm13, v29, v25;
	v28 =	vsel vm13, v31, v28;
	_ =	sdelay $0x1  }
0x2a1: {  	v29 =	vmov v26;
	v26 =	vld.idx.msk [tilespmem:v30+s28+$0x0], $0xffff  }
0x2a2: {  	_ =	sdelay $0x3  }
0x2a3: {  	v30 =	vld.idx.msk [tilespmem:v30+s29+$0x0], $0xffff  }
0x2a4: {  	vm13 =	veq.f32 v29, v25;
	vm14 =	vlt.s32 v27, v28  }
0x2a5: {  	vm15 =	vgt.f32 v29, v25;
	vm13 =	vmand vm13, vm14  }
0x2a6: {  	vm13 =	vmor vm15, vm13  }
0x2a7: {  	v25 =	vsel vm13, v29, v25;
	v28 =	vsel vm13, v27, v28  }
0x2a8: {  	vm13 =	veq.f32 v26, v25;
	vm14 =	vlt.s32 v30, v28  }
0x2a9: {  	vm15 =	vgt.f32 v26, v25;
	vm13 =	vmand vm13, vm14  }
0x2aa: {  	vm13 =	vmor vm15, vm13  }
0x2ab: {  	v25 =	vsel vm13, v26, v25  }
0x2ac: {  	(xrf0) =	vmax.scan.msk.f32 $0xffff, v25;
	_ =	sdelay $0x5  }
0x2ad: {  	v26, _, _ =	vpop (xrf0)  }
0x2ae: {  	v27 =	vbroadcast v26, $0xF  }
0x2af: {  	v26 =	vsel vm13, v30, v28  }
0x2b0: {  	vm13 =	veq.f32 v25, v27;
	v25 =	vxor.u32 $0x80000000, v26  }
0x2b1: {  	v25 =	vnsel vm13, $0xC0000000, v25  }
0x2b2: {  	(xrf0) =	vmin.scan.msk.u32 $0xffff, v25;
	_ =	sdelay $0x5  }
0x2b3: {  	v25, _, _ =	vpop (xrf0)  }
0x2b4: {  	(v2sf) =	vpush v25, $0xF;
	_ =	sdelay $0xe  }
0x2b5: {  	s0 =	spop (v2sf)  }
0x2b6: {  	s0 =	sxor.u32 $0x80000000, s0  }
0x2b7: {  	s6 =	simm.s32 $0x0;
	v25 =	vmov s0;
	s0 =	simm.s32 $0x0  }
.LBB2_27:
0x2b8: {  	v28 =	vor.u32 s6, v0;
	_ =	sdelay $0x4  }
0x2b9: {  	v26 =	vld.idx.msk [tilespmem:v28+s28+$0x0], $0xffff  }
0x2ba: {  	v29 =	vld.idx.msk [tilespmem:v28+s29+$0x0], $0xffff;
	_ =	sdelay $0x4  }
0x2bb: {  	vm13 =	veq.f32 v26, v27;
	vm14 =	veq.s32 v29, v25  }
0x2bc: {  	vm13 =	vmand vm13, vm14  }
0x2bd: {  	p3 =	sne.s32 s6, $0x70  }
.Ltmp13:
0x2be: {  	_ = 	snop;
	(pc) =	sbr.rel @p3 .LBB2_27-.Ltmp13, $3  }
0x2bf: {  	_ =	sdelay $0x1  }
0x2c0: {  	v26 =	vimm.f32 $-Inf  }
0x2c1: {  	s6 =	sadd.s32 $0x10, s6;
	[tilespmem:v28+s28+$0x0] =	vst.idx.msk vm13, v26  }
0x2c2: {  	v27 =	vor.u32 s0, v0;
	_ =	sdelay $0x3  }
0x2c3: {  	s22 =	simm.s32 $0x10  }
0x2c4: {  	v31 =	vor.u32 s22, v0;
	v30 =	vld.idx.msk [tilespmem:v27+s28+$0x0], $0xffff  }
0x2c5: {  	v28 =	vld.idx.msk [tilespmem:v27+s29+$0x0], $0xffff;
	_ =	sdelay $0x3  }
0x2c6: {  	v29 =	vimm.s32 $0x40000000;
	s0 =	simm.s32 $0x20;
	v27 =	vld.idx.msk [tilespmem:v31+s28+$0x0], $0xffff  }
.LBB2_29:
0x2c7: {  	vm13 =	veq.f32 v30, v26;
	vm14 =	vlt.s32 v28, v29;
	v32 =	vmovc v28;
	v28 =	vld.idx.msk [tilespmem:v31+s29+$0x0], $0xffff;
	v31 =	vor.u32 s0, v0;
	p3 =	sne.s32 s0, $0x70  }
.Ltmp14:
0x2c8: {  	s0 =	sadd.s32 $0x10, s0;
	vm15 =	vgt.f32 v30, v26;
	vm13 =	vmand vm13, vm14;
	(pc) =	sbr.rel @p3 .LBB2_29-.Ltmp14, $3  }
0x2c9: {  	vm13 =	vmor vm15, vm13  }
0x2ca: {  	v26 =	vsel vm13, v30, v26;
	v29 =	vsel vm13, v32, v29;
	_ =	sdelay $0x1  }
0x2cb: {  	v30 =	vmov v27;
	v27 =	vld.idx.msk [tilespmem:v31+s28+$0x0], $0xffff  }
0x2cc: {  	_ =	sdelay $0x3  }
0x2cd: {  	v31 =	vld.idx.msk [tilespmem:v31+s29+$0x0], $0xffff  }
0x2ce: {  	vm13 =	veq.f32 v30, v26;
	vm14 =	vlt.s32 v28, v29  }
0x2cf: {  	vm15 =	vgt.f32 v30, v26;
	vm13 =	vmand vm13, vm14  }
0x2d0: {  	vm13 =	vmor vm15, vm13  }
0x2d1: {  	v26 =	vsel vm13, v30, v26;
	v29 =	vsel vm13, v28, v29  }
0x2d2: {  	vm13 =	veq.f32 v27, v26;
	vm14 =	vlt.s32 v31, v29  }
0x2d3: {  	vm15 =	vgt.f32 v27, v26;
	vm13 =	vmand vm13, vm14  }
0x2d4: {  	vm13 =	vmor vm15, vm13  }
0x2d5: {  	v26 =	vsel vm13, v27, v26  }
0x2d6: {  	(xrf0) =	vmax.scan.msk.f32 $0xffff, v26;
	_ =	sdelay $0x5  }
0x2d7: {  	v27, _, _ =	vpop (xrf0)  }
0x2d8: {  	v28 =	vbroadcast v27, $0xF  }
0x2d9: {  	v27 =	vsel vm13, v31, v29  }
0x2da: {  	vm13 =	veq.f32 v26, v28;
	v26 =	vxor.u32 $0x80000000, v27  }
0x2db: {  	v26 =	vnsel vm13, $0xC0000000, v26  }
0x2dc: {  	(xrf0) =	vmin.scan.msk.u32 $0xffff, v26;
	_ =	sdelay $0x5  }
0x2dd: {  	v26, _, _ =	vpop (xrf0)  }
0x2de: {  	(v2sf) =	vpush v26, $0xF;
	_ =	sdelay $0xe  }
0x2df: {  	s0 =	spop (v2sf)  }
0x2e0: {  	s0 =	sxor.u32 $0x80000000, s0  }
0x2e1: {  	s6 =	simm.s32 $0x0;
	v26 =	vmov s0;
	s0 =	simm.s32 $0x0  }
.LBB2_31:
0x2e2: {  	v29 =	vor.u32 s6, v0;
	_ =	sdelay $0x4  }
0x2e3: {  	v27 =	vld.idx.msk [tilespmem:v29+s28+$0x0], $0xffff  }
0x2e4: {  	v30 =	vld.idx.msk [tilespmem:v29+s29+$0x0], $0xffff;
	_ =	sdelay $0x4  }
0x2e5: {  	vm13 =	veq.f32 v27, v28;
	vm14 =	veq.s32 v30, v26  }
0x2e6: {  	vm13 =	vmand vm13, vm14  }
0x2e7: {  	p3 =	sne.s32 s6, $0x70  }
.Ltmp15:
0x2e8: {  	_ = 	snop;
	(pc) =	sbr.rel @p3 .LBB2_31-.Ltmp15, $3  }
0x2e9: {  	_ =	sdelay $0x1  }
0x2ea: {  	v27 =	vimm.f32 $-Inf  }
0x2eb: {  	s6 =	sadd.s32 $0x10, s6;
	[tilespmem:v29+s28+$0x0] =	vst.idx.msk vm13, v27  }
0x2ec: {  	v28 =	vor.u32 s0, v0;
	_ =	sdelay $0x3  }
0x2ed: {  	s22 =	simm.s32 $0x10  }
0x2ee: {  	v32 =	vor.u32 s22, v0;
	v31 =	vld.idx.msk [tilespmem:v28+s28+$0x0], $0xffff  }
0x2ef: {  	v29 =	vld.idx.msk [tilespmem:v28+s29+$0x0], $0xffff;
	_ =	sdelay $0x3  }
0x2f0: {  	v30 =	vimm.s32 $0x40000000;
	s0 =	simm.s32 $0x20;
	v28 =	vld.idx.msk [tilespmem:v32+s28+$0x0], $0xffff  }
.LBB2_33:
0x2f1: {  	vm13 =	veq.f32 v31, v27;
	vm14 =	vlt.s32 v29, v30;
	v33 =	vmovc v29;
	v29 =	vld.idx.msk [tilespmem:v32+s29+$0x0], $0xffff;
	v32 =	vor.u32 s0, v0;
	p3 =	sne.s32 s0, $0x70  }
.Ltmp16:
0x2f2: {  	s0 =	sadd.s32 $0x10, s0;
	vm15 =	vgt.f32 v31, v27;
	vm13 =	vmand vm13, vm14;
	(pc) =	sbr.rel @p3 .LBB2_33-.Ltmp16, $3  }
0x2f3: {  	vm13 =	vmor vm15, vm13  }
0x2f4: {  	v27 =	vsel vm13, v31, v27;
	v30 =	vsel vm13, v33, v30;
	_ =	sdelay $0x1  }
0x2f5: {  	v31 =	vmov v28;
	v28 =	vld.idx.msk [tilespmem:v32+s28+$0x0], $0xffff  }
0x2f6: {  	_ =	sdelay $0x3  }
0x2f7: {  	v32 =	vld.idx.msk [tilespmem:v32+s29+$0x0], $0xffff  }
0x2f8: {  	vm13 =	veq.f32 v31, v27;
	vm14 =	vlt.s32 v29, v30  }
0x2f9: {  	vm15 =	vgt.f32 v31, v27;
	vm13 =	vmand vm13, vm14  }
0x2fa: {  	vm13 =	vmor vm15, vm13  }
0x2fb: {  	v27 =	vsel vm13, v31, v27;
	v29 =	vsel vm13, v29, v30  }
0x2fc: {  	vm13 =	veq.f32 v28, v27;
	vm14 =	vlt.s32 v32, v29  }
0x2fd: {  	vm15 =	vgt.f32 v28, v27;
	vm13 =	vmand vm13, vm14  }
0x2fe: {  	vm13 =	vmor vm15, vm13  }
0x2ff: {  	v28 =	vsel vm13, v28, v27  }
0x300: {  	(xrf0) =	vmax.scan.msk.f32 $0xffff, v28;
	_ =	sdelay $0x5  }
0x301: {  	v27, _, _ =	vpop (xrf0)  }
0x302: {  	v27 =	vbroadcast v27, $0xF  }
0x303: {  	v29 =	vsel vm13, v32, v29  }
0x304: {  	vm13 =	veq.f32 v28, v27;
	v28 =	vxor.u32 $0x80000000, v29  }
0x305: {  	v28 =	vnsel vm13, $0xC0000000, v28  }
0x306: {  	(xrf0) =	vmin.scan.msk.u32 $0xffff, v28;
	_ =	sdelay $0x5  }
0x307: {  	v28, _, _ =	vpop (xrf0)  }
0x308: {  	(v2sf) =	vpush v28, $0xF;
	_ =	sdelay $0x5  }
0x309: {  	s0 =	simm.s32 $0x0  }
0x30a: {  	v29 =	vor.u32 s0, v0;
	_ =	sdelay $0x4  }
0x30b: {  	v30 =	vld.idx.msk [tilespmem:v29+s28+$0x0], $0xffff  }
0x30c: {  	v31 =	vld.idx.msk [tilespmem:v29+s29+$0x0], $0xffff;
	_ =	sdelay $0x1  }
0x30d: {  	s20 =	spop (v2sf)  }
0x30e: {  	s0 =	sxor.u32 $0x80000000, s20  }
0x30f: {  	v28 =	vmov s0  }
0x310: {  	vm13 =	veq.f32 v30, v27;
	vm14 =	veq.s32 v31, v28  }
0x311: {  	vm13 =	vmand vm13, vm14;
	_ =	sdelay $0x1  }
0x312: {  	s22 =	simm.s32 $0x10  }
0x313: {  	v30 =	vor.u32 s22, v0;
	s0 =	simm.s32 $0x20  }
.LBB2_35:
0x314: {  	p3 =	sne.s32 s0, $0x70;
	_ =	sdelay $0x1  }
0x315: {  	[tilespmem:v29+s28+$0x0] =	vst.idx.msk vm13, v11;
	v29 =	vmov v30  }
0x316: {  	v31 =	vld.idx.msk [tilespmem:v30+s28+$0x0], $0xffff  }
0x317: {  	v30 =	vld.idx.msk [tilespmem:v30+s29+$0x0], $0xffff;
	_ =	sdelay $0x5  }
.Ltmp17:
0x318: {  	vm13 =	veq.f32 v31, v27;
	vm14 =	veq.s32 v30, v28;
	(pc) =	sbr.rel @p3 .LBB2_35-.Ltmp17, $3  }
0x319: {  	vm13 =	vmand vm13, vm14;
	_ =	sdelay $0x1  }
0x31a: {  	v30 =	vor.u32 s0, v0  }
0x31b: {  	s0 =	sadd.s32 $0x10, s0  }
0x31c: {  	_ =	sdelay $0x4  }
0x31d: {  	[tilespmem:v29+s28+$0x0] =	vst.idx.msk vm13, v11  }
0x31e: {  	v29 =	vld.idx.msk [tilespmem:v30+s28+$0x0], $0xffff  }
0x31f: {  	v31 =	vld.idx.msk [tilespmem:v30+s29+$0x0], $0xffff;
	_ =	sdelay $0x4  }
0x320: {  	v20 =	vnsel vm9, $0x0, v20;
	vm13 =	veq.f32 v29, v27;
	vm14 =	veq.s32 v31, v28  }
0x321: {  	v20 =	vsel vm2, v20, v21;
	vm13 =	vmand vm13, vm14  }
0x322: {  	v20 =	vsel vm3, v20, v22  }
0x323: {  	v20 =	vsel vm4, v20, v23  }
0x324: {  	v20 =	vsel vm5, v20, v24  }
0x325: {  	v20 =	vsel vm6, v20, v25  }
0x326: {  	v20 =	vsel vm7, v20, v26  }
0x327: {  	v20 =	vsel vm8, v20, v28;
	[tilespmem:v30+s28+$0x0] =	vst.idx.msk vm13, v11  }
0x328: {  	[tilespmem:$0xC00] =	vst v20  }
0x329: {  	[spmem:s14] =	stream.linear.scatter [tilespmem:s26], [sflag:$0x1], $0x10, $0x38;
	[tilespmem:$0xE48] =	vst v63  }
0x32a: {  	_ =	swait.ge [sflag:s23], $0x10  }
0x32b: {  	[sflag:s23] =	ssyncset.done $0x0  }
0x32c: {  	[sflag:s23] =	ssyncadd.s32 $0xFFFFFFF0  }
.LBB2_37:
0x32d: {  	[bflag:$0x0] =	sbarrier.arrive $0xFFFF  }
0x32e: {  	[tilespmem:s26], [sflag:$0x1] =	stream.linear.gather [spmem:s14], $0x10, $0x38;
	[tilespmem:$0xE48] =	vst v63  }
0x32f: {  	_ =	swait.ge [sflag:s23], $0x10  }
0x330: {  	[sflag:s23] =	ssyncset.done $0x0  }
0x331: {  	[sflag:s23] =	ssyncadd.s32 $0xFFFFFFF0  }
0x332: {  	v20 =	vld [tilespmem:$0xC00];
	_ =	sdelay $0x4  }
0x333: {  	vm13 =	veq.s32 v9, v0;
	v21 =	vxor.u32 $0x80000000, v20  }
0x334: {  	v21 =	vnsel vm13, $0x1, v21  }
0x335: {  	(xrf0) =	vmax.scan.msk.u32 $0xffff, v21;
	_ =	sdelay $0x5  }
0x336: {  	v21, _, _ =	vpop (xrf0)  }
0x337: {  	(v2sf) =	vpush v21, $0xF;
	_ =	sdelay $0xe  }
0x338: {  	s0 =	spop (v2sf)  }
0x339: {  	s0 =	sadd.s32 $0x7FFFFF80, s0  }
0x33a: {  	p3 =	sgt.s32 s0, $0x0;
	s6 =	smov.u32 s0  }
0x33b: {  	s6 =	simm.s32 @!p3 $0x0  }
0x33c: {  	s6 =	sand.u32 $0x7FFFFFF8, s6  }
0x33d: {  	s5 =	rddreg [dreg:$0x8];
	s6 =	smin.u32 s6, $0x1EF0  }
0x33e: {  	s9 =	sor.u32 s5, s6  }
0x33f: {  	s19 =	rddreg [dreg:$0x0];
	s17 =	sadd.s32 $0x0, s0;
	s9 =	sshrl.u32 s9, $0x3  }
0x340: {  	s13 =	simm.s32 $0x0;
	v21 =	vadd.s32 s17, v0;
	s12 =	sadd.s32 s19, s9  }
0x341: {  	vm13 =	vgt.s32 v21, $0x0;
	[tilespmem:s30], [sflag:$0x1] =	stream.linear.gather [hbm4b:s12+s13], $0x110, $0x38;
	[tilespmem:$0xE48] =	vst v63  }
0x342: {  	v21 =	vnsel vm13, $0x0, v21;
	_ =	swait.ge [sflag:s23], $0x110  }
0x343: {  	v26 =	vmov s6;
	v21 =	vmin.u32 v21, $0x1FFF;
	[sflag:s23] =	ssyncset.done $0x0;
	s20 =	rddreg [dreg:$0x9]  }
0x344: {  	s22 =	sadd.s32 $0x10, s0;
	v24 =	vsub.s32 v21, v26;
	[sflag:s23] =	ssyncadd.s32 $0xFFFFFEF0;
	s9 =	sadd.s32 s20, s9  }
0x345: {  	[tilespmem:s31], [sflag:$0x1] =	stream.linear.gather [hbm4b:s9+s13], $0x110, $0x38;
	[tilespmem:$0xE48] =	vst v63  }
0x346: {  	v21 =	vadd.s32 s22, v0;
	_ =	swait.ge [sflag:s23], $0x110  }
0x347: {  	vm13 =	vgt.s32 v21, $0x0;
	[sflag:s23] =	ssyncset.done $0x0  }
0x348: {  	v21 =	vnsel vm13, $0x0, v21;
	[sflag:s23] =	ssyncadd.s32 $0xFFFFFEF0  }
0x349: {  	v23 =	vmin.u32 v21, $0x1FFF;
	v22 =	vld.idx.msk [tilespmem:v24+s31+$0x0], $0xffff  }
0x34a: {  	v21 =	vimm.f32 $0.0e+00;
	v23 =	vsub.s32 v23, v26;
	s9 =	simm.s32 $0x20;
	v25 =	vld.idx.msk [tilespmem:v24+s30+$0x0], $0xffff;
	v24 =	vimm.f32 $0.0e+00  }
.LBB2_38:
0x34b: {  	s6 =	sadd.s32 s9, s0;
	p3 =	sne.s32 s9, $0xF0;
	s9 =	sadd.s32 $0x10, s9  }
.Ltmp18:
0x34c: {  	v27 =	vadd.s32 s6, v0;
	(pc) =	sbr.rel @p3 .LBB2_38-.Ltmp18, $4  }
0x34d: {  	vm13 =	vgt.s32 v27, $0x0  }
0x34e: {  	v27 =	vnsel vm13, $0x0, v27  }
0x34f: {  	v21 =	vadd.f32 v22, v21;
	v27 =	vmin.u32 v27, $0x1FFF;
	v22 =	vld.idx.msk [tilespmem:v23+s31+$0x0], $0xffff  }
0x350: {  	v24 =	vadd.f32 v25, v24;
	v25 =	vld.idx.msk [tilespmem:v23+s30+$0x0], $0xffff;
	v23 =	vsub.s32 v27, v26  }
0x351: {  	v26 =	vnsel vm1, $0x80000001, v20  }
0x352: {  	vm13 =	vcmask $0x308;
	v26 =	vxor.u32 $0x80000000, v26  }
0x353: {  	v27 =	vsel vm13, $0x80000001, v20;
	vm13 =	vcmask $0x70C;
	(xrf0) =	vmax.scan.msk.u32 $0xffff, v26  }
0x354: {  	v48 =	vxor.u32 $0x80000000, v27;
	v49 =	vsel vm13, $0x80000001, v20;
	vm13 =	vcmask $0xB10  }
0x355: {  	(xrf0) =	vmax.scan.msk.u32 $0xffff, v48;
	v50 =	vxor.u32 $0x80000000, v49;
	v51 =	vsel vm13, $0x80000001, v20;
	vm13 =	vcmask $0xF14  }
0x356: {  	(xrf0) =	vmax.scan.msk.u32 $0xffff, v50;
	v52 =	vxor.u32 $0x80000000, v51;
	v53 =	vsel vm13, $0x80000001, v20  }
0x357: {  	v55 =	vsel vm11, $0x80000001, v20;
	(xrf0) =	vmax.scan.msk.u32 $0xffff, v52;
	v54 =	vxor.u32 $0x80000000, v53  }
0x358: {  	v57 =	vsel vm12, $0x80000001, v20;
	v56 =	vxor.u32 $0x80000000, v55;
	v20 =	vsel vm8, $0x80000001, v20;
	(xrf0) =	vmax.scan.msk.u32 $0xffff, v54  }
0x359: {  	v58 =	vxor.u32 $0x80000000, v57;
	v20 =	vxor.u32 $0x80000000, v20;
	(xrf0) =	vmax.scan.msk.u32 $0xffff, v56;
	v59, _, _ =	vpop (xrf0)  }
0x35a: {  	(xrf0) =	vmax.scan.msk.u32 $0xffff, v58;
	(v2sf) =	vpush v59, $0xF  }
0x35b: {  	v60, _, _ =	vpop (xrf0);
	(xrf0) =	vmax.scan.msk.u32 $0xffff, v20  }
0x35c: {  	v20, _, _ =	vpop (xrf0);
	(v2sf) =	vpush v60, $0xF  }
0x35d: {  	v61, _, _ =	vpop (xrf0);
	(v2sf) =	vpush v20, $0xF  }
0x35e: {  	v20, _, _ =	vpop (xrf0);
	(v2sf) =	vpush v61, $0xF  }
0x35f: {  	v62, _, _ =	vpop (xrf0);
	(v2sf) =	vpush v20, $0xF  }
0x360: {  	v20, _, _ =	vpop (xrf0);
	(v2sf) =	vpush v62, $0xF  }
0x361: {  	(v2sf) =	vpush v20, $0xF;
	v20, _, _ =	vpop (xrf0)  }
0x362: {  	(v2sf) =	vpush v20, $0xF;
	v20 =	vld.idx.msk [tilespmem:v23+s30+$0x0], $0xffff;
	_ =	sdelay $0x2  }
0x363: {  	v24 =	vadd.f32 v25, v24;
	_ =	sdelay $0x1  }
0x364: {  	v20 =	vadd.f32 v20, v24;
	_ =	sdelay $0x1  }
0x365: {  	v63 =	vld.idx.msk [tilespmem:v23+s31+$0x0], $0xffff;
	s5 =	rddreg [dreg:$0x10];
	[tilespmem:$0xB80] =	vst v20;
	s0 =	spop (v2sf)  }
0x366: {  	[spmem:s5] =	stream.linear.scatter [tilespmem:s25], [sflag:$0x1], $0x10, $0x38;
	[tilespmem:$0xE48] =	vst v63  }
0x367: {  	s9 =	spop (v2sf)  }
0x368: {  	s22 =	spop (v2sf)  }
0x369: {  	s19 =	spop (v2sf)  }
0x36a: {  	s18 =	spop (v2sf)  }
0x36b: {  	s17 =	spop (v2sf)  }
0x36c: {  	s13 =	spop (v2sf)  }
0x36d: {  	v20 =	vadd.f32 v22, v21;
	s12 =	spop (v2sf)  }
0x36e: {  	_ =	swait.ge [sflag:s23], $0x10  }
0x36f: {  	v20 =	vadd.f32 v63, v20;
	[sflag:s23] =	ssyncset.done $0x0  }
0x370: {  	[sflag:s23] =	ssyncadd.s32 $0xFFFFFFF0  }
0x371: {  	s20 =	rddreg [dreg:$0x11];
	[tilespmem:$0xB80] =	vst v20  }
0x372: {  	[spmem:s20] =	stream.linear.scatter [tilespmem:s25], [sflag:$0x1], $0x10, $0x38;
	[tilespmem:$0xE48] =	vst v63  }
.Ltmp19:
0x373: {  	_ =	swait.ge [sflag:s23], $0x10;
	(pc) =	sbr.rel @p2 .LBB2_43-.Ltmp19, $3  }
0x374: {  	[sflag:s23] =	ssyncset.done $0x0  }
0x375: {  	[sflag:s23] =	ssyncadd.s32 $0xFFFFFFF0  }
0x376: {  	[bflag:$0x0] =	sbarrier.arrive $0xFFFF;
	_ =	sdelay $0x1  }
0x377: {  	s5 =	rddreg [dreg:$0x12]  }
0x378: {  	[tilespmem:s28], [sflag:$0x1] =	stream.linear.gather [spmem:s5], $0x80, $0x38;
	[tilespmem:$0xE48] =	vst v63  }
0x379: {  	_ =	swait.ge [sflag:s23], $0x80  }
0x37a: {  	s6 =	simm.s32 $0x0;
	[sflag:s23] =	ssyncset.done $0x0  }
0x37b: {  	v22 =	vor.u32 s6, v0;
	s16 =	rddreg [dreg:$0x13];
	[sflag:s23] =	ssyncadd.s32 $0xFFFFFF80  }
0x37c: {  	[tilespmem:s1], [sflag:$0x1] =	stream.linear.gather [spmem:s16], $0x80, $0x38;
	[tilespmem:$0xE48] =	vst v63  }
0x37d: {  	_ =	swait.ge [sflag:s23], $0x80  }
0x37e: {  	[sflag:s23] =	ssyncset.done $0x0  }
0x37f: {  	s20 =	simm.s32 $0x10;
	[sflag:s23] =	ssyncadd.s32 $0xFFFFFF80  }
0x380: {  	v21 =	vor.u32 s20, v0;
	v23 =	vld.idx.msk [tilespmem:v22+s1+$0x0], $0xffff  }
0x381: {  	v22 =	vld.idx.msk [tilespmem:v22+s28+$0x0], $0xffff;
	_ =	sdelay $0x2  }
0x382: {  	v20 =	vimm.f32 $0.0e+00  }
0x383: {  	s6 =	simm.s32 $0x20;
	v24 =	vld.idx.msk [tilespmem:v21+s1+$0x0], $0xffff;
	v23 =	vadd.f32 v23, v20  }
.LBB2_41:
0x384: {  	p3 =	sne.s32 s6, $0x70;
	v20 =	vadd.f32 v22, v20;
	v22 =	vld.idx.msk [tilespmem:v21+s28+$0x0], $0xffff;
	v21 =	vor.u32 s6, v0;
	s6 =	sadd.s32 $0x10, s6  }
.Ltmp20:
0x385: {  	(pc) =	sbr.rel @p3 .LBB2_41-.Ltmp20, $2  }
0x386: {  	_ =	sdelay $0x2  }
0x387: {  	v23 =	vadd.f32 v24, v23;
	v24 =	vld.idx.msk [tilespmem:v21+s1+$0x0], $0xffff  }
0x388: {  	_ =	sdelay $0x3  }
0x389: {  	v21 =	vld.idx.msk [tilespmem:v21+s28+$0x0], $0xffff;
	_ =	sdelay $0x2  }
0x38a: {  	v20 =	vadd.f32 v22, v20;
	_ =	sdelay $0x1  }
0x38b: {  	v20 =	vadd.f32 v21, v20  }
0x38c: {  	v63 =	vadd.f32 v24, v23  }
0x38d: {  	(xrf2) =	vadd.scan.msk.f32 $0xffff, v20  }
0x38e: {  	(xrf2) =	vadd.scan.msk.f32 $0xffff, v63;
	_ =	sdelay $0x8  }
0x38f: {  	v20, _, _ =	vpop (xrf2)  }
0x390: {  	v21, _, _ =	vpop (xrf2)  }
0x391: {  	v21 =	vbroadcast v21, $0xF  }
0x392: {  	v20 =	vbroadcast v20, $0xF  }
0x393: {  	vm13 =	vcmask $0x3F04;
	v21 =	vnsel vm10, $0x0, v21  }
0x394: {  	v20 =	vsel vm13, v21, v20  }
0x395: {  	s5 =	rddreg [dreg:$0x14];
	[tilespmem:$0xB80] =	vst v20  }
0x396: {  	[hbm4b:s5+s3] =	stream.linear.scatter [tilespmem:s25], [sflag:$0x1], $0x80, $0x38;
	[tilespmem:$0xE48] =	vst v63  }
0x397: {  	_ =	swait.ge [sflag:s23], $0x80  }
0x398: {  	[sflag:s23] =	ssyncset.done $0x0  }
0x399: {  	[sflag:s23] =	ssyncadd.s32 $0xFFFFFF80  }
.LBB2_43:
0x39a: {  	s6 =	sadd.s32 $0x7FFFFF80, s0;
	s0 =	sadd.s32 $0x8000007F, s0;
	s8 =	sadd.s32 $0x7FFFFF80, s9  }
0x39b: {  	s9 =	sadd.s32 $0x8000007F, s9;
	s10 =	sadd.s32 $0x7FFFFF80, s22;
	s22 =	sadd.s32 $0x8000007F, s22  }
0x39c: {  	s11 =	sadd.s32 $0x7FFFFF80, s19;
	s19 =	sadd.s32 $0x8000007F, s19;
	s15 =	sadd.s32 $0x7FFFFF80, s18  }
0x39d: {  	s18 =	sadd.s32 $0x8000007F, s18;
	s16 =	sadd.s32 $0x7FFFFF80, s17;
	s17 =	sadd.s32 $0x8000007F, s17  }
0x39e: {  	s5 =	sadd.s32 $0x7FFFFF80, s13;
	s13 =	sadd.s32 $0x8000007F, s13;
	p3 =	sgt.s32 s6, $0x0  }
0x39f: {  	p4 =	slt.s32 s0, $0x1FFF;
	s6 =	simm.s32 @!p3 $0x0;
	p3 =	sgt.s32 s8, $0x0  }
0x3a0: {  	s0 =	simm.s32 @!p4 $0x1FFF;
	p4 =	slt.s32 s9, $0x1FFF;
	s8 =	simm.s32 @!p3 $0x0  }
0x3a1: {  	s0 =	ssub.s32 s0, s6;
	s9 =	simm.s32 @!p4 $0x1FFF;
	p3 =	sgt.s32 s10, $0x0  }
0x3a2: {  	s0 =	sadd.s32 $0x1, s0;
	s10 =	simm.s32 @!p3 $0x0;
	p3 =	slt.s32 s22, $0x1FFF  }
0x3a3: {  	s9 =	ssub.s32 s9, s8;
	s22 =	simm.s32 @!p3 $0x1FFF;
	p3 =	sgt.s32 s11, $0x0  }
0x3a4: {  	s9 =	sadd.s32 $0x1, s9;
	s11 =	simm.s32 @!p3 $0x0;
	p3 =	slt.s32 s19, $0x1FFF  }
0x3a5: {  	s22 =	ssub.s32 s22, s10;
	s19 =	simm.s32 @!p3 $0x1FFF;
	p3 =	sgt.s32 s15, $0x0  }
0x3a6: {  	v20 =	vmov s6;
	s15 =	simm.s32 @!p3 $0x0;
	p3 =	slt.s32 s18, $0x1FFF;
	s19 =	ssub.s32 s19, s11  }
0x3a7: {  	v23 =	vmov s8;
	v21 =	vmov s0;
	v35 =	vmov s10;
	s22 =	sadd.s32 $0x1, s22;
	s18 =	simm.s32 @!p3 $0x1FFF;
	s19 =	sadd.s32 $0x1, s19  }
0x3a8: {  	v22 =	vmov s9;
	v25 =	vmov s11;
	p3 =	sgt.s32 s16, $0x0;
	s18 =	ssub.s32 s18, s15;
	v27 =	vmov s19;
	s19 =	simm.s32 $0x0  }
0x3a9: {  	v24 =	vmov s22;
	v28 =	vmov s15;
	s16 =	simm.s32 @!p3 $0x0;
	p3 =	slt.s32 s17, $0x1FFF;
	s18 =	sadd.s32 $0x1, s18;
	v36 =	vor.u32 s19, v10  }
0x3aa: {  	s20 =	sadd.s32 $0x7FFFFF80, s12;
	s17 =	simm.s32 @!p3 $0x1FFF;
	p3 =	sgt.s32 s5, $0x0;
	v31 =	vmov s16;
	v26 =	vmov s18;
	v37 =	vsub.s32 v36, v20  }
0x3ab: {  	s6 =	sadd.s32 $0x8000007F, s12;
	s5 =	simm.s32 @!p3 $0x0;
	s12 =	ssub.s32 s17, s16;
	v38 =	vsub.s32 v36, v23;
	v39 =	vsub.s32 v36, v35;
	v60 =	vsub.s32 v36, v25  }
0x3ac: {  	p3 =	slt.s32 s13, $0x1FFF;
	v61 =	vsub.s32 v36, v28;
	v62 =	vsub.s32 v36, v31;
	s0 =	sadd.s32 $0x1, s12;
	v30 =	vmov s5  }
0x3ad: {  	s13 =	simm.s32 @!p3 $0x1FFF;
	p3 =	sgt.s32 s20, $0x0;
	vm13 =	vlt.u32 v37, v21;
	vm14 =	vlt.u32 v38, v22;
	v29 =	vmov s0  }
0x3ae: {  	s20 =	simm.s32 @!p3 $0x0;
	p3 =	slt.s32 s6, $0x1FFF;
	s17 =	ssub.s32 s13, s5;
	vm13 =	vmor vm13, vm14;
	vm14 =	vlt.u32 v39, v24;
	v63 =	vsub.s32 v36, v30  }
0x3af: {  	s6 =	simm.s32 @!p3 $0x1FFF;
	s8 =	sadd.s32 $0x1, s17;
	v33 =	vmov s20;
	vm13 =	vmor vm14, vm13;
	vm14 =	vlt.u32 v60, v27  }
0x3b0: {  	s6 =	ssub.s32 s6, s20;
	v32 =	vmov s8;
	vm13 =	vmor vm14, vm13;
	vm14 =	vlt.u32 v61, v26  }
0x3b1: {  	v36 =	vsub.s32 v36, v33;
	s22 =	sadd.s32 $0x1, s6;
	vm13 =	vmor vm14, vm13;
	vm14 =	vlt.u32 v62, v29  }
0x3b2: {  	v34 =	vmov s22;
	vm13 =	vmor vm14, vm13;
	vm14 =	vlt.u32 v63, v32  }
0x3b3: {  	vm13 =	vmor vm14, vm13;
	vm14 =	vlt.u32 v36, v34;
	v36 =	vor.u32 s19, v0  }
0x3b4: {  	s0 =	simm.s32 $0x10  }
0x3b5: {  	v37 =	vor.u32 s0, v10  }
0x3b6: {  	s9 =	simm.s32 $0x20;
	v38 =	vsub.s32 v37, v35;
	vm13 =	vmor vm14, vm13  }
.LBB2_44:
0x3b7: {  	p3 =	sne.s32 s9, $0x3F0;
	v39 =	vsub.s32 v37, v20;
	v40 =	vsub.s32 v37, v23;
	v41 =	vsel vm13, $0x3F800000, v19  }
0x3b8: {  	vm13 =	vlt.u32 v39, v21;
	vm14 =	vlt.u32 v40, v22;
	[tilespmem:v36+s24+$0x0] =	vst.idx.msk $0xffff, v41;
	v36 =	vor.u32 s0, v0;
	s0 =	smov.u32 s9  }
0x3b9: {  	vm13 =	vmor vm13, vm14;
	vm14 =	vlt.u32 v38, v24;
	v38 =	vsub.s32 v37, v25  }
0x3ba: {  	vm13 =	vmor vm14, vm13;
	vm14 =	vlt.u32 v38, v27;
	v38 =	vsub.s32 v37, v28  }
.Ltmp21:
0x3bb: {  	vm13 =	vmor vm14, vm13;
	vm14 =	vlt.u32 v38, v26;
	v38 =	vsub.s32 v37, v31;
	(pc) =	sbr.rel @p3 .LBB2_44-.Ltmp21, $4  }
0x3bc: {  	vm13 =	vmor vm14, vm13;
	vm14 =	vlt.u32 v38, v29;
	v38 =	vsub.s32 v37, v30  }
0x3bd: {  	vm13 =	vmor vm14, vm13;
	vm14 =	vlt.u32 v38, v32;
	v38 =	vsub.s32 v37, v33  }
0x3be: {  	v37 =	vor.u32 s9, v10;
	vm13 =	vmor vm14, vm13;
	vm14 =	vlt.u32 v38, v34  }
0x3bf: {  	s9 =	sadd.s32 $0x10, s9;
	v38 =	vsub.s32 v37, v35;
	vm13 =	vmor vm14, vm13  }
0x3c0: {  	v20 =	vsub.s32 v37, v20;
	v23 =	vsub.s32 v37, v23  }
0x3c1: {  	v35 =	vor.u32 s0, v0;
	vm14 =	vlt.u32 v20, v21;
	vm15 =	vlt.u32 v23, v22  }
0x3c2: {  	v20 =	vsub.s32 v37, v25;
	vm14 =	vmor vm14, vm15;
	vm15 =	vlt.u32 v38, v24  }
0x3c3: {  	vm14 =	vmor vm15, vm14;
	vm15 =	vlt.u32 v20, v27;
	v20 =	vsub.s32 v37, v28  }
0x3c4: {  	vm14 =	vmor vm15, vm14;
	vm15 =	vlt.u32 v20, v26;
	v20 =	vsub.s32 v37, v31  }
0x3c5: {  	vm14 =	vmor vm15, vm14;
	vm15 =	vlt.u32 v20, v29;
	v20 =	vsub.s32 v37, v30  }
0x3c6: {  	vm14 =	vmor vm15, vm14;
	vm15 =	vlt.u32 v20, v32;
	v20 =	vsub.s32 v37, v33  }
0x3c7: {  	vm14 =	vmor vm15, vm14;
	vm15 =	vlt.u32 v20, v34  }
0x3c8: {  	s2 =	sadd.s32 $0x1, s2;
	v20 =	vsel vm13, $0x3F800000, v19;
	vm13 =	vmor vm15, vm14  }
0x3c9: {  	p3 =	sne.s32 s2, s21;
	[tilespmem:v36+s24+$0x0] =	vst.idx.msk $0xffff, v20;
	v20 =	vsel vm13, $0x3F800000, v19  }
.Ltmp22:
0x3ca: {  	s22 =	rddreg [dreg:$0x15];
	[tilespmem:v35+s24+$0x0] =	vst.idx.msk $0xffff, v20;
	(pc) =	sbr.rel @p3 .LBB2_1-.Ltmp22, $4  }
0x3cb: {  	[hbm4b:s22+s3] =	stream.linear.scatter [tilespmem:s24], [sflag:$0x1], $0x400, $0x38;
	[tilespmem:$0xE48] =	vst v63  }
0x3cc: {  	_ =	swait.ge [sflag:s23], $0x400  }
0x3cd: {  	[sflag:s23] =	ssyncset.done $0x0  }
0x3ce: {  	[sflag:s23] =	ssyncadd.s32 $0xFFFFFC00  }
0x3cf: {  	_ =	sfence.sel $0x180000  }
0x3d0: {  	[bflag:$0x0] =	sbarrier.arrive $0xFFFF  }
0x3d1: {  	_ =	strace $0x90000047  }
0x3d2: {  	s0 =	stileid.u32;
	[bflag:$0x2] =	sbarrier.arrive $0xFFFF  }
0x3d3: {  	p0 =	sne.s32 s0, $0x0;
	s0 =	rddreg [dreg:$0x7]  }
0x3d4: {  	s0 =	sadd.s32 @!p0 $0x100000, s0  }
0x3d5: {  	[sflag:s0] =	ssyncadd.tile.s32 @!p0 $0x1;
	_ =	shalt  }
.Lfunc_end2:
_tile_overlayer_lowered:
.L_overlay_start_2:
0x3d6: {  	(tag) =	ssettag $0x2  }
0x3d7: {  	s0 =	rddreg [dreg:$0x0];
	s2 =	stileid.u32  }
0x3d8: {  	s1 =	rddreg [dreg:$0x1];
	p0 =	sne.s32 s2, $0x0  }
0x3d9: {  	s3 =	rddreg [dreg:$0x2];
	[bflag:$0x3] =	sbarrier.arrive $0xFFFF;
	s2 =	simm.s32 @!p0 $0x1C01  }
0x3da: {  	[timem:s3], [sflag:s2] =	dma.local @!p0 [hbm:s0], s1  }
0x3db: {  	s0 =	simm.s32 @!p0 $0x1  }
0x3dc: {  	_ =	swait.ge @!p0 [sflag:s0], s1  }
0x3dd: {  	s1 =	ssub.s32 @!p0 $0x0, s1;
	[sflag:s0] =	ssyncset.done @!p0 $0x0  }
0x3de: {  	[sflag:s0] =	ssyncadd.s32 @!p0 s1  }
0x3df: {  	[bflag:$0x3] =	sbarrier.arrive $0xFFFF  }
0x3e0: {  	_ =	shalt  }

</sc_bundles>
